<compile_context>
chip_gen: v7x
topology: tpu7x:2x2x1
jax: 0.10.2.dev20260603
libtpu: 0.0.44.dev20260713+nightly
codegen_flags: <defaults>
</compile_context>

<pallas_src>
import functools

import jax
import jax.numpy as jnp
from jax import lax
from jax.experimental import pallas as pl
from jax.experimental.pallas import tpu as pltpu
from jax.experimental.pallas import tpu_sc as plsc

_NC = 2
_NS = 16
_L = 16
_NW = _NC * _NS


def _transpose(x):
    return jax.lax.transpose(x, (1, 0))


def _pack_pairs(lo, hi):
    lo16 = lax.bitcast_convert_type(lo.astype(jnp.bfloat16), jnp.uint16)
    hi16 = lax.bitcast_convert_type(hi.astype(jnp.bfloat16), jnp.uint16)
    w = (hi16.astype(jnp.uint32) << 16) | lo16.astype(jnp.uint32)
    return lax.bitcast_convert_type(w, jnp.int32)


def _tables_tc_body(q_ref, c_ref, k_ref, lm_ref, ptab_ref, aux_ref, ltab_ref):
    n_kf = q_ref.shape[0]
    for h in range(n_kf // 128):
        qt = _transpose(q_ref[pl.ds(128 * h, 128), :])
        ct = _transpose(c_ref[pl.ds(128 * h, 128), :])
        x = qt[0:1, :]
        y = qt[1:2, :]
        z = qt[2:3, :]
        n = jnp.maximum(jnp.sqrt(x * x + y * y + z * z), 1e-8)
        sn = jnp.sin(n) / n
        qx = x * sn
        qy = y * sn
        qz = z * sn
        qw = jnp.cos(n)
        qn = jnp.maximum(
            jnp.sqrt(qw * qw + qx * qx + qy * qy + qz * qz), 1e-12)
        qw = qw / qn
        qx = qx / qn
        qy = qy / qn
        qz = qz / qn
        tx, ty, tz = 2.0 * qx, 2.0 * qy, 2.0 * qz
        twx, twy, twz = tx * qw, ty * qw, tz * qw
        txx, txy, txz = tx * qx, ty * qx, tz * qx
        tyy, tyz = ty * qy, tz * qy
        tzz = tz * qz
        one = jnp.ones_like(qw)
        m00 = one - (tyy + tzz)
        m01 = txy - twz
        m02 = txz + twy
        m10 = txy + twz
        m11 = one - (txx + tzz)
        m12 = tyz - twx
        m20 = txz - twy
        m21 = tyz + twx
        m22 = one - (txx + tyy)
        los = jnp.concatenate(
            [m00, m02, m11, m20, m22, ct[1:2, :]], axis=0)
        his = jnp.concatenate(
            [m01, m10, m12, m21, ct[0:1, :], ct[2:3, :]], axis=0)
        words = _pack_pairs(los, his)
        ptab_ref[pl.ds(8 * h, 8), :] = jnp.concatenate(
            [words, jnp.zeros((2, 128), jnp.int32)], axis=0)

    n_mp = lm_ref.shape[0]
    for h in range(n_mp // 128):
        lt = _transpose(lm_ref[pl.ds(128 * h, 128), :])
        los = jnp.concatenate([lt[0:1, :], lt[2:3, :]], axis=0)
        his = jnp.concatenate([lt[1:2, :], jnp.zeros((1, 128),
                                                     jnp.float32)], axis=0)
        ltab_ref[pl.ds(2 * h, 2), :] = _pack_pairs(los, his)

    km = k_ref[:]
    aux_ref[:] = jnp.concatenate(
        [
            jnp.broadcast_to(km[0:1, 0:1], (1, 128)),
            jnp.broadcast_to(km[1:2, 1:2], (1, 128)),
            jnp.broadcast_to(km[0:1, 2:3], (1, 128)),
            jnp.broadcast_to(km[1:2, 2:3], (1, 128)),
            jnp.zeros((4, 128), jnp.float32),
        ],
        axis=0,
    )


def _make_tables(quats_log, camera_position, k_mat, landmarks):
    n_kf = quats_log.shape[0]
    n_mp = landmarks.shape[0]
    return pl.pallas_call(
        _tables_tc_body,
        out_shape=(
            jax.ShapeDtypeStruct((n_kf // 16, 128), jnp.int32),
            jax.ShapeDtypeStruct((8, 128), jnp.float32),
            jax.ShapeDtypeStruct((n_mp // 64, 128), jnp.int32),
        ),
    )(quats_log, camera_position, k_mat, landmarks)


def _make_sc_project(m_obs, n_kf, n_mp):
    chunk = m_obs // _NW
    steps = chunk // _L
    mesh = plsc.VectorSubcoreMesh(core_axis_name="c", subcore_axis_name="s")

    @functools.partial(
        pl.kernel,
        out_type=(jax.ShapeDtypeStruct((m_obs,), jnp.float32),
                  jax.ShapeDtypeStruct((m_obs,), jnp.float32)),
        mesh=mesh,
        compiler_params=pltpu.CompilerParams(needs_layout_passes=False),
        scratch_types=[
            pltpu.VMEM((n_kf // 16, 128), jnp.int32),
            pltpu.VMEM((8, 128), jnp.float32),
            pltpu.VMEM((n_mp // 64, 128), jnp.int32),
            pltpu.VMEM((chunk,), jnp.int32),
            pltpu.VMEM((chunk,), jnp.int32),
            pltpu.VMEM((chunk,), jnp.float32),
            pltpu.VMEM((chunk,), jnp.float32),
            pltpu.SemaphoreType.DMA,
        ],
    )
    def sc_project(ptab_hbm, aux_hbm, ltab_hbm, fid_hbm, pid_hbm, u_hbm, v_hbm,
                   ptab_v, aux_v, ltab_v, fid_v, pid_v, u_v, v_v, sem):
        wid = lax.axis_index("s") * _NC + lax.axis_index("c")
        base = wid * chunk
        cp1 = pltpu.async_copy(ptab_hbm, ptab_v, sem)
        cp2 = pltpu.async_copy(aux_hbm, aux_v, sem)
        cp3 = pltpu.async_copy(ltab_hbm, ltab_v, sem)
        cp4 = pltpu.async_copy(fid_hbm.at[pl.ds(base, chunk)], fid_v, sem)
        cp5 = pltpu.async_copy(pid_hbm.at[pl.ds(base, chunk)], pid_v, sem)
        cp1.wait()
        cp2.wait()
        cp3.wait()
        cp4.wait()
        cp5.wait()

        fxv = aux_v[0, pl.ds(0, _L)]
        fyv = aux_v[1, pl.ds(0, _L)]
        cxv = aux_v[2, pl.ds(0, _L)]
        cyv = aux_v[3, pl.ds(0, _L)]
        himask = jnp.full((_L,), jnp.int32(-65536))

        def cvec(k):
            return jnp.full((_L,), k, jnp.int32)

        def lo(w):
            return plsc.bitcast(w << 16, jnp.float32)

        def hi(w):
            return plsc.bitcast(w & himask, jnp.float32)

        @plsc.parallel_loop(0, steps, unroll=4)
        def step(i):
            off = i * _L
            fid = fid_v[pl.ds(off, _L)]
            pid = pid_v[pl.ds(off, _L)]
            fhi = (fid >> 7) << 3
            flo = fid & 127
            phi = (pid >> 7) << 1
            plo = pid & 127
            w0 = plsc.load_gather(ptab_v, [fhi + cvec(0), flo])
            w1 = plsc.load_gather(ptab_v, [fhi + cvec(1), flo])
            w2 = plsc.load_gather(ptab_v, [fhi + cvec(2), flo])
            w3 = plsc.load_gather(ptab_v, [fhi + cvec(3), flo])
            w4 = plsc.load_gather(ptab_v, [fhi + cvec(4), flo])
            w5 = plsc.load_gather(ptab_v, [fhi + cvec(5), flo])
            v0 = plsc.load_gather(ltab_v, [phi + cvec(0), plo])
            v1 = plsc.load_gather(ltab_v, [phi + cvec(1), plo])
            r00, r01 = lo(w0), hi(w0)
            r02, r10 = lo(w1), hi(w1)
            r11, r12 = lo(w2), hi(w2)
            r20, r21 = lo(w3), hi(w3)
            r22, tx = lo(w4), hi(w4)
            ty, tz = lo(w5), hi(w5)
            px, py = lo(v0), hi(v0)
            pz = lo(v1)
            xc = r00 * px + r01 * py + r02 * pz + tx
            yc = r10 * px + r11 * py + r12 * pz + ty
            zc = r20 * px + r21 * py + r22 * pz + tz
            s = jnp.where(jnp.abs(zc) > 1e-8, 1.0 / zc, jnp.ones_like(zc))
            u_v[pl.ds(off, _L)] = (xc * s) * fxv + cxv
            v_v[pl.ds(off, _L)] = (yc * s) * fyv + cyv

        pltpu.sync_copy(u_v, u_hbm.at[pl.ds(base, chunk)])
        pltpu.sync_copy(v_v, v_hbm.at[pl.ds(base, chunk)])

    return sc_project


def kernel(QuatsLog, CameraPosition, Landmarks, K, frame_id, point_id):
    ptab, aux, ltab = _make_tables(QuatsLog, CameraPosition, K, Landmarks)
    m_obs = frame_id.shape[0]
    fid = frame_id.reshape(m_obs)
    pid = point_id.reshape(m_obs)
    sc_project = _make_sc_project(m_obs, QuatsLog.shape[0], Landmarks.shape[0])
    u, v = sc_project(ptab, aux, ltab, fid, pid)
    return jnp.concatenate([u.reshape(m_obs, 1), v.reshape(m_obs, 1)], axis=1)

# --- scband reference (transcript-rebuilt; emitter-appended) ---
"""Pipeline reference for scband-bagdnet-27599459844983 (READ-ONLY COPY).

The authoritative reference and input builder live on the scoring server;
editing this copy changes nothing except your own understanding.
"""

import jax, jax.numpy as jnp
import numpy as np

N_KF = 512
N_MP = 8192
M_OBS = 32768


def quaternion_log_to_exp(log_q, eps=1e-8):
    # kornia.geometry.conversions.quaternion_log_to_exp (wxyz order)
    norm = jnp.clip(jnp.linalg.norm(log_q, axis=-1, keepdims=True), eps, None)
    vec = log_q * jnp.sin(norm) / norm
    scalar = jnp.cos(norm)
    return jnp.concatenate([scalar, vec], axis=-1)


def quaternion_to_rotation_matrix(q, eps=1e-12):
    # kornia.geometry.conversions.quaternion_to_rotation_matrix (wxyz order)
    q = q / jnp.clip(jnp.linalg.norm(q, axis=-1, keepdims=True), eps, None)
    w, x, y, z = q[..., 0], q[..., 1], q[..., 2], q[..., 3]
    tx, ty, tz = 2.0 * x, 2.0 * y, 2.0 * z
    twx, twy, twz = tx * w, ty * w, tz * w
    txx, txy, txz = tx * x, ty * x, tz * x
    tyy, tyz = ty * y, tz * y
    tzz = tz * z
    m = jnp.stack([
        1.0 - (tyy + tzz), txy - twz, txz + twy,
        txy + twz, 1.0 - (txx + tzz), tyz - twx,
        txz - twy, tyz + twx, 1.0 - (txx + tyy)
    ], axis=-1)
    return m.reshape(q.shape[:-1] + (3, 3))


def convert_points_to_homogeneous(p):
    return jnp.concatenate([p, jnp.ones_like(p[..., :1])], axis=-1)


def convert_points_from_homogeneous(p, eps=1e-8):
    z = p[..., -1:]
    scale = jnp.where(jnp.abs(z) > eps, 1.0 / z, jnp.ones_like(z))
    return p[..., :-1] * scale


def project_points(point_3d, camera_matrix):
    # kornia.geometry.camera.perspective.project_points
    xy = convert_points_from_homogeneous(point_3d)
    x_coord, y_coord = xy[..., 0], xy[..., 1]
    fx = camera_matrix[..., 0, 0]
    fy = camera_matrix[..., 1, 1]
    cx = camera_matrix[..., 0, 2]
    cy = camera_matrix[..., 1, 2]
    u = x_coord * fx + cx
    v = y_coord * fy + cy
    return jnp.stack([u, v], axis=-1)


def setup_inputs(seed: int = 0):
    key = jax.random.key(seed)
    k1, k2, k3, k4, k5 = jax.random.split(key, 5)
    # Learned parameters (built in __init__ from MPs/KFs)
    QuatsLog = jax.random.normal(k1, (N_KF, 3), dtype=jnp.float32) * 0.1
    CameraPosition = jax.random.normal(k2, (N_KF, 3), dtype=jnp.float32)
    Landmarks = jax.random.normal(k3, (N_MP, 3), dtype=jnp.float32) * 5.0 + jnp.array([0.0, 0.0, 10.0], dtype=jnp.float32)
    # Camera intrinsic
    K = jnp.array([[500.0, 0.0, 320.0], [0.0, 500.0, 240.0], [0.0, 0.0, 1.0]], dtype=jnp.float32)
    # Observations: frame/point ids (ids were assigned as arange in MPs[:,0]/KFs[:,0])
    frame_id = jax.random.randint(k4, (M_OBS, 1), 0, N_KF).astype(jnp.int32)
    point_id = jax.random.randint(k5, (M_OBS, 1), 0, N_MP).astype(jnp.int32)
    return {"QuatsLog": QuatsLog, "CameraPosition": CameraPosition, "Landmarks": Landmarks, "K": K, "frame_id": frame_id, "point_id": point_id}


def reference(QuatsLog, CameraPosition, Landmarks, K, frame_id, point_id):
    idxKF = jnp.arange(QuatsLog.shape[0], dtype=frame_id.dtype)
    idxMP = jnp.arange(Landmarks.shape[0], dtype=point_id.dtype)
    # torch.where(frame_id == idxKF)[1] with unique ids -> column index per row
    indexKF = jnp.argmax(frame_id == idxKF[None, :], axis=1)
    indexMP = jnp.argmax(point_id == idxMP[None, :], axis=1)
    rots_matrix = quaternion_to_rotation_matrix(quaternion_log_to_exp(QuatsLog))
    # F.pad(..., pad=(0,0,0,1)) -> add a zero row at the bottom of each 3x3
    trans_matrix = jnp.pad(rots_matrix, ((0, 0), (0, 1), (0, 0)))
    CameraPositionHomo = convert_points_to_homogeneous(CameraPosition)
    trans_matrix = jnp.concatenate([trans_matrix, CameraPositionHomo[..., None]], axis=2)  # [N_KF,4,4]
    LandmarksHomo = convert_points_to_homogeneous(Landmarks)  # [N_MP,4]
    T = jnp.take(trans_matrix, indexKF, axis=0)       # gather poses   [M,4,4]
    P = jnp.take(LandmarksHomo, indexMP, axis=0)      # gather points  [M,4]
    points = jnp.einsum('mij,mj->mi', T, P)           # [M,4]
    Pc = convert_points_from_homogeneous(points)      # [M,3]
    return project_points(Pc, K)                      # [M,2]

if __name__ == "__main__":
    import jax
    _d = setup_inputs()
    print(jax.jit(kernel)(*tuple(_d.values())))

</pallas_src>

<mosaic_0001>
#map = affine_map<(d0, d1) -> (0, 0)>
#map1 = affine_map<(d0, d1) -> (0)>
module attributes {stable_mosaic.version = 14 : i64} {
  func.func @sc_project(%arg0: i32, %arg1: i32, %arg2: memref<32x128xi32, #tpu.memory_space<hbm>>, %arg3: memref<8x128xf32, #tpu.memory_space<hbm>>, %arg4: memref<128x128xi32, #tpu.memory_space<hbm>>, %arg5: memref<32768xi32, #tpu.memory_space<hbm>>, %arg6: memref<32768xi32, #tpu.memory_space<hbm>>, %arg7: memref<32768xf32, #tpu.memory_space<hbm>>, %arg8: memref<32768xf32, #tpu.memory_space<hbm>>, %arg9: memref<32x128xi32, #tpu.memory_space<vmem>>, %arg10: memref<8x128xf32, #tpu.memory_space<vmem>>, %arg11: memref<128x128xi32, #tpu.memory_space<vmem>>, %arg12: memref<1024xi32, #tpu.memory_space<vmem>>, %arg13: memref<1024xi32, #tpu.memory_space<vmem>>, %arg14: memref<1024xf32, #tpu.memory_space<vmem>>, %arg15: memref<1024xf32, #tpu.memory_space<vmem>>, %arg16: memref<!tpu.dma_semaphore, #tpu.memory_space<semaphore_mem>>) attributes {dimension_semantics = [#tpu.dimension_semantics<core_parallel>, #tpu.dimension_semantics<subcore_parallel>], iteration_bounds = array<i64: 2, 16>, scalar_prefetch = 0 : i64, scratch_operands = 8 : i64, tpu.core_type = #tpu.core_type<sc_vector_subcore>, window_params = [{transform_indices = #map}, {transform_indices = #map}, {transform_indices = #map}, {transform_indices = #map1}, {transform_indices = #map1}, {transform_indices = #map1}, {transform_indices = #map1}]} {
    %mul3A = arith.constant 2 : i32
    %mul3A_0 = arith.muli %arg1, %mul3A : i32
    %add3A = arith.addi %mul3A_0, %arg0 : i32
    %mul3A_1 = arith.constant 1024 : i32
    %mul3A_2 = arith.muli %add3A, %mul3A_1 : i32
    tpu.enqueue_dma source(%arg2 : memref<32x128xi32, #tpu.memory_space<hbm>>) target(%arg9 : memref<32x128xi32, #tpu.memory_space<vmem>>) target_semaphore(%arg16 : memref<!tpu.dma_semaphore, #tpu.memory_space<semaphore_mem>>)
    tpu.enqueue_dma source(%arg3 : memref<8x128xf32, #tpu.memory_space<hbm>>) target(%arg10 : memref<8x128xf32, #tpu.memory_space<vmem>>) target_semaphore(%arg16 : memref<!tpu.dma_semaphore, #tpu.memory_space<semaphore_mem>>)
    tpu.enqueue_dma source(%arg4 : memref<128x128xi32, #tpu.memory_space<hbm>>) target(%arg11 : memref<128x128xi32, #tpu.memory_space<vmem>>) target_semaphore(%arg16 : memref<!tpu.dma_semaphore, #tpu.memory_space<semaphore_mem>>)
    %dma_start3A = tpu.memref_slice %arg5[%mul3A_2] : memref<32768xi32, #tpu.memory_space<hbm>> -> memref<1024xi32, #tpu.memory_space<hbm>>
    %dma_start3A_3 = tpu.memref_slice %arg5[%mul3A_2] : memref<32768xi32, #tpu.memory_space<hbm>> -> memref<1024xi32, #tpu.memory_space<hbm>>
    tpu.enqueue_dma source(%dma_start3A_3 : memref<1024xi32, #tpu.memory_space<hbm>>) target(%arg12 : memref<1024xi32, #tpu.memory_space<vmem>>) target_semaphore(%arg16 : memref<!tpu.dma_semaphore, #tpu.memory_space<semaphore_mem>>)
    %dma_start3A_4 = tpu.memref_slice %arg6[%mul3A_2] : memref<32768xi32, #tpu.memory_space<hbm>> -> memref<1024xi32, #tpu.memory_space<hbm>>
    %dma_start3A_5 = tpu.memref_slice %arg6[%mul3A_2] : memref<32768xi32, #tpu.memory_space<hbm>> -> memref<1024xi32, #tpu.memory_space<hbm>>
    tpu.enqueue_dma source(%dma_start3A_5 : memref<1024xi32, #tpu.memory_space<hbm>>) target(%arg13 : memref<1024xi32, #tpu.memory_space<vmem>>) target_semaphore(%arg16 : memref<!tpu.dma_semaphore, #tpu.memory_space<semaphore_mem>>)
    tpu.wait_dma2 semaphore(%arg16 : memref<!tpu.dma_semaphore, #tpu.memory_space<semaphore_mem>>) src(%arg2 : memref<32x128xi32, #tpu.memory_space<hbm>>) dst(%arg9 : memref<32x128xi32, #tpu.memory_space<vmem>>)
    tpu.wait_dma2 semaphore(%arg16 : memref<!tpu.dma_semaphore, #tpu.memory_space<semaphore_mem>>) src(%arg3 : memref<8x128xf32, #tpu.memory_space<hbm>>) dst(%arg10 : memref<8x128xf32, #tpu.memory_space<vmem>>)
    tpu.wait_dma2 semaphore(%arg16 : memref<!tpu.dma_semaphore, #tpu.memory_space<semaphore_mem>>) src(%arg4 : memref<128x128xi32, #tpu.memory_space<hbm>>) dst(%arg11 : memref<128x128xi32, #tpu.memory_space<vmem>>)
    %dma_wait3A = tpu.memref_slice %arg5[%mul3A_2] : memref<32768xi32, #tpu.memory_space<hbm>> -> memref<1024xi32, #tpu.memory_space<hbm>>
    %dma_wait3A_6 = tpu.memref_slice %arg5[%mul3A_2] : memref<32768xi32, #tpu.memory_space<hbm>> -> memref<1024xi32, #tpu.memory_space<hbm>>
    tpu.wait_dma2 semaphore(%arg16 : memref<!tpu.dma_semaphore, #tpu.memory_space<semaphore_mem>>) src(%dma_wait3A_6 : memref<1024xi32, #tpu.memory_space<hbm>>) dst(%arg12 : memref<1024xi32, #tpu.memory_space<vmem>>)
    %dma_wait3A_7 = tpu.memref_slice %arg6[%mul3A_2] : memref<32768xi32, #tpu.memory_space<hbm>> -> memref<1024xi32, #tpu.memory_space<hbm>>
    %dma_wait3A_8 = tpu.memref_slice %arg6[%mul3A_2] : memref<32768xi32, #tpu.memory_space<hbm>> -> memref<1024xi32, #tpu.memory_space<hbm>>
    tpu.wait_dma2 semaphore(%arg16 : memref<!tpu.dma_semaphore, #tpu.memory_space<semaphore_mem>>) src(%dma_wait3A_8 : memref<1024xi32, #tpu.memory_space<hbm>>) dst(%arg13 : memref<1024xi32, #tpu.memory_space<vmem>>)
    %get3A = arith.constant 0 : i32
    %get3A_9 = arith.index_cast %get3A : i32 to index
    %get3A_10 = arith.constant 0 : index
    %get3A_11 = tpu.vector_load %arg10[%get3A_9, %get3A_10] {strides = array<i32>} : memref<8x128xf32, #tpu.memory_space<vmem>>, vector<16xf32>,
    %get3A_12 = arith.constant 1 : i32
    %get3A_13 = arith.index_cast %get3A_12 : i32 to index
    %get3A_14 = arith.constant 0 : index
    %get3A_15 = tpu.vector_load %arg10[%get3A_13, %get3A_14] {strides = array<i32>} : memref<8x128xf32, #tpu.memory_space<vmem>>, vector<16xf32>,
    %get3A_16 = arith.constant 2 : i32
    %get3A_17 = arith.index_cast %get3A_16 : i32 to index
    %get3A_18 = arith.constant 0 : index
    %get3A_19 = tpu.vector_load %arg10[%get3A_17, %get3A_18] {strides = array<i32>} : memref<8x128xf32, #tpu.memory_space<vmem>>, vector<16xf32>,
    %get3A_20 = arith.constant 3 : i32
    %get3A_21 = arith.index_cast %get3A_20 : i32 to index
    %get3A_22 = arith.constant 0 : index
    %get3A_23 = tpu.vector_load %arg10[%get3A_21, %get3A_22] {strides = array<i32>} : memref<8x128xf32, #tpu.memory_space<vmem>>, vector<16xf32>,
    %broadcast_in_dim3A = arith.constant -65536 : i32
    %broadcast_in_dim3A_24 = vector.broadcast %broadcast_in_dim3A : i32 to vector<16xi32>
    %parallel_loop3A = arith.constant 0 : i32
    %parallel_loop3A_25 = arith.constant 64 : i32
    %parallel_loop3A_26 = arith.constant 1 : i32
    scf.for %parallel_loop3A_27 = %parallel_loop3A to %parallel_loop3A_25 step %parallel_loop3A_26  : i32 {
      %parallel_loop3A_28 = arith.constant 16 : i32
      %parallel_loop3A_29 = arith.muli %parallel_loop3A_27, %parallel_loop3A_28 : i32
      %parallel_loop3A_30 = arith.index_cast %parallel_loop3A_29 : i32 to index
      %parallel_loop3A_31 = tpu.vector_load %arg12[%parallel_loop3A_30] {strides = array<i32>} : memref<1024xi32, #tpu.memory_space<vmem>>, vector<16xi32>,
      %parallel_loop3A_32 = arith.index_cast %parallel_loop3A_29 : i32 to index
      %parallel_loop3A_33 = tpu.vector_load %arg13[%parallel_loop3A_32] {strides = array<i32>} : memref<1024xi32, #tpu.memory_space<vmem>>, vector<16xi32>,
      %parallel_loop3A_34 = arith.constant 7 : i32
      %parallel_loop3A_35 = vector.broadcast %parallel_loop3A_34 : i32 to vector<16xi32>
      %parallel_loop3A_36 = arith.shrsi %parallel_loop3A_31, %parallel_loop3A_35 : vector<16xi32>
      %parallel_loop3A_37 = arith.constant 3 : i32
      %parallel_loop3A_38 = vector.broadcast %parallel_loop3A_37 : i32 to vector<16xi32>
      %parallel_loop3A_39 = arith.shli %parallel_loop3A_36, %parallel_loop3A_38 : vector<16xi32>
      %parallel_loop3A_40 = arith.constant 127 : i32
      %parallel_loop3A_41 = vector.broadcast %parallel_loop3A_40 : i32 to vector<16xi32>
      %parallel_loop3A_42 = arith.andi %parallel_loop3A_31, %parallel_loop3A_41 : vector<16xi32>
      %parallel_loop3A_43 = arith.constant 7 : i32
      %parallel_loop3A_44 = vector.broadcast %parallel_loop3A_43 : i32 to vector<16xi32>
      %parallel_loop3A_45 = arith.shrsi %parallel_loop3A_33, %parallel_loop3A_44 : vector<16xi32>
      %parallel_loop3A_46 = arith.constant 1 : i32
      %parallel_loop3A_47 = vector.broadcast %parallel_loop3A_46 : i32 to vector<16xi32>
      %parallel_loop3A_48 = arith.shli %parallel_loop3A_45, %parallel_loop3A_47 : vector<16xi32>
      %parallel_loop3A_49 = arith.constant 127 : i32
      %parallel_loop3A_50 = vector.broadcast %parallel_loop3A_49 : i32 to vector<16xi32>
      %parallel_loop3A_51 = arith.andi %parallel_loop3A_33, %parallel_loop3A_50 : vector<16xi32>
      %parallel_loop3A_52 = arith.constant 0 : i32
      %parallel_loop3A_53 = vector.broadcast %parallel_loop3A_52 : i32 to vector<16xi32>
      %parallel_loop3A_54 = arith.addi %parallel_loop3A_39, %parallel_loop3A_53 : vector<16xi32>
      %parallel_loop3A_55 = tpu.vector_load_idx %arg9[%parallel_loop3A_54, %parallel_loop3A_42] : memref<32x128xi32, #tpu.memory_space<vmem>>[vector<16xi32>, vector<16xi32>], vector<16xi32>,
      %parallel_loop3A_56 = arith.constant 1 : i32
      %parallel_loop3A_57 = vector.broadcast %parallel_loop3A_56 : i32 to vector<16xi32>
      %parallel_loop3A_58 = arith.addi %parallel_loop3A_39, %parallel_loop3A_57 : vector<16xi32>
      %parallel_loop3A_59 = tpu.vector_load_idx %arg9[%parallel_loop3A_58, %parallel_loop3A_42] : memref<32x128xi32, #tpu.memory_space<vmem>>[vector<16xi32>, vector<16xi32>], vector<16xi32>,
      %parallel_loop3A_60 = arith.constant 2 : i32
      %parallel_loop3A_61 = vector.broadcast %parallel_loop3A_60 : i32 to vector<16xi32>
      %parallel_loop3A_62 = arith.addi %parallel_loop3A_39, %parallel_loop3A_61 : vector<16xi32>
      %parallel_loop3A_63 = tpu.vector_load_idx %arg9[%parallel_loop3A_62, %parallel_loop3A_42] : memref<32x128xi32, #tpu.memory_space<vmem>>[vector<16xi32>, vector<16xi32>], vector<16xi32>,
      %parallel_loop3A_64 = arith.constant 3 : i32
      %parallel_loop3A_65 = vector.broadcast %parallel_loop3A_64 : i32 to vector<16xi32>
      %parallel_loop3A_66 = arith.addi %parallel_loop3A_39, %parallel_loop3A_65 : vector<16xi32>
      %parallel_loop3A_67 = tpu.vector_load_idx %arg9[%parallel_loop3A_66, %parallel_loop3A_42] : memref<32x128xi32, #tpu.memory_space<vmem>>[vector<16xi32>, vector<16xi32>], vector<16xi32>,
      %parallel_loop3A_68 = arith.constant 4 : i32
      %parallel_loop3A_69 = vector.broadcast %parallel_loop3A_68 : i32 to vector<16xi32>
      %parallel_loop3A_70 = arith.addi %parallel_loop3A_39, %parallel_loop3A_69 : vector<16xi32>
      %parallel_loop3A_71 = tpu.vector_load_idx %arg9[%parallel_loop3A_70, %parallel_loop3A_42] : memref<32x128xi32, #tpu.memory_space<vmem>>[vector<16xi32>, vector<16xi32>], vector<16xi32>,
      %parallel_loop3A_72 = arith.constant 5 : i32
      %parallel_loop3A_73 = vector.broadcast %parallel_loop3A_72 : i32 to vector<16xi32>
      %parallel_loop3A_74 = arith.addi %parallel_loop3A_39, %parallel_loop3A_73 : vector<16xi32>
      %parallel_loop3A_75 = tpu.vector_load_idx %arg9[%parallel_loop3A_74, %parallel_loop3A_42] : memref<32x128xi32, #tpu.memory_space<vmem>>[vector<16xi32>, vector<16xi32>], vector<16xi32>,
      %parallel_loop3A_76 = arith.constant 0 : i32
      %parallel_loop3A_77 = vector.broadcast %parallel_loop3A_76 : i32 to vector<16xi32>
      %parallel_loop3A_78 = arith.addi %parallel_loop3A_48, %parallel_loop3A_77 : vector<16xi32>
      %parallel_loop3A_79 = tpu.vector_load_idx %arg11[%parallel_loop3A_78, %parallel_loop3A_51] : memref<128x128xi32, #tpu.memory_space<vmem>>[vector<16xi32>, vector<16xi32>], vector<16xi32>,
      %parallel_loop3A_80 = arith.constant 1 : i32
      %parallel_loop3A_81 = vector.broadcast %parallel_loop3A_80 : i32 to vector<16xi32>
      %parallel_loop3A_82 = arith.addi %parallel_loop3A_48, %parallel_loop3A_81 : vector<16xi32>
      %parallel_loop3A_83 = tpu.vector_load_idx %arg11[%parallel_loop3A_82, %parallel_loop3A_51] : memref<128x128xi32, #tpu.memory_space<vmem>>[vector<16xi32>, vector<16xi32>], vector<16xi32>,
      %parallel_loop3A_84 = arith.constant 16 : i32
      %parallel_loop3A_85 = vector.broadcast %parallel_loop3A_84 : i32 to vector<16xi32>
      %parallel_loop3A_86 = arith.shli %parallel_loop3A_55, %parallel_loop3A_85 : vector<16xi32>
      %parallel_loop3A_87 = vector.bitcast %parallel_loop3A_86 : vector<16xi32> to vector<16xf32>
      %parallel_loop3A_88 = arith.andi %parallel_loop3A_55, %broadcast_in_dim3A_24 : vector<16xi32>
      %parallel_loop3A_89 = vector.bitcast %parallel_loop3A_88 : vector<16xi32> to vector<16xf32>
      %parallel_loop3A_90 = arith.constant 16 : i32
      %parallel_loop3A_91 = vector.broadcast %parallel_loop3A_90 : i32 to vector<16xi32>
      %parallel_loop3A_92 = arith.shli %parallel_loop3A_59, %parallel_loop3A_91 : vector<16xi32>
      %parallel_loop3A_93 = vector.bitcast %parallel_loop3A_92 : vector<16xi32> to vector<16xf32>
      %parallel_loop3A_94 = arith.andi %parallel_loop3A_59, %broadcast_in_dim3A_24 : vector<16xi32>
      %parallel_loop3A_95 = vector.bitcast %parallel_loop3A_94 : vector<16xi32> to vector<16xf32>
      %parallel_loop3A_96 = arith.constant 16 : i32
      %parallel_loop3A_97 = vector.broadcast %parallel_loop3A_96 : i32 to vector<16xi32>
      %parallel_loop3A_98 = arith.shli %parallel_loop3A_63, %parallel_loop3A_97 : vector<16xi32>
      %parallel_loop3A_99 = vector.bitcast %parallel_loop3A_98 : vector<16xi32> to vector<16xf32>
      %parallel_loop3A_100 = arith.andi %parallel_loop3A_63, %broadcast_in_dim3A_24 : vector<16xi32>
      %parallel_loop3A_101 = vector.bitcast %parallel_loop3A_100 : vector<16xi32> to vector<16xf32>
      %parallel_loop3A_102 = arith.constant 16 : i32
      %parallel_loop3A_103 = vector.broadcast %parallel_loop3A_102 : i32 to vector<16xi32>
      %parallel_loop3A_104 = arith.shli %parallel_loop3A_67, %parallel_loop3A_103 : vector<16xi32>
      %parallel_loop3A_105 = vector.bitcast %parallel_loop3A_104 : vector<16xi32> to vector<16xf32>
      %parallel_loop3A_106 = arith.andi %parallel_loop3A_67, %broadcast_in_dim3A_24 : vector<16xi32>
      %parallel_loop3A_107 = vector.bitcast %parallel_loop3A_106 : vector<16xi32> to vector<16xf32>
      %parallel_loop3A_108 = arith.constant 16 : i32
      %parallel_loop3A_109 = vector.broadcast %parallel_loop3A_108 : i32 to vector<16xi32>
      %parallel_loop3A_110 = arith.shli %parallel_loop3A_71, %parallel_loop3A_109 : vector<16xi32>
      %parallel_loop3A_111 = vector.bitcast %parallel_loop3A_110 : vector<16xi32> to vector<16xf32>
      %parallel_loop3A_112 = arith.andi %parallel_loop3A_71, %broadcast_in_dim3A_24 : vector<16xi32>
      %parallel_loop3A_113 = vector.bitcast %parallel_loop3A_112 : vector<16xi32> to vector<16xf32>
      %parallel_loop3A_114 = arith.constant 16 : i32
      %parallel_loop3A_115 = vector.broadcast %parallel_loop3A_114 : i32 to vector<16xi32>
      %parallel_loop3A_116 = arith.shli %parallel_loop3A_75, %parallel_loop3A_115 : vector<16xi32>
      %parallel_loop3A_117 = vector.bitcast %parallel_loop3A_116 : vector<16xi32> to vector<16xf32>
      %parallel_loop3A_118 = arith.andi %parallel_loop3A_75, %broadcast_in_dim3A_24 : vector<16xi32>
      %parallel_loop3A_119 = vector.bitcast %parallel_loop3A_118 : vector<16xi32> to vector<16xf32>
      %parallel_loop3A_120 = arith.constant 16 : i32
      %parallel_loop3A_121 = vector.broadcast %parallel_loop3A_120 : i32 to vector<16xi32>
      %parallel_loop3A_122 = arith.shli %parallel_loop3A_79, %parallel_loop3A_121 : vector<16xi32>
      %parallel_loop3A_123 = vector.bitcast %parallel_loop3A_122 : vector<16xi32> to vector<16xf32>
      %parallel_loop3A_124 = arith.andi %parallel_loop3A_79, %broadcast_in_dim3A_24 : vector<16xi32>
      %parallel_loop3A_125 = vector.bitcast %parallel_loop3A_124 : vector<16xi32> to vector<16xf32>
      %parallel_loop3A_126 = arith.constant 16 : i32
      %parallel_loop3A_127 = vector.broadcast %parallel_loop3A_126 : i32 to vector<16xi32>
      %parallel_loop3A_128 = arith.shli %parallel_loop3A_83, %parallel_loop3A_127 : vector<16xi32>
      %parallel_loop3A_129 = vector.bitcast %parallel_loop3A_128 : vector<16xi32> to vector<16xf32>
      %parallel_loop3A_130 = arith.mulf %parallel_loop3A_87, %parallel_loop3A_123 : vector<16xf32>
      %parallel_loop3A_131 = arith.mulf %parallel_loop3A_89, %parallel_loop3A_125 : vector<16xf32>
      %parallel_loop3A_132 = arith.addf %parallel_loop3A_130, %parallel_loop3A_131 : vector<16xf32>
      %parallel_loop3A_133 = arith.mulf %parallel_loop3A_93, %parallel_loop3A_129 : vector<16xf32>
      %parallel_loop3A_134 = arith.addf %parallel_loop3A_132, %parallel_loop3A_133 : vector<16xf32>
      %parallel_loop3A_135 = arith.addf %parallel_loop3A_134, %parallel_loop3A_113 : vector<16xf32>
      %parallel_loop3A_136 = arith.mulf %parallel_loop3A_95, %parallel_loop3A_123 : vector<16xf32>
      %parallel_loop3A_137 = arith.mulf %parallel_loop3A_99, %parallel_loop3A_125 : vector<16xf32>
      %parallel_loop3A_138 = arith.addf %parallel_loop3A_136, %parallel_loop3A_137 : vector<16xf32>
      %parallel_loop3A_139 = arith.mulf %parallel_loop3A_101, %parallel_loop3A_129 : vector<16xf32>
      %parallel_loop3A_140 = arith.addf %parallel_loop3A_138, %parallel_loop3A_139 : vector<16xf32>
      %parallel_loop3A_141 = arith.addf %parallel_loop3A_140, %parallel_loop3A_117 : vector<16xf32>
      %parallel_loop3A_142 = arith.mulf %parallel_loop3A_105, %parallel_loop3A_123 : vector<16xf32>
      %parallel_loop3A_143 = arith.mulf %parallel_loop3A_107, %parallel_loop3A_125 : vector<16xf32>
      %parallel_loop3A_144 = arith.addf %parallel_loop3A_142, %parallel_loop3A_143 : vector<16xf32>
      %parallel_loop3A_145 = arith.mulf %parallel_loop3A_111, %parallel_loop3A_129 : vector<16xf32>
      %parallel_loop3A_146 = arith.addf %parallel_loop3A_144, %parallel_loop3A_145 : vector<16xf32>
      %parallel_loop3A_147 = arith.addf %parallel_loop3A_146, %parallel_loop3A_119 : vector<16xf32>
      %parallel_loop3A_148 = math.absf %parallel_loop3A_147 : vector<16xf32>
      %parallel_loop3A_149 = arith.constant 9.99999993E-9 : f32
      %parallel_loop3A_150 = vector.broadcast %parallel_loop3A_149 : f32 to vector<16xf32>
      %parallel_loop3A_151 = arith.cmpf ogt, %parallel_loop3A_148, %parallel_loop3A_150 : vector<16xf32>
      %parallel_loop3A_152 = arith.constant 1.000000e+00 : f32
      %parallel_loop3A_153 = vector.broadcast %parallel_loop3A_152 : f32 to vector<16xf32>
      %parallel_loop3A_154 = arith.divf %parallel_loop3A_153, %parallel_loop3A_147 : vector<16xf32>
      %parallel_loop3A_155 = arith.constant 1.000000e+00 : f32
      %parallel_loop3A_156 = vector.broadcast %parallel_loop3A_155 : f32 to vector<16xf32>
      %parallel_loop3A_157 = arith.select %parallel_loop3A_151, %parallel_loop3A_154, %parallel_loop3A_156 : vector<16xi1>, vector<16xf32>
      %parallel_loop3A_158 = arith.mulf %parallel_loop3A_135, %parallel_loop3A_157 : vector<16xf32>
      %parallel_loop3A_159 = arith.mulf %parallel_loop3A_158, %get3A_11 : vector<16xf32>
      %parallel_loop3A_160 = arith.addf %parallel_loop3A_159, %get3A_19 : vector<16xf32>
      %parallel_loop3A_161 = arith.index_cast %parallel_loop3A_29 : i32 to index
      %parallel_loop3A_162 = tpu.vector_load %arg14[%parallel_loop3A_161] {strides = array<i32>} : memref<1024xf32, #tpu.memory_space<vmem>>, vector<16xf32>,
      tpu.vector_store %arg14[%parallel_loop3A_161], %parallel_loop3A_160 {strides = array<i32>} : memref<1024xf32, #tpu.memory_space<vmem>>, vector<16xf32>,
      %parallel_loop3A_163 = arith.mulf %parallel_loop3A_141, %parallel_loop3A_157 : vector<16xf32>
      %parallel_loop3A_164 = arith.mulf %parallel_loop3A_163, %get3A_15 : vector<16xf32>
      %parallel_loop3A_165 = arith.addf %parallel_loop3A_164, %get3A_23 : vector<16xf32>
      %parallel_loop3A_166 = arith.index_cast %parallel_loop3A_29 : i32 to index
      %parallel_loop3A_167 = tpu.vector_load %arg15[%parallel_loop3A_166] {strides = array<i32>} : memref<1024xf32, #tpu.memory_space<vmem>>, vector<16xf32>,
      tpu.vector_store %arg15[%parallel_loop3A_166], %parallel_loop3A_165 {strides = array<i32>} : memref<1024xf32, #tpu.memory_space<vmem>>, vector<16xf32>,
    } {sc.loop_unroll_factor = 4 : i64, sc.parallel_access}
    "tpu.region"() ({
      %run_scoped3A = tpu.sem_alloc : memref<!tpu.dma_semaphore, #tpu.memory_space<semaphore_mem>>
      %dma_start3A_27 = tpu.memref_slice %arg7[%mul3A_2] : memref<32768xf32, #tpu.memory_space<hbm>> -> memref<1024xf32, #tpu.memory_space<hbm>>
      %dma_start3A_28 = tpu.memref_slice %arg7[%mul3A_2] : memref<32768xf32, #tpu.memory_space<hbm>> -> memref<1024xf32, #tpu.memory_space<hbm>>
      tpu.enqueue_dma source(%arg14 : memref<1024xf32, #tpu.memory_space<vmem>>) target(%dma_start3A_28 : memref<1024xf32, #tpu.memory_space<hbm>>) target_semaphore(%run_scoped3A : memref<!tpu.dma_semaphore, #tpu.memory_space<semaphore_mem>>)
      %dma_wait3A_29 = tpu.memref_slice %arg7[%mul3A_2] : memref<32768xf32, #tpu.memory_space<hbm>> -> memref<1024xf32, #tpu.memory_space<hbm>>
      %dma_wait3A_30 = tpu.memref_slice %arg7[%mul3A_2] : memref<32768xf32, #tpu.memory_space<hbm>> -> memref<1024xf32, #tpu.memory_space<hbm>>
      tpu.wait_dma2 semaphore(%run_scoped3A : memref<!tpu.dma_semaphore, #tpu.memory_space<semaphore_mem>>) src(%arg14 : memref<1024xf32, #tpu.memory_space<vmem>>) dst(%dma_wait3A_30 : memref<1024xf32, #tpu.memory_space<hbm>>)
      tpu.yield
    }) : () -> ()
    "tpu.region"() ({
      %run_scoped3A = tpu.sem_alloc : memref<!tpu.dma_semaphore, #tpu.memory_space<semaphore_mem>>
      %dma_start3A_27 = tpu.memref_slice %arg8[%mul3A_2] : memref<32768xf32, #tpu.memory_space<hbm>> -> memref<1024xf32, #tpu.memory_space<hbm>>
      %dma_start3A_28 = tpu.memref_slice %arg8[%mul3A_2] : memref<32768xf32, #tpu.memory_space<hbm>> -> memref<1024xf32, #tpu.memory_space<hbm>>
      tpu.enqueue_dma source(%arg15 : memref<1024xf32, #tpu.memory_space<vmem>>) target(%dma_start3A_28 : memref<1024xf32, #tpu.memory_space<hbm>>) target_semaphore(%run_scoped3A : memref<!tpu.dma_semaphore, #tpu.memory_space<semaphore_mem>>)
      %dma_wait3A_29 = tpu.memref_slice %arg8[%mul3A_2] : memref<32768xf32, #tpu.memory_space<hbm>> -> memref<1024xf32, #tpu.memory_space<hbm>>
      %dma_wait3A_30 = tpu.memref_slice %arg8[%mul3A_2] : memref<32768xf32, #tpu.memory_space<hbm>> -> memref<1024xf32, #tpu.memory_space<hbm>>
      tpu.wait_dma2 semaphore(%run_scoped3A : memref<!tpu.dma_semaphore, #tpu.memory_space<semaphore_mem>>) src(%arg15 : memref<1024xf32, #tpu.memory_space<vmem>>) dst(%dma_wait3A_30 : memref<1024xf32, #tpu.memory_space<hbm>>)
      tpu.yield
    }) : () -> ()
    return
  }
}

module attributes {stable_mosaic.version = 14 : i64} {
  func.func @_tables_tc_body(%arg0: memref<512x3xf32, #tpu.memory_space<vmem>>, %arg1: memref<512x3xf32, #tpu.memory_space<vmem>>, %arg2: memref<3x3xf32, #tpu.memory_space<vmem>>, %arg3: memref<8192x3xf32, #tpu.memory_space<vmem>>, %arg4: memref<32x128xi32, #tpu.memory_space<vmem>>, %arg5: memref<8x128xf32, #tpu.memory_space<vmem>>, %arg6: memref<128x128xi32, #tpu.memory_space<vmem>>) attributes {dimension_semantics = [], scalar_prefetch = 0 : i64, scratch_operands = 0 : i64, tpu.core_type = #tpu.core_type<tc>} {
    %get3A = arith.constant 0 : index
    %get3A_0 = arith.constant 0 : index
    %get3A_1 = vector.load %arg0[%get3A, %get3A_0] : memref<512x3xf32, #tpu.memory_space<vmem>>, vector<128x3xf32>
    %transpose3A = tpu.transpose %get3A_1, [1, 0] : vector<128x3xf32> -> vector<3x128xf32>
    %get3A_2 = arith.constant 0 : index
    %get3A_3 = arith.constant 0 : index
    %get3A_4 = vector.load %arg1[%get3A_2, %get3A_3] : memref<512x3xf32, #tpu.memory_space<vmem>>, vector<128x3xf32>
    %transpose3A_5 = tpu.transpose %get3A_4, [1, 0] : vector<128x3xf32> -> vector<3x128xf32>
    %slice3A = vector.extract_strided_slice %transpose3A {offsets = [0, 0], sizes = [1, 128], strides = [1, 1]} : vector<3x128xf32> to vector<1x128xf32>
    %slice3A_6 = vector.extract_strided_slice %transpose3A {offsets = [1, 0], sizes = [1, 128], strides = [1, 1]} : vector<3x128xf32> to vector<1x128xf32>
    %slice3A_7 = vector.extract_strided_slice %transpose3A {offsets = [2, 0], sizes = [1, 128], strides = [1, 1]} : vector<3x128xf32> to vector<1x128xf32>
    %mul3A = arith.mulf %slice3A, %slice3A : vector<1x128xf32>
    %mul3A_8 = arith.mulf %slice3A_6, %slice3A_6 : vector<1x128xf32>
    %add3A = arith.addf %mul3A, %mul3A_8 : vector<1x128xf32>
    %mul3A_9 = arith.mulf %slice3A_7, %slice3A_7 : vector<1x128xf32>
    %add3A_10 = arith.addf %add3A, %mul3A_9 : vector<1x128xf32>
    %sqrt3A = math.sqrt %add3A_10 : vector<1x128xf32>
    %max3A = arith.constant 9.99999993E-9 : f32
    %max3A_11 = vector.broadcast %max3A : f32 to vector<1x128xf32>
    %max3A_12 = arith.maximumf %sqrt3A, %max3A_11 : vector<1x128xf32>
    %sin3A = math.sin %max3A_12 : vector<1x128xf32>
    %div3A = arith.divf %sin3A, %max3A_12 : vector<1x128xf32>
    %mul3A_13 = arith.mulf %slice3A, %div3A : vector<1x128xf32>
    %mul3A_14 = arith.mulf %slice3A_6, %div3A : vector<1x128xf32>
    %mul3A_15 = arith.mulf %slice3A_7, %div3A : vector<1x128xf32>
    %cos3A = math.cos %max3A_12 : vector<1x128xf32>
    %mul3A_16 = arith.mulf %cos3A, %cos3A : vector<1x128xf32>
    %mul3A_17 = arith.mulf %mul3A_13, %mul3A_13 : vector<1x128xf32>
    %add3A_18 = arith.addf %mul3A_16, %mul3A_17 : vector<1x128xf32>
    %mul3A_19 = arith.mulf %mul3A_14, %mul3A_14 : vector<1x128xf32>
    %add3A_20 = arith.addf %add3A_18, %mul3A_19 : vector<1x128xf32>
    %mul3A_21 = arith.mulf %mul3A_15, %mul3A_15 : vector<1x128xf32>
    %add3A_22 = arith.addf %add3A_20, %mul3A_21 : vector<1x128xf32>
    %sqrt3A_23 = math.sqrt %add3A_22 : vector<1x128xf32>
    %max3A_24 = arith.constant 9.99999996E-13 : f32
    %max3A_25 = vector.broadcast %max3A_24 : f32 to vector<1x128xf32>
    %max3A_26 = arith.maximumf %sqrt3A_23, %max3A_25 : vector<1x128xf32>
    %div3A_27 = arith.divf %cos3A, %max3A_26 : vector<1x128xf32>
    %div3A_28 = arith.divf %mul3A_13, %max3A_26 : vector<1x128xf32>
    %div3A_29 = arith.divf %mul3A_14, %max3A_26 : vector<1x128xf32>
    %div3A_30 = arith.divf %mul3A_15, %max3A_26 : vector<1x128xf32>
    %mul3A_31 = arith.constant 2.000000e+00 : f32
    %mul3A_32 = vector.broadcast %mul3A_31 : f32 to vector<1x128xf32>
    %mul3A_33 = arith.mulf %mul3A_32, %div3A_28 : vector<1x128xf32>
    %mul3A_34 = arith.constant 2.000000e+00 : f32
    %mul3A_35 = vector.broadcast %mul3A_34 : f32 to vector<1x128xf32>
    %mul3A_36 = arith.mulf %mul3A_35, %div3A_29 : vector<1x128xf32>
    %mul3A_37 = arith.constant 2.000000e+00 : f32
    %mul3A_38 = vector.broadcast %mul3A_37 : f32 to vector<1x128xf32>
    %mul3A_39 = arith.mulf %mul3A_38, %div3A_30 : vector<1x128xf32>
    %mul3A_40 = arith.mulf %mul3A_33, %div3A_27 : vector<1x128xf32>
    %mul3A_41 = arith.mulf %mul3A_36, %div3A_27 : vector<1x128xf32>
    %mul3A_42 = arith.mulf %mul3A_39, %div3A_27 : vector<1x128xf32>
    %mul3A_43 = arith.mulf %mul3A_33, %div3A_28 : vector<1x128xf32>
    %mul3A_44 = arith.mulf %mul3A_36, %div3A_28 : vector<1x128xf32>
    %mul3A_45 = arith.mulf %mul3A_39, %div3A_28 : vector<1x128xf32>
    %mul3A_46 = arith.mulf %mul3A_36, %div3A_29 : vector<1x128xf32>
    %mul3A_47 = arith.mulf %mul3A_39, %div3A_29 : vector<1x128xf32>
    %mul3A_48 = arith.mulf %mul3A_39, %div3A_30 : vector<1x128xf32>
    %broadcast_in_dim3A = arith.constant 1.000000e+00 : f32
    %broadcast_in_dim3A_49 = vector.broadcast %broadcast_in_dim3A : f32 to vector<1x128xf32>
    %add3A_50 = arith.addf %mul3A_46, %mul3A_48 : vector<1x128xf32>
    %sub3A = arith.subf %broadcast_in_dim3A_49, %add3A_50 : vector<1x128xf32>
    %sub3A_51 = arith.subf %mul3A_44, %mul3A_42 : vector<1x128xf32>
    %add3A_52 = arith.addf %mul3A_45, %mul3A_41 : vector<1x128xf32>
    %add3A_53 = arith.addf %mul3A_44, %mul3A_42 : vector<1x128xf32>
    %add3A_54 = arith.addf %mul3A_43, %mul3A_48 : vector<1x128xf32>
    %sub3A_55 = arith.subf %broadcast_in_dim3A_49, %add3A_54 : vector<1x128xf32>
    %sub3A_56 = arith.subf %mul3A_47, %mul3A_40 : vector<1x128xf32>
    %sub3A_57 = arith.subf %mul3A_45, %mul3A_41 : vector<1x128xf32>
    %add3A_58 = arith.addf %mul3A_47, %mul3A_40 : vector<1x128xf32>
    %add3A_59 = arith.addf %mul3A_43, %mul3A_46 : vector<1x128xf32>
    %sub3A_60 = arith.subf %broadcast_in_dim3A_49, %add3A_59 : vector<1x128xf32>
    %slice3A_61 = vector.extract_strided_slice %transpose3A_5 {offsets = [1, 0], sizes = [1, 128], strides = [1, 1]} : vector<3x128xf32> to vector<1x128xf32>
    %concatenate3A = tpu.concatenate %sub3A, %add3A_52, %sub3A_55, %sub3A_57, %sub3A_60, %slice3A_61 in 0 : vector<1x128xf32>, vector<1x128xf32>, vector<1x128xf32>, vector<1x128xf32>, vector<1x128xf32>, vector<1x128xf32> -> vector<6x128xf32>
    %slice3A_62 = vector.extract_strided_slice %transpose3A_5 {offsets = [0, 0], sizes = [1, 128], strides = [1, 1]} : vector<3x128xf32> to vector<1x128xf32>
    %slice3A_63 = vector.extract_strided_slice %transpose3A_5 {offsets = [2, 0], sizes = [1, 128], strides = [1, 1]} : vector<3x128xf32> to vector<1x128xf32>
    %concatenate3A_64 = tpu.concatenate %sub3A_51, %add3A_53, %sub3A_56, %add3A_58, %slice3A_62, %slice3A_63 in 0 : vector<1x128xf32>, vector<1x128xf32>, vector<1x128xf32>, vector<1x128xf32>, vector<1x128xf32>, vector<1x128xf32> -> vector<6x128xf32>
    %convert_element_type3A = arith.truncf %concatenate3A : vector<6x128xf32> to vector<6x128xbf16>
    %bitcast_convert_type3A = tpu.bitcast %convert_element_type3A : vector<6x128xbf16> -> vector<6x128xi16>
    %convert_element_type3A_65 = arith.truncf %concatenate3A_64 : vector<6x128xf32> to vector<6x128xbf16>
    %bitcast_convert_type3A_66 = tpu.bitcast %convert_element_type3A_65 : vector<6x128xbf16> -> vector<6x128xi16>
    %convert_element_type3A_67 = arith.extui %bitcast_convert_type3A_66 : vector<6x128xi16> to vector<6x128xi32>
    %shift_left3A = arith.constant 16 : i32
    %shift_left3A_68 = vector.broadcast %shift_left3A : i32 to vector<6x128xi32>
    %shift_left3A_69 = arith.shli %convert_element_type3A_67, %shift_left3A_68 : vector<6x128xi32>
    %convert_element_type3A_70 = arith.extui %bitcast_convert_type3A : vector<6x128xi16> to vector<6x128xi32>
    %or3A = arith.ori %shift_left3A_69, %convert_element_type3A_70 : vector<6x128xi32>
    %bitcast_convert_type3A_71 = tpu.bitcast %or3A : vector<6x128xi32> -> vector<6x128xi32>
    %broadcast_in_dim3A_72 = arith.constant 0 : i32
    %broadcast_in_dim3A_73 = vector.broadcast %broadcast_in_dim3A_72 : i32 to vector<2x128xi32>
    %concatenate3A_74 = tpu.concatenate %bitcast_convert_type3A_71, %broadcast_in_dim3A_73 in 0 : vector<6x128xi32>, vector<2x128xi32> -> vector<8x128xi32>
    %swap3A = arith.constant 0 : index
    %swap3A_75 = arith.constant 0 : index
    %swap3A_76 = vector.load %arg4[%swap3A, %swap3A_75] : memref<32x128xi32, #tpu.memory_space<vmem>>, vector<8x128xi32>
    tpu.vector_store %arg4[%swap3A, %swap3A_75], %concatenate3A_74 {strides = array<i32>} : memref<32x128xi32, #tpu.memory_space<vmem>>, vector<8x128xi32>,
    %get3A_77 = arith.constant 128 : index
    %get3A_78 = arith.constant 0 : index
    %get3A_79 = vector.load %arg0[%get3A_77, %get3A_78] : memref<512x3xf32, #tpu.memory_space<vmem>>, vector<128x3xf32>
    %transpose3A_80 = tpu.transpose %get3A_79, [1, 0] : vector<128x3xf32> -> vector<3x128xf32>
    %get3A_81 = arith.constant 128 : index
    %get3A_82 = arith.constant 0 : index
    %get3A_83 = vector.load %arg1[%get3A_81, %get3A_82] : memref<512x3xf32, #tpu.memory_space<vmem>>, vector<128x3xf32>
    %transpose3A_84 = tpu.transpose %get3A_83, [1, 0] : vector<128x3xf32> -> vector<3x128xf32>
    %slice3A_85 = vector.extract_strided_slice %transpose3A_80 {offsets = [0, 0], sizes = [1, 128], strides = [1, 1]} : vector<3x128xf32> to vector<1x128xf32>
    %slice3A_86 = vector.extract_strided_slice %transpose3A_80 {offsets = [1, 0], sizes = [1, 128], strides = [1, 1]} : vector<3x128xf32> to vector<1x128xf32>
    %slice3A_87 = vector.extract_strided_slice %transpose3A_80 {offsets = [2, 0], sizes = [1, 128], strides = [1, 1]} : vector<3x128xf32> to vector<1x128xf32>
    %mul3A_88 = arith.mulf %slice3A_85, %slice3A_85 : vector<1x128xf32>
    %mul3A_89 = arith.mulf %slice3A_86, %slice3A_86 : vector<1x128xf32>
    %add3A_90 = arith.addf %mul3A_88, %mul3A_89 : vector<1x128xf32>
    %mul3A_91 = arith.mulf %slice3A_87, %slice3A_87 : vector<1x128xf32>
    %add3A_92 = arith.addf %add3A_90, %mul3A_91 : vector<1x128xf32>
    %sqrt3A_93 = math.sqrt %add3A_92 : vector<1x128xf32>
    %max3A_94 = arith.constant 9.99999993E-9 : f32
    %max3A_95 = vector.broadcast %max3A_94 : f32 to vector<1x128xf32>
    %max3A_96 = arith.maximumf %sqrt3A_93, %max3A_95 : vector<1x128xf32>
    %sin3A_97 = math.sin %max3A_96 : vector<1x128xf32>
    %div3A_98 = arith.divf %sin3A_97, %max3A_96 : vector<1x128xf32>
    %mul3A_99 = arith.mulf %slice3A_85, %div3A_98 : vector<1x128xf32>
    %mul3A_100 = arith.mulf %slice3A_86, %div3A_98 : vector<1x128xf32>
    %mul3A_101 = arith.mulf %slice3A_87, %div3A_98 : vector<1x128xf32>
    %cos3A_102 = math.cos %max3A_96 : vector<1x128xf32>
    %mul3A_103 = arith.mulf %cos3A_102, %cos3A_102 : vector<1x128xf32>
    %mul3A_104 = arith.mulf %mul3A_99, %mul3A_99 : vector<1x128xf32>
    %add3A_105 = arith.addf %mul3A_103, %mul3A_104 : vector<1x128xf32>
    %mul3A_106 = arith.mulf %mul3A_100, %mul3A_100 : vector<1x128xf32>
    %add3A_107 = arith.addf %add3A_105, %mul3A_106 : vector<1x128xf32>
    %mul3A_108 = arith.mulf %mul3A_101, %mul3A_101 : vector<1x128xf32>
    %add3A_109 = arith.addf %add3A_107, %mul3A_108 : vector<1x128xf32>
    %sqrt3A_110 = math.sqrt %add3A_109 : vector<1x128xf32>
    %max3A_111 = arith.constant 9.99999996E-13 : f32
    %max3A_112 = vector.broadcast %max3A_111 : f32 to vector<1x128xf32>
    %max3A_113 = arith.maximumf %sqrt3A_110, %max3A_112 : vector<1x128xf32>
    %div3A_114 = arith.divf %cos3A_102, %max3A_113 : vector<1x128xf32>
    %div3A_115 = arith.divf %mul3A_99, %max3A_113 : vector<1x128xf32>
    %div3A_116 = arith.divf %mul3A_100, %max3A_113 : vector<1x128xf32>
    %div3A_117 = arith.divf %mul3A_101, %max3A_113 : vector<1x128xf32>
    %mul3A_118 = arith.constant 2.000000e+00 : f32
    %mul3A_119 = vector.broadcast %mul3A_118 : f32 to vector<1x128xf32>
    %mul3A_120 = arith.mulf %mul3A_119, %div3A_115 : vector<1x128xf32>
    %mul3A_121 = arith.constant 2.000000e+00 : f32
    %mul3A_122 = vector.broadcast %mul3A_121 : f32 to vector<1x128xf32>
    %mul3A_123 = arith.mulf %mul3A_122, %div3A_116 : vector<1x128xf32>
    %mul3A_124 = arith.constant 2.000000e+00 : f32
    %mul3A_125 = vector.broadcast %mul3A_124 : f32 to vector<1x128xf32>
    %mul3A_126 = arith.mulf %mul3A_125, %div3A_117 : vector<1x128xf32>
    %mul3A_127 = arith.mulf %mul3A_120, %div3A_114 : vector<1x128xf32>
    %mul3A_128 = arith.mulf %mul3A_123, %div3A_114 : vector<1x128xf32>
    %mul3A_129 = arith.mulf %mul3A_126, %div3A_114 : vector<1x128xf32>
    %mul3A_130 = arith.mulf %mul3A_120, %div3A_115 : vector<1x128xf32>
    %mul3A_131 = arith.mulf %mul3A_123, %div3A_115 : vector<1x128xf32>
    %mul3A_132 = arith.mulf %mul3A_126, %div3A_115 : vector<1x128xf32>
    %mul3A_133 = arith.mulf %mul3A_123, %div3A_116 : vector<1x128xf32>
    %mul3A_134 = arith.mulf %mul3A_126, %div3A_116 : vector<1x128xf32>
    %mul3A_135 = arith.mulf %mul3A_126, %div3A_117 : vector<1x128xf32>
    %broadcast_in_dim3A_136 = arith.constant 1.000000e+00 : f32
    %broadcast_in_dim3A_137 = vector.broadcast %broadcast_in_dim3A_136 : f32 to vector<1x128xf32>
    %add3A_138 = arith.addf %mul3A_133, %mul3A_135 : vector<1x128xf32>
    %sub3A_139 = arith.subf %broadcast_in_dim3A_137, %add3A_138 : vector<1x128xf32>
    %sub3A_140 = arith.subf %mul3A_131, %mul3A_129 : vector<1x128xf32>
    %add3A_141 = arith.addf %mul3A_132, %mul3A_128 : vector<1x128xf32>
    %add3A_142 = arith.addf %mul3A_131, %mul3A_129 : vector<1x128xf32>
    %add3A_143 = arith.addf %mul3A_130, %mul3A_135 : vector<1x128xf32>
    %sub3A_144 = arith.subf %broadcast_in_dim3A_137, %add3A_143 : vector<1x128xf32>
    %sub3A_145 = arith.subf %mul3A_134, %mul3A_127 : vector<1x128xf32>
    %sub3A_146 = arith.subf %mul3A_132, %mul3A_128 : vector<1x128xf32>
    %add3A_147 = arith.addf %mul3A_134, %mul3A_127 : vector<1x128xf32>
    %add3A_148 = arith.addf %mul3A_130, %mul3A_133 : vector<1x128xf32>
    %sub3A_149 = arith.subf %broadcast_in_dim3A_137, %add3A_148 : vector<1x128xf32>
    %slice3A_150 = vector.extract_strided_slice %transpose3A_84 {offsets = [1, 0], sizes = [1, 128], strides = [1, 1]} : vector<3x128xf32> to vector<1x128xf32>
    %concatenate3A_151 = tpu.concatenate %sub3A_139, %add3A_141, %sub3A_144, %sub3A_146, %sub3A_149, %slice3A_150 in 0 : vector<1x128xf32>, vector<1x128xf32>, vector<1x128xf32>, vector<1x128xf32>, vector<1x128xf32>, vector<1x128xf32> -> vector<6x128xf32>
    %slice3A_152 = vector.extract_strided_slice %transpose3A_84 {offsets = [0, 0], sizes = [1, 128], strides = [1, 1]} : vector<3x128xf32> to vector<1x128xf32>
    %slice3A_153 = vector.extract_strided_slice %transpose3A_84 {offsets = [2, 0], sizes = [1, 128], strides = [1, 1]} : vector<3x128xf32> to vector<1x128xf32>
    %concatenate3A_154 = tpu.concatenate %sub3A_140, %add3A_142, %sub3A_145, %add3A_147, %slice3A_152, %slice3A_153 in 0 : vector<1x128xf32>, vector<1x128xf32>, vector<1x128xf32>, vector<1x128xf32>, vector<1x128xf32>, vector<1x128xf32> -> vector<6x128xf32>
    %convert_element_type3A_155 = arith.truncf %concatenate3A_151 : vector<6x128xf32> to vector<6x128xbf16>
    %bitcast_convert_type3A_156 = tpu.bitcast %convert_element_type3A_155 : vector<6x128xbf16> -> vector<6x128xi16>
    %convert_element_type3A_157 = arith.truncf %concatenate3A_154 : vector<6x128xf32> to vector<6x128xbf16>
    %bitcast_convert_type3A_158 = tpu.bitcast %convert_element_type3A_157 : vector<6x128xbf16> -> vector<6x128xi16>
    %convert_element_type3A_159 = arith.extui %bitcast_convert_type3A_158 : vector<6x128xi16> to vector<6x128xi32>
    %shift_left3A_160 = arith.constant 16 : i32
    %shift_left3A_161 = vector.broadcast %shift_left3A_160 : i32 to vector<6x128xi32>
    %shift_left3A_162 = arith.shli %convert_element_type3A_159, %shift_left3A_161 : vector<6x128xi32>
    %convert_element_type3A_163 = arith.extui %bitcast_convert_type3A_156 : vector<6x128xi16> to vector<6x128xi32>
    %or3A_164 = arith.ori %shift_left3A_162, %convert_element_type3A_163 : vector<6x128xi32>
    %bitcast_convert_type3A_165 = tpu.bitcast %or3A_164 : vector<6x128xi32> -> vector<6x128xi32>
    %broadcast_in_dim3A_166 = arith.constant 0 : i32
    %broadcast_in_dim3A_167 = vector.broadcast %broadcast_in_dim3A_166 : i32 to vector<2x128xi32>
    %concatenate3A_168 = tpu.concatenate %bitcast_convert_type3A_165, %broadcast_in_dim3A_167 in 0 : vector<6x128xi32>, vector<2x128xi32> -> vector<8x128xi32>
    %swap3A_169 = arith.constant 8 : index
    %swap3A_170 = arith.constant 0 : index
    %swap3A_171 = vector.load %arg4[%swap3A_169, %swap3A_170] : memref<32x128xi32, #tpu.memory_space<vmem>>, vector<8x128xi32>
    tpu.vector_store %arg4[%swap3A_169, %swap3A_170], %concatenate3A_168 {strides = array<i32>} : memref<32x128xi32, #tpu.memory_space<vmem>>, vector<8x128xi32>,
    %get3A_172 = arith.constant 256 : index
    %get3A_173 = arith.constant 0 : index
    %get3A_174 = vector.load %arg0[%get3A_172, %get3A_173] : memref<512x3xf32, #tpu.memory_space<vmem>>, vector<128x3xf32>
    %transpose3A_175 = tpu.transpose %get3A_174, [1, 0] : vector<128x3xf32> -> vector<3x128xf32>
    %get3A_176 = arith.constant 256 : index
    %get3A_177 = arith.constant 0 : index
    %get3A_178 = vector.load %arg1[%get3A_176, %get3A_177] : memref<512x3xf32, #tpu.memory_space<vmem>>, vector<128x3xf32>
    %transpose3A_179 = tpu.transpose %get3A_178, [1, 0] : vector<128x3xf32> -> vector<3x128xf32>
    %slice3A_180 = vector.extract_strided_slice %transpose3A_175 {offsets = [0, 0], sizes = [1, 128], strides = [1, 1]} : vector<3x128xf32> to vector<1x128xf32>
    %slice3A_181 = vector.extract_strided_slice %transpose3A_175 {offsets = [1, 0], sizes = [1, 128], strides = [1, 1]} : vector<3x128xf32> to vector<1x128xf32>
    %slice3A_182 = vector.extract_strided_slice %transpose3A_175 {offsets = [2, 0], sizes = [1, 128], strides = [1, 1]} : vector<3x128xf32> to vector<1x128xf32>
    %mul3A_183 = arith.mulf %slice3A_180, %slice3A_180 : vector<1x128xf32>
    %mul3A_184 = arith.mulf %slice3A_181, %slice3A_181 : vector<1x128xf32>
    %add3A_185 = arith.addf %mul3A_183, %mul3A_184 : vector<1x128xf32>
    %mul3A_186 = arith.mulf %slice3A_182, %slice3A_182 : vector<1x128xf32>
    %add3A_187 = arith.addf %add3A_185, %mul3A_186 : vector<1x128xf32>
    %sqrt3A_188 = math.sqrt %add3A_187 : vector<1x128xf32>
    %max3A_189 = arith.constant 9.99999993E-9 : f32
    %max3A_190 = vector.broadcast %max3A_189 : f32 to vector<1x128xf32>
    %max3A_191 = arith.maximumf %sqrt3A_188, %max3A_190 : vector<1x128xf32>
    %sin3A_192 = math.sin %max3A_191 : vector<1x128xf32>
    %div3A_193 = arith.divf %sin3A_192, %max3A_191 : vector<1x128xf32>
    %mul3A_194 = arith.mulf %slice3A_180, %div3A_193 : vector<1x128xf32>
    %mul3A_195 = arith.mulf %slice3A_181, %div3A_193 : vector<1x128xf32>
    %mul3A_196 = arith.mulf %slice3A_182, %div3A_193 : vector<1x128xf32>
    %cos3A_197 = math.cos %max3A_191 : vector<1x128xf32>
    %mul3A_198 = arith.mulf %cos3A_197, %cos3A_197 : vector<1x128xf32>
    %mul3A_199 = arith.mulf %mul3A_194, %mul3A_194 : vector<1x128xf32>
    %add3A_200 = arith.addf %mul3A_198, %mul3A_199 : vector<1x128xf32>
    %mul3A_201 = arith.mulf %mul3A_195, %mul3A_195 : vector<1x128xf32>
    %add3A_202 = arith.addf %add3A_200, %mul3A_201 : vector<1x128xf32>
    %mul3A_203 = arith.mulf %mul3A_196, %mul3A_196 : vector<1x128xf32>
    %add3A_204 = arith.addf %add3A_202, %mul3A_203 : vector<1x128xf32>
    %sqrt3A_205 = math.sqrt %add3A_204 : vector<1x128xf32>
    %max3A_206 = arith.constant 9.99999996E-13 : f32
    %max3A_207 = vector.broadcast %max3A_206 : f32 to vector<1x128xf32>
    %max3A_208 = arith.maximumf %sqrt3A_205, %max3A_207 : vector<1x128xf32>
    %div3A_209 = arith.divf %cos3A_197, %max3A_208 : vector<1x128xf32>
    %div3A_210 = arith.divf %mul3A_194, %max3A_208 : vector<1x128xf32>
    %div3A_211 = arith.divf %mul3A_195, %max3A_208 : vector<1x128xf32>
    %div3A_212 = arith.divf %mul3A_196, %max3A_208 : vector<1x128xf32>
    %mul3A_213 = arith.constant 2.000000e+00 : f32
    %mul3A_214 = vector.broadcast %mul3A_213 : f32 to vector<1x128xf32>
    %mul3A_215 = arith.mulf %mul3A_214, %div3A_210 : vector<1x128xf32>
    %mul3A_216 = arith.constant 2.000000e+00 : f32
    %mul3A_217 = vector.broadcast %mul3A_216 : f32 to vector<1x128xf32>
    %mul3A_218 = arith.mulf %mul3A_217, %div3A_211 : vector<1x128xf32>
    %mul3A_219 = arith.constant 2.000000e+00 : f32
    %mul3A_220 = vector.broadcast %mul3A_219 : f32 to vector<1x128xf32>
    %mul3A_221 = arith.mulf %mul3A_220, %div3A_212 : vector<1x128xf32>
    %mul3A_222 = arith.mulf %mul3A_215, %div3A_209 : vector<1x128xf32>
    %mul3A_223 = arith.mulf %mul3A_218, %div3A_209 : vector<1x128xf32>
    %mul3A_224 = arith.mulf %mul3A_221, %div3A_209 : vector<1x128xf32>
    %mul3A_225 = arith.mulf %mul3A_215, %div3A_210 : vector<1x128xf32>
    %mul3A_226 = arith.mulf %mul3A_218, %div3A_210 : vector<1x128xf32>
    %mul3A_227 = arith.mulf %mul3A_221, %div3A_210 : vector<1x128xf32>
    %mul3A_228 = arith.mulf %mul3A_218, %div3A_211 : vector<1x128xf32>
    %mul3A_229 = arith.mulf %mul3A_221, %div3A_211 : vector<1x128xf32>
    %mul3A_230 = arith.mulf %mul3A_221, %div3A_212 : vector<1x128xf32>
    %broadcast_in_dim3A_231 = arith.constant 1.000000e+00 : f32
    %broadcast_in_dim3A_232 = vector.broadcast %broadcast_in_dim3A_231 : f32 to vector<1x128xf32>
    %add3A_233 = arith.addf %mul3A_228, %mul3A_230 : vector<1x128xf32>
    %sub3A_234 = arith.subf %broadcast_in_dim3A_232, %add3A_233 : vector<1x128xf32>
    %sub3A_235 = arith.subf %mul3A_226, %mul3A_224 : vector<1x128xf32>
    %add3A_236 = arith.addf %mul3A_227, %mul3A_223 : vector<1x128xf32>
    %add3A_237 = arith.addf %mul3A_226, %mul3A_224 : vector<1x128xf32>
    %add3A_238 = arith.addf %mul3A_225, %mul3A_230 : vector<1x128xf32>
    %sub3A_239 = arith.subf %broadcast_in_dim3A_232, %add3A_238 : vector<1x128xf32>
    %sub3A_240 = arith.subf %mul3A_229, %mul3A_222 : vector<1x128xf32>
    %sub3A_241 = arith.subf %mul3A_227, %mul3A_223 : vector<1x128xf32>
    %add3A_242 = arith.addf %mul3A_229, %mul3A_222 : vector<1x128xf32>
    %add3A_243 = arith.addf %mul3A_225, %mul3A_228 : vector<1x128xf32>
    %sub3A_244 = arith.subf %broadcast_in_dim3A_232, %add3A_243 : vector<1x128xf32>
    %slice3A_245 = vector.extract_strided_slice %transpose3A_179 {offsets = [1, 0], sizes = [1, 128], strides = [1, 1]} : vector<3x128xf32> to vector<1x128xf32>
    %concatenate3A_246 = tpu.concatenate %sub3A_234, %add3A_236, %sub3A_239, %sub3A_241, %sub3A_244, %slice3A_245 in 0 : vector<1x128xf32>, vector<1x128xf32>, vector<1x128xf32>, vector<1x128xf32>, vector<1x128xf32>, vector<1x128xf32> -> vector<6x128xf32>
    %slice3A_247 = vector.extract_strided_slice %transpose3A_179 {offsets = [0, 0], sizes = [1, 128], strides = [1, 1]} : vector<3x128xf32> to vector<1x128xf32>
    %slice3A_248 = vector.extract_strided_slice %transpose3A_179 {offsets = [2, 0], sizes = [1, 128], strides = [1, 1]} : vector<3x128xf32> to vector<1x128xf32>
    %concatenate3A_249 = tpu.concatenate %sub3A_235, %add3A_237, %sub3A_240, %add3A_242, %slice3A_247, %slice3A_248 in 0 : vector<1x128xf32>, vector<1x128xf32>, vector<1x128xf32>, vector<1x128xf32>, vector<1x128xf32>, vector<1x128xf32> -> vector<6x128xf32>
    %convert_element_type3A_250 = arith.truncf %concatenate3A_246 : vector<6x128xf32> to vector<6x128xbf16>
    %bitcast_convert_type3A_251 = tpu.bitcast %convert_element_type3A_250 : vector<6x128xbf16> -> vector<6x128xi16>
    %convert_element_type3A_252 = arith.truncf %concatenate3A_249 : vector<6x128xf32> to vector<6x128xbf16>
    %bitcast_convert_type3A_253 = tpu.bitcast %convert_element_type3A_252 : vector<6x128xbf16> -> vector<6x128xi16>
    %convert_element_type3A_254 = arith.extui %bitcast_convert_type3A_253 : vector<6x128xi16> to vector<6x128xi32>
    %shift_left3A_255 = arith.constant 16 : i32
    %shift_left3A_256 = vector.broadcast %shift_left3A_255 : i32 to vector<6x128xi32>
    %shift_left3A_257 = arith.shli %convert_element_type3A_254, %shift_left3A_256 : vector<6x128xi32>
    %convert_element_type3A_258 = arith.extui %bitcast_convert_type3A_251 : vector<6x128xi16> to vector<6x128xi32>
    %or3A_259 = arith.ori %shift_left3A_257, %convert_element_type3A_258 : vector<6x128xi32>
    %bitcast_convert_type3A_260 = tpu.bitcast %or3A_259 : vector<6x128xi32> -> vector<6x128xi32>
    %broadcast_in_dim3A_261 = arith.constant 0 : i32
    %broadcast_in_dim3A_262 = vector.broadcast %broadcast_in_dim3A_261 : i32 to vector<2x128xi32>
    %concatenate3A_263 = tpu.concatenate %bitcast_convert_type3A_260, %broadcast_in_dim3A_262 in 0 : vector<6x128xi32>, vector<2x128xi32> -> vector<8x128xi32>
    %swap3A_264 = arith.constant 16 : index
    %swap3A_265 = arith.constant 0 : index
    %swap3A_266 = vector.load %arg4[%swap3A_264, %swap3A_265] : memref<32x128xi32, #tpu.memory_space<vmem>>, vector<8x128xi32>
    tpu.vector_store %arg4[%swap3A_264, %swap3A_265], %concatenate3A_263 {strides = array<i32>} : memref<32x128xi32, #tpu.memory_space<vmem>>, vector<8x128xi32>,
    %get3A_267 = arith.constant 384 : index
    %get3A_268 = arith.constant 0 : index
    %get3A_269 = vector.load %arg0[%get3A_267, %get3A_268] : memref<512x3xf32, #tpu.memory_space<vmem>>, vector<128x3xf32>
    %transpose3A_270 = tpu.transpose %get3A_269, [1, 0] : vector<128x3xf32> -> vector<3x128xf32>
    %get3A_271 = arith.constant 384 : index
    %get3A_272 = arith.constant 0 : index
    %get3A_273 = vector.load %arg1[%get3A_271, %get3A_272] : memref<512x3xf32, #tpu.memory_space<vmem>>, vector<128x3xf32>
    %transpose3A_274 = tpu.transpose %get3A_273, [1, 0] : vector<128x3xf32> -> vector<3x128xf32>
    %slice3A_275 = vector.extract_strided_slice %transpose3A_270 {offsets = [0, 0], sizes = [1, 128], strides = [1, 1]} : vector<3x128xf32> to vector<1x128xf32>
    %slice3A_276 = vector.extract_strided_slice %transpose3A_270 {offsets = [1, 0], sizes = [1, 128], strides = [1, 1]} : vector<3x128xf32> to vector<1x128xf32>
    %slice3A_277 = vector.extract_strided_slice %transpose3A_270 {offsets = [2, 0], sizes = [1, 128], strides = [1, 1]} : vector<3x128xf32> to vector<1x128xf32>
    %mul3A_278 = arith.mulf %slice3A_275, %slice3A_275 : vector<1x128xf32>
    %mul3A_279 = arith.mulf %slice3A_276, %slice3A_276 : vector<1x128xf32>
    %add3A_280 = arith.addf %mul3A_278, %mul3A_279 : vector<1x128xf32>
    %mul3A_281 = arith.mulf %slice3A_277, %slice3A_277 : vector<1x128xf32>
    %add3A_282 = arith.addf %add3A_280, %mul3A_281 : vector<1x128xf32>
    %sqrt3A_283 = math.sqrt %add3A_282 : vector<1x128xf32>
    %max3A_284 = arith.constant 9.99999993E-9 : f32
    %max3A_285 = vector.broadcast %max3A_284 : f32 to vector<1x128xf32>
    %max3A_286 = arith.maximumf %sqrt3A_283, %max3A_285 : vector<1x128xf32>
    %sin3A_287 = math.sin %max3A_286 : vector<1x128xf32>
    %div3A_288 = arith.divf %sin3A_287, %max3A_286 : vector<1x128xf32>
    %mul3A_289 = arith.mulf %slice3A_275, %div3A_288 : vector<1x128xf32>
    %mul3A_290 = arith.mulf %slice3A_276, %div3A_288 : vector<1x128xf32>
    %mul3A_291 = arith.mulf %slice3A_277, %div3A_288 : vector<1x128xf32>
    %cos3A_292 = math.cos %max3A_286 : vector<1x128xf32>
    %mul3A_293 = arith.mulf %cos3A_292, %cos3A_292 : vector<1x128xf32>
    %mul3A_294 = arith.mulf %mul3A_289, %mul3A_289 : vector<1x128xf32>
    %add3A_295 = arith.addf %mul3A_293, %mul3A_294 : vector<1x128xf32>
    %mul3A_296 = arith.mulf %mul3A_290, %mul3A_290 : vector<1x128xf32>
    %add3A_297 = arith.addf %add3A_295, %mul3A_296 : vector<1x128xf32>
    %mul3A_298 = arith.mulf %mul3A_291, %mul3A_291 : vector<1x128xf32>
    %add3A_299 = arith.addf %add3A_297, %mul3A_298 : vector<1x128xf32>
    %sqrt3A_300 = math.sqrt %add3A_299 : vector<1x128xf32>
    %max3A_301 = arith.constant 9.99999996E-13 : f32
    %max3A_302 = vector.broadcast %max3A_301 : f32 to vector<1x128xf32>
    %max3A_303 = arith.maximumf %sqrt3A_300, %max3A_302 : vector<1x128xf32>
    %div3A_304 = arith.divf %cos3A_292, %max3A_303 : vector<1x128xf32>
    %div3A_305 = arith.divf %mul3A_289, %max3A_303 : vector<1x128xf32>
    %div3A_306 = arith.divf %mul3A_290, %max3A_303 : vector<1x128xf32>
    %div3A_307 = arith.divf %mul3A_291, %max3A_303 : vector<1x128xf32>
    %mul3A_308 = arith.constant 2.000000e+00 : f32
    %mul3A_309 = vector.broadcast %mul3A_308 : f32 to vector<1x128xf32>
    %mul3A_310 = arith.mulf %mul3A_309, %div3A_305 : vector<1x128xf32>
    %mul3A_311 = arith.constant 2.000000e+00 : f32
    %mul3A_312 = vector.broadcast %mul3A_311 : f32 to vector<1x128xf32>
    %mul3A_313 = arith.mulf %mul3A_312, %div3A_306 : vector<1x128xf32>
    %mul3A_314 = arith.constant 2.000000e+00 : f32
    %mul3A_315 = vector.broadcast %mul3A_314 : f32 to vector<1x128xf32>
    %mul3A_316 = arith.mulf %mul3A_315, %div3A_307 : vector<1x128xf32>
    %mul3A_317 = arith.mulf %mul3A_310, %div3A_304 : vector<1x128xf32>
    %mul3A_318 = arith.mulf %mul3A_313, %div3A_304 : vector<1x128xf32>
    %mul3A_319 = arith.mulf %mul3A_316, %div3A_304 : vector<1x128xf32>
    %mul3A_320 = arith.mulf %mul3A_310, %div3A_305 : vector<1x128xf32>
    %mul3A_321 = arith.mulf %mul3A_313, %div3A_305 : vector<1x128xf32>
    %mul3A_322 = arith.mulf %mul3A_316, %div3A_305 : vector<1x128xf32>
    %mul3A_323 = arith.mulf %mul3A_313, %div3A_306 : vector<1x128xf32>
    %mul3A_324 = arith.mulf %mul3A_316, %div3A_306 : vector<1x128xf32>
    %mul3A_325 = arith.mulf %mul3A_316, %div3A_307 : vector<1x128xf32>
    %broadcast_in_dim3A_326 = arith.constant 1.000000e+00 : f32
    %broadcast_in_dim3A_327 = vector.broadcast %broadcast_in_dim3A_326 : f32 to vector<1x128xf32>
    %add3A_328 = arith.addf %mul3A_323, %mul3A_325 : vector<1x128xf32>
    %sub3A_329 = arith.subf %broadcast_in_dim3A_327, %add3A_328 : vector<1x128xf32>
    %sub3A_330 = arith.subf %mul3A_321, %mul3A_319 : vector<1x128xf32>
    %add3A_331 = arith.addf %mul3A_322, %mul3A_318 : vector<1x128xf32>
    %add3A_332 = arith.addf %mul3A_321, %mul3A_319 : vector<1x128xf32>
    %add3A_333 = arith.addf %mul3A_320, %mul3A_325 : vector<1x128xf32>
    %sub3A_334 = arith.subf %broadcast_in_dim3A_327, %add3A_333 : vector<1x128xf32>
    %sub3A_335 = arith.subf %mul3A_324, %mul3A_317 : vector<1x128xf32>
    %sub3A_336 = arith.subf %mul3A_322, %mul3A_318 : vector<1x128xf32>
    %add3A_337 = arith.addf %mul3A_324, %mul3A_317 : vector<1x128xf32>
    %add3A_338 = arith.addf %mul3A_320, %mul3A_323 : vector<1x128xf32>
    %sub3A_339 = arith.subf %broadcast_in_dim3A_327, %add3A_338 : vector<1x128xf32>
    %slice3A_340 = vector.extract_strided_slice %transpose3A_274 {offsets = [1, 0], sizes = [1, 128], strides = [1, 1]} : vector<3x128xf32> to vector<1x128xf32>
    %concatenate3A_341 = tpu.concatenate %sub3A_329, %add3A_331, %sub3A_334, %sub3A_336, %sub3A_339, %slice3A_340 in 0 : vector<1x128xf32>, vector<1x128xf32>, vector<1x128xf32>, vector<1x128xf32>, vector<1x128xf32>, vector<1x128xf32> -> vector<6x128xf32>
    %slice3A_342 = vector.extract_strided_slice %transpose3A_274 {offsets = [0, 0], sizes = [1, 128], strides = [1, 1]} : vector<3x128xf32> to vector<1x128xf32>
    %slice3A_343 = vector.extract_strided_slice %transpose3A_274 {offsets = [2, 0], sizes = [1, 128], strides = [1, 1]} : vector<3x128xf32> to vector<1x128xf32>
    %concatenate3A_344 = tpu.concatenate %sub3A_330, %add3A_332, %sub3A_335, %add3A_337, %slice3A_342, %slice3A_343 in 0 : vector<1x128xf32>, vector<1x128xf32>, vector<1x128xf32>, vector<1x128xf32>, vector<1x128xf32>, vector<1x128xf32> -> vector<6x128xf32>
    %convert_element_type3A_345 = arith.truncf %concatenate3A_341 : vector<6x128xf32> to vector<6x128xbf16>
    %bitcast_convert_type3A_346 = tpu.bitcast %convert_element_type3A_345 : vector<6x128xbf16> -> vector<6x128xi16>
    %convert_element_type3A_347 = arith.truncf %concatenate3A_344 : vector<6x128xf32> to vector<6x128xbf16>
    %bitcast_convert_type3A_348 = tpu.bitcast %convert_element_type3A_347 : vector<6x128xbf16> -> vector<6x128xi16>
    %convert_element_type3A_349 = arith.extui %bitcast_convert_type3A_348 : vector<6x128xi16> to vector<6x128xi32>
    %shift_left3A_350 = arith.constant 16 : i32
    %shift_left3A_351 = vector.broadcast %shift_left3A_350 : i32 to vector<6x128xi32>
    %shift_left3A_352 = arith.shli %convert_element_type3A_349, %shift_left3A_351 : vector<6x128xi32>
    %convert_element_type3A_353 = arith.extui %bitcast_convert_type3A_346 : vector<6x128xi16> to vector<6x128xi32>
    %or3A_354 = arith.ori %shift_left3A_352, %convert_element_type3A_353 : vector<6x128xi32>
    %bitcast_convert_type3A_355 = tpu.bitcast %or3A_354 : vector<6x128xi32> -> vector<6x128xi32>
    %broadcast_in_dim3A_356 = arith.constant 0 : i32
    %broadcast_in_dim3A_357 = vector.broadcast %broadcast_in_dim3A_356 : i32 to vector<2x128xi32>
    %concatenate3A_358 = tpu.concatenate %bitcast_convert_type3A_355, %broadcast_in_dim3A_357 in 0 : vector<6x128xi32>, vector<2x128xi32> -> vector<8x128xi32>
    %swap3A_359 = arith.constant 24 : index
    %swap3A_360 = arith.constant 0 : index
    %swap3A_361 = vector.load %arg4[%swap3A_359, %swap3A_360] : memref<32x128xi32, #tpu.memory_space<vmem>>, vector<8x128xi32>
    tpu.vector_store %arg4[%swap3A_359, %swap3A_360], %concatenate3A_358 {strides = array<i32>} : memref<32x128xi32, #tpu.memory_space<vmem>>, vector<8x128xi32>,
    %get3A_362 = arith.constant 0 : index
    %get3A_363 = arith.constant 0 : index
    %get3A_364 = vector.load %arg3[%get3A_362, %get3A_363] : memref<8192x3xf32, #tpu.memory_space<vmem>>, vector<128x3xf32>
    %transpose3A_365 = tpu.transpose %get3A_364, [1, 0] : vector<128x3xf32> -> vector<3x128xf32>
    %slice3A_366 = vector.extract_strided_slice %transpose3A_365 {offsets = [0, 0], sizes = [1, 128], strides = [1, 1]} : vector<3x128xf32> to vector<1x128xf32>
    %slice3A_367 = vector.extract_strided_slice %transpose3A_365 {offsets = [2, 0], sizes = [1, 128], strides = [1, 1]} : vector<3x128xf32> to vector<1x128xf32>
    %concatenate3A_368 = tpu.concatenate %slice3A_366, %slice3A_367 in 0 : vector<1x128xf32>, vector<1x128xf32> -> vector<2x128xf32>
    %slice3A_369 = vector.extract_strided_slice %transpose3A_365 {offsets = [1, 0], sizes = [1, 128], strides = [1, 1]} : vector<3x128xf32> to vector<1x128xf32>
    %broadcast_in_dim3A_370 = arith.constant 0.000000e+00 : f32
    %broadcast_in_dim3A_371 = vector.broadcast %broadcast_in_dim3A_370 : f32 to vector<1x128xf32>
    %concatenate3A_372 = tpu.concatenate %slice3A_369, %broadcast_in_dim3A_371 in 0 : vector<1x128xf32>, vector<1x128xf32> -> vector<2x128xf32>
    %convert_element_type3A_373 = arith.truncf %concatenate3A_368 : vector<2x128xf32> to vector<2x128xbf16>
    %bitcast_convert_type3A_374 = tpu.bitcast %convert_element_type3A_373 : vector<2x128xbf16> -> vector<2x128xi16>
    %convert_element_type3A_375 = arith.truncf %concatenate3A_372 : vector<2x128xf32> to vector<2x128xbf16>
    %bitcast_convert_type3A_376 = tpu.bitcast %convert_element_type3A_375 : vector<2x128xbf16> -> vector<2x128xi16>
    %convert_element_type3A_377 = arith.extui %bitcast_convert_type3A_376 : vector<2x128xi16> to vector<2x128xi32>
    %shift_left3A_378 = arith.constant 16 : i32
    %shift_left3A_379 = vector.broadcast %shift_left3A_378 : i32 to vector<2x128xi32>
    %shift_left3A_380 = arith.shli %convert_element_type3A_377, %shift_left3A_379 : vector<2x128xi32>
    %convert_element_type3A_381 = arith.extui %bitcast_convert_type3A_374 : vector<2x128xi16> to vector<2x128xi32>
    %or3A_382 = arith.ori %shift_left3A_380, %convert_element_type3A_381 : vector<2x128xi32>
    %bitcast_convert_type3A_383 = tpu.bitcast %or3A_382 : vector<2x128xi32> -> vector<2x128xi32>
    %swap3A_384 = arith.constant 0 : index
    %swap3A_385 = arith.constant 0 : index
    %swap3A_386 = vector.load %arg6[%swap3A_384, %swap3A_385] : memref<128x128xi32, #tpu.memory_space<vmem>>, vector<2x128xi32>
    tpu.vector_store %arg6[%swap3A_384, %swap3A_385], %bitcast_convert_type3A_383 {strides = array<i32>} : memref<128x128xi32, #tpu.memory_space<vmem>>, vector<2x128xi32>,
    %get3A_387 = arith.constant 128 : index
    %get3A_388 = arith.constant 0 : index
    %get3A_389 = vector.load %arg3[%get3A_387, %get3A_388] : memref<8192x3xf32, #tpu.memory_space<vmem>>, vector<128x3xf32>
    %transpose3A_390 = tpu.transpose %get3A_389, [1, 0] : vector<128x3xf32> -> vector<3x128xf32>
    %slice3A_391 = vector.extract_strided_slice %transpose3A_390 {offsets = [0, 0], sizes = [1, 128], strides = [1, 1]} : vector<3x128xf32> to vector<1x128xf32>
    %slice3A_392 = vector.extract_strided_slice %transpose3A_390 {offsets = [2, 0], sizes = [1, 128], strides = [1, 1]} : vector<3x128xf32> to vector<1x128xf32>
    %concatenate3A_393 = tpu.concatenate %slice3A_391, %slice3A_392 in 0 : vector<1x128xf32>, vector<1x128xf32> -> vector<2x128xf32>
    %slice3A_394 = vector.extract_strided_slice %transpose3A_390 {offsets = [1, 0], sizes = [1, 128], strides = [1, 1]} : vector<3x128xf32> to vector<1x128xf32>
    %broadcast_in_dim3A_395 = arith.constant 0.000000e+00 : f32
    %broadcast_in_dim3A_396 = vector.broadcast %broadcast_in_dim3A_395 : f32 to vector<1x128xf32>
    %concatenate3A_397 = tpu.concatenate %slice3A_394, %broadcast_in_dim3A_396 in 0 : vector<1x128xf32>, vector<1x128xf32> -> vector<2x128xf32>
    %convert_element_type3A_398 = arith.truncf %concatenate3A_393 : vector<2x128xf32> to vector<2x128xbf16>
    %bitcast_convert_type3A_399 = tpu.bitcast %convert_element_type3A_398 : vector<2x128xbf16> -> vector<2x128xi16>
    %convert_element_type3A_400 = arith.truncf %concatenate3A_397 : vector<2x128xf32> to vector<2x128xbf16>
    %bitcast_convert_type3A_401 = tpu.bitcast %convert_element_type3A_400 : vector<2x128xbf16> -> vector<2x128xi16>
    %convert_element_type3A_402 = arith.extui %bitcast_convert_type3A_401 : vector<2x128xi16> to vector<2x128xi32>
    %shift_left3A_403 = arith.constant 16 : i32
    %shift_left3A_404 = vector.broadcast %shift_left3A_403 : i32 to vector<2x128xi32>
    %shift_left3A_405 = arith.shli %convert_element_type3A_402, %shift_left3A_404 : vector<2x128xi32>
    %convert_element_type3A_406 = arith.extui %bitcast_convert_type3A_399 : vector<2x128xi16> to vector<2x128xi32>
    %or3A_407 = arith.ori %shift_left3A_405, %convert_element_type3A_406 : vector<2x128xi32>
    %bitcast_convert_type3A_408 = tpu.bitcast %or3A_407 : vector<2x128xi32> -> vector<2x128xi32>
    %swap3A_409 = arith.constant 2 : index
    %swap3A_410 = arith.constant 0 : index
    %swap3A_411 = vector.load %arg6[%swap3A_409, %swap3A_410] : memref<128x128xi32, #tpu.memory_space<vmem>>, vector<2x128xi32>
    tpu.vector_store %arg6[%swap3A_409, %swap3A_410], %bitcast_convert_type3A_408 {strides = array<i32>} : memref<128x128xi32, #tpu.memory_space<vmem>>, vector<2x128xi32>,
    %get3A_412 = arith.constant 256 : index
    %get3A_413 = arith.constant 0 : index
    %get3A_414 = vector.load %arg3[%get3A_412, %get3A_413] : memref<8192x3xf32, #tpu.memory_space<vmem>>, vector<128x3xf32>
    %transpose3A_415 = tpu.transpose %get3A_414, [1, 0] : vector<128x3xf32> -> vector<3x128xf32>
    %slice3A_416 = vector.extract_strided_slice %transpose3A_415 {offsets = [0, 0], sizes = [1, 128], strides = [1, 1]} : vector<3x128xf32> to vector<1x128xf32>
    %slice3A_417 = vector.extract_strided_slice %transpose3A_415 {offsets = [2, 0], sizes = [1, 128], strides = [1, 1]} : vector<3x128xf32> to vector<1x128xf32>
    %concatenate3A_418 = tpu.concatenate %slice3A_416, %slice3A_417 in 0 : vector<1x128xf32>, vector<1x128xf32> -> vector<2x128xf32>
    %slice3A_419 = vector.extract_strided_slice %transpose3A_415 {offsets = [1, 0], sizes = [1, 128], strides = [1, 1]} : vector<3x128xf32> to vector<1x128xf32>
    %broadcast_in_dim3A_420 = arith.constant 0.000000e+00 : f32
    %broadcast_in_dim3A_421 = vector.broadcast %broadcast_in_dim3A_420 : f32 to vector<1x128xf32>
    %concatenate3A_422 = tpu.concatenate %slice3A_419, %broadcast_in_dim3A_421 in 0 : vector<1x128xf32>, vector<1x128xf32> -> vector<2x128xf32>
    %convert_element_type3A_423 = arith.truncf %concatenate3A_418 : vector<2x128xf32> to vector<2x128xbf16>
    %bitcast_convert_type3A_424 = tpu.bitcast %convert_element_type3A_423 : vector<2x128xbf16> -> vector<2x128xi16>
    %convert_element_type3A_425 = arith.truncf %concatenate3A_422 : vector<2x128xf32> to vector<2x128xbf16>
    %bitcast_convert_type3A_426 = tpu.bitcast %convert_element_type3A_425 : vector<2x128xbf16> -> vector<2x128xi16>
    %convert_element_type3A_427 = arith.extui %bitcast_convert_type3A_426 : vector<2x128xi16> to vector<2x128xi32>
    %shift_left3A_428 = arith.constant 16 : i32
    %shift_left3A_429 = vector.broadcast %shift_left3A_428 : i32 to vector<2x128xi32>
    %shift_left3A_430 = arith.shli %convert_element_type3A_427, %shift_left3A_429 : vector<2x128xi32>
    %convert_element_type3A_431 = arith.extui %bitcast_convert_type3A_424 : vector<2x128xi16> to vector<2x128xi32>
    %or3A_432 = arith.ori %shift_left3A_430, %convert_element_type3A_431 : vector<2x128xi32>
    %bitcast_convert_type3A_433 = tpu.bitcast %or3A_432 : vector<2x128xi32> -> vector<2x128xi32>
    %swap3A_434 = arith.constant 4 : index
    %swap3A_435 = arith.constant 0 : index
    %swap3A_436 = vector.load %arg6[%swap3A_434, %swap3A_435] : memref<128x128xi32, #tpu.memory_space<vmem>>, vector<2x128xi32>
    tpu.vector_store %arg6[%swap3A_434, %swap3A_435], %bitcast_convert_type3A_433 {strides = array<i32>} : memref<128x128xi32, #tpu.memory_space<vmem>>, vector<2x128xi32>,
    %get3A_437 = arith.constant 384 : index
    %get3A_438 = arith.constant 0 : index
    %get3A_439 = vector.load %arg3[%get3A_437, %get3A_438] : memref<8192x3xf32, #tpu.memory_space<vmem>>, vector<128x3xf32>
    %transpose3A_440 = tpu.transpose %get3A_439, [1, 0] : vector<128x3xf32> -> vector<3x128xf32>
    %slice3A_441 = vector.extract_strided_slice %transpose3A_440 {offsets = [0, 0], sizes = [1, 128], strides = [1, 1]} : vector<3x128xf32> to vector<1x128xf32>
    %slice3A_442 = vector.extract_strided_slice %transpose3A_440 {offsets = [2, 0], sizes = [1, 128], strides = [1, 1]} : vector<3x128xf32> to vector<1x128xf32>
    %concatenate3A_443 = tpu.concatenate %slice3A_441, %slice3A_442 in 0 : vector<1x128xf32>, vector<1x128xf32> -> vector<2x128xf32>
    %slice3A_444 = vector.extract_strided_slice %transpose3A_440 {offsets = [1, 0], sizes = [1, 128], strides = [1, 1]} : vector<3x128xf32> to vector<1x128xf32>
    %broadcast_in_dim3A_445 = arith.constant 0.000000e+00 : f32
    %broadcast_in_dim3A_446 = vector.broadcast %broadcast_in_dim3A_445 : f32 to vector<1x128xf32>
    %concatenate3A_447 = tpu.concatenate %slice3A_444, %broadcast_in_dim3A_446 in 0 : vector<1x128xf32>, vector<1x128xf32> -> vector<2x128xf32>
    %convert_element_type3A_448 = arith.truncf %concatenate3A_443 : vector<2x128xf32> to vector<2x128xbf16>
    %bitcast_convert_type3A_449 = tpu.bitcast %convert_element_type3A_448 : vector<2x128xbf16> -> vector<2x128xi16>
    %convert_element_type3A_450 = arith.truncf %concatenate3A_447 : vector<2x128xf32> to vector<2x128xbf16>
    %bitcast_convert_type3A_451 = tpu.bitcast %convert_element_type3A_450 : vector<2x128xbf16> -> vector<2x128xi16>
    %convert_element_type3A_452 = arith.extui %bitcast_convert_type3A_451 : vector<2x128xi16> to vector<2x128xi32>
    %shift_left3A_453 = arith.constant 16 : i32
    %shift_left3A_454 = vector.broadcast %shift_left3A_453 : i32 to vector<2x128xi32>
    %shift_left3A_455 = arith.shli %convert_element_type3A_452, %shift_left3A_454 : vector<2x128xi32>
    %convert_element_type3A_456 = arith.extui %bitcast_convert_type3A_449 : vector<2x128xi16> to vector<2x128xi32>
    %or3A_457 = arith.ori %shift_left3A_455, %convert_element_type3A_456 : vector<2x128xi32>
    %bitcast_convert_type3A_458 = tpu.bitcast %or3A_457 : vector<2x128xi32> -> vector<2x128xi32>
    %swap3A_459 = arith.constant 6 : index
    %swap3A_460 = arith.constant 0 : index
    %swap3A_461 = vector.load %arg6[%swap3A_459, %swap3A_460] : memref<128x128xi32, #tpu.memory_space<vmem>>, vector<2x128xi32>
    tpu.vector_store %arg6[%swap3A_459, %swap3A_460], %bitcast_convert_type3A_458 {strides = array<i32>} : memref<128x128xi32, #tpu.memory_space<vmem>>, vector<2x128xi32>,
    %get3A_462 = arith.constant 512 : index
    %get3A_463 = arith.constant 0 : index
    %get3A_464 = vector.load %arg3[%get3A_462, %get3A_463] : memref<8192x3xf32, #tpu.memory_space<vmem>>, vector<128x3xf32>
    %transpose3A_465 = tpu.transpose %get3A_464, [1, 0] : vector<128x3xf32> -> vector<3x128xf32>
    %slice3A_466 = vector.extract_strided_slice %transpose3A_465 {offsets = [0, 0], sizes = [1, 128], strides = [1, 1]} : vector<3x128xf32> to vector<1x128xf32>
    %slice3A_467 = vector.extract_strided_slice %transpose3A_465 {offsets = [2, 0], sizes = [1, 128], strides = [1, 1]} : vector<3x128xf32> to vector<1x128xf32>
    %concatenate3A_468 = tpu.concatenate %slice3A_466, %slice3A_467 in 0 : vector<1x128xf32>, vector<1x128xf32> -> vector<2x128xf32>
    %slice3A_469 = vector.extract_strided_slice %transpose3A_465 {offsets = [1, 0], sizes = [1, 128], strides = [1, 1]} : vector<3x128xf32> to vector<1x128xf32>
    %broadcast_in_dim3A_470 = arith.constant 0.000000e+00 : f32
    %broadcast_in_dim3A_471 = vector.broadcast %broadcast_in_dim3A_470 : f32 to vector<1x128xf32>
    %concatenate3A_472 = tpu.concatenate %slice3A_469, %broadcast_in_dim3A_471 in 0 : vector<1x128xf32>, vector<1x128xf32> -> vector<2x128xf32>
    %convert_element_type3A_473 = arith.truncf %concatenate3A_468 : vector<2x128xf32> to vector<2x128xbf16>
    %bitcast_convert_type3A_474 = tpu.bitcast %convert_element_type3A_473 : vector<2x128xbf16> -> vector<2x128xi16>
    %convert_element_type3A_475 = arith.truncf %concatenate3A_472 : vector<2x128xf32> to vector<2x128xbf16>
    %bitcast_convert_type3A_476 = tpu.bitcast %convert_element_type3A_475 : vector<2x128xbf16> -> vector<2x128xi16>
    %convert_element_type3A_477 = arith.extui %bitcast_convert_type3A_476 : vector<2x128xi16> to vector<2x128xi32>
    %shift_left3A_478 = arith.constant 16 : i32
    %shift_left3A_479 = vector.broadcast %shift_left3A_478 : i32 to vector<2x128xi32>
    %shift_left3A_480 = arith.shli %convert_element_type3A_477, %shift_left3A_479 : vector<2x128xi32>
    %convert_element_type3A_481 = arith.extui %bitcast_convert_type3A_474 : vector<2x128xi16> to vector<2x128xi32>
    %or3A_482 = arith.ori %shift_left3A_480, %convert_element_type3A_481 : vector<2x128xi32>
    %bitcast_convert_type3A_483 = tpu.bitcast %or3A_482 : vector<2x128xi32> -> vector<2x128xi32>
    %swap3A_484 = arith.constant 8 : index
    %swap3A_485 = arith.constant 0 : index
    %swap3A_486 = vector.load %arg6[%swap3A_484, %swap3A_485] : memref<128x128xi32, #tpu.memory_space<vmem>>, vector<2x128xi32>
    tpu.vector_store %arg6[%swap3A_484, %swap3A_485], %bitcast_convert_type3A_483 {strides = array<i32>} : memref<128x128xi32, #tpu.memory_space<vmem>>, vector<2x128xi32>,
    %get3A_487 = arith.constant 640 : index
    %get3A_488 = arith.constant 0 : index
    %get3A_489 = vector.load %arg3[%get3A_487, %get3A_488] : memref<8192x3xf32, #tpu.memory_space<vmem>>, vector<128x3xf32>
    %transpose3A_490 = tpu.transpose %get3A_489, [1, 0] : vector<128x3xf32> -> vector<3x128xf32>
    %slice3A_491 = vector.extract_strided_slice %transpose3A_490 {offsets = [0, 0], sizes = [1, 128], strides = [1, 1]} : vector<3x128xf32> to vector<1x128xf32>
    %slice3A_492 = vector.extract_strided_slice %transpose3A_490 {offsets = [2, 0], sizes = [1, 128], strides = [1, 1]} : vector<3x128xf32> to vector<1x128xf32>
    %concatenate3A_493 = tpu.concatenate %slice3A_491, %slice3A_492 in 0 : vector<1x128xf32>, vector<1x128xf32> -> vector<2x128xf32>
    %slice3A_494 = vector.extract_strided_slice %transpose3A_490 {offsets = [1, 0], sizes = [1, 128], strides = [1, 1]} : vector<3x128xf32> to vector<1x128xf32>
    %broadcast_in_dim3A_495 = arith.constant 0.000000e+00 : f32
    %broadcast_in_dim3A_496 = vector.broadcast %broadcast_in_dim3A_495 : f32 to vector<1x128xf32>
    %concatenate3A_497 = tpu.concatenate %slice3A_494, %broadcast_in_dim3A_496 in 0 : vector<1x128xf32>, vector<1x128xf32> -> vector<2x128xf32>
    %convert_element_type3A_498 = arith.truncf %concatenate3A_493 : vector<2x128xf32> to vector<2x128xbf16>
    %bitcast_convert_type3A_499 = tpu.bitcast %convert_element_type3A_498 : vector<2x128xbf16> -> vector<2x128xi16>
    %convert_element_type3A_500 = arith.truncf %concatenate3A_497 : vector<2x128xf32> to vector<2x128xbf16>
    %bitcast_convert_type3A_501 = tpu.bitcast %convert_element_type3A_500 : vector<2x128xbf16> -> vector<2x128xi16>
    %convert_element_type3A_502 = arith.extui %bitcast_convert_type3A_501 : vector<2x128xi16> to vector<2x128xi32>
    %shift_left3A_503 = arith.constant 16 : i32
    %shift_left3A_504 = vector.broadcast %shift_left3A_503 : i32 to vector<2x128xi32>
    %shift_left3A_505 = arith.shli %convert_element_type3A_502, %shift_left3A_504 : vector<2x128xi32>
    %convert_element_type3A_506 = arith.extui %bitcast_convert_type3A_499 : vector<2x128xi16> to vector<2x128xi32>
    %or3A_507 = arith.ori %shift_left3A_505, %convert_element_type3A_506 : vector<2x128xi32>
    %bitcast_convert_type3A_508 = tpu.bitcast %or3A_507 : vector<2x128xi32> -> vector<2x128xi32>
    %swap3A_509 = arith.constant 10 : index
    %swap3A_510 = arith.constant 0 : index
    %swap3A_511 = vector.load %arg6[%swap3A_509, %swap3A_510] : memref<128x128xi32, #tpu.memory_space<vmem>>, vector<2x128xi32>
    tpu.vector_store %arg6[%swap3A_509, %swap3A_510], %bitcast_convert_type3A_508 {strides = array<i32>} : memref<128x128xi32, #tpu.memory_space<vmem>>, vector<2x128xi32>,
    %get3A_512 = arith.constant 768 : index
    %get3A_513 = arith.constant 0 : index
    %get3A_514 = vector.load %arg3[%get3A_512, %get3A_513] : memref<8192x3xf32, #tpu.memory_space<vmem>>, vector<128x3xf32>
    %transpose3A_515 = tpu.transpose %get3A_514, [1, 0] : vector<128x3xf32> -> vector<3x128xf32>
    %slice3A_516 = vector.extract_strided_slice %transpose3A_515 {offsets = [0, 0], sizes = [1, 128], strides = [1, 1]} : vector<3x128xf32> to vector<1x128xf32>
    %slice3A_517 = vector.extract_strided_slice %transpose3A_515 {offsets = [2, 0], sizes = [1, 128], strides = [1, 1]} : vector<3x128xf32> to vector<1x128xf32>
    %concatenate3A_518 = tpu.concatenate %slice3A_516, %slice3A_517 in 0 : vector<1x128xf32>, vector<1x128xf32> -> vector<2x128xf32>
    %slice3A_519 = vector.extract_strided_slice %transpose3A_515 {offsets = [1, 0], sizes = [1, 128], strides = [1, 1]} : vector<3x128xf32> to vector<1x128xf32>
    %broadcast_in_dim3A_520 = arith.constant 0.000000e+00 : f32
    %broadcast_in_dim3A_521 = vector.broadcast %broadcast_in_dim3A_520 : f32 to vector<1x128xf32>
    %concatenate3A_522 = tpu.concatenate %slice3A_519, %broadcast_in_dim3A_521 in 0 : vector<1x128xf32>, vector<1x128xf32> -> vector<2x128xf32>
    %convert_element_type3A_523 = arith.truncf %concatenate3A_518 : vector<2x128xf32> to vector<2x128xbf16>
    %bitcast_convert_type3A_524 = tpu.bitcast %convert_element_type3A_523 : vector<2x128xbf16> -> vector<2x128xi16>
    %convert_element_type3A_525 = arith.truncf %concatenate3A_522 : vector<2x128xf32> to vector<2x128xbf16>
    %bitcast_convert_type3A_526 = tpu.bitcast %convert_element_type3A_525 : vector<2x128xbf16> -> vector<2x128xi16>
    %convert_element_type3A_527 = arith.extui %bitcast_convert_type3A_526 : vector<2x128xi16> to vector<2x128xi32>
    %shift_left3A_528 = arith.constant 16 : i32
    %shift_left3A_529 = vector.broadcast %shift_left3A_528 : i32 to vector<2x128xi32>
    %shift_left3A_530 = arith.shli %convert_element_type3A_527, %shift_left3A_529 : vector<2x128xi32>
    %convert_element_type3A_531 = arith.extui %bitcast_convert_type3A_524 : vector<2x128xi16> to vector<2x128xi32>
    %or3A_532 = arith.ori %shift_left3A_530, %convert_element_type3A_531 : vector<2x128xi32>
    %bitcast_convert_type3A_533 = tpu.bitcast %or3A_532 : vector<2x128xi32> -> vector<2x128xi32>
    %swap3A_534 = arith.constant 12 : index
    %swap3A_535 = arith.constant 0 : index
    %swap3A_536 = vector.load %arg6[%swap3A_534, %swap3A_535] : memref<128x128xi32, #tpu.memory_space<vmem>>, vector<2x128xi32>
    tpu.vector_store %arg6[%swap3A_534, %swap3A_535], %bitcast_convert_type3A_533 {strides = array<i32>} : memref<128x128xi32, #tpu.memory_space<vmem>>, vector<2x128xi32>,
    %get3A_537 = arith.constant 896 : index
    %get3A_538 = arith.constant 0 : index
    %get3A_539 = vector.load %arg3[%get3A_537, %get3A_538] : memref<8192x3xf32, #tpu.memory_space<vmem>>, vector<128x3xf32>
    %transpose3A_540 = tpu.transpose %get3A_539, [1, 0] : vector<128x3xf32> -> vector<3x128xf32>
    %slice3A_541 = vector.extract_strided_slice %transpose3A_540 {offsets = [0, 0], sizes = [1, 128], strides = [1, 1]} : vector<3x128xf32> to vector<1x128xf32>
    %slice3A_542 = vector.extract_strided_slice %transpose3A_540 {offsets = [2, 0], sizes = [1, 128], strides = [1, 1]} : vector<3x128xf32> to vector<1x128xf32>
    %concatenate3A_543 = tpu.concatenate %slice3A_541, %slice3A_542 in 0 : vector<1x128xf32>, vector<1x128xf32> -> vector<2x128xf32>
    %slice3A_544 = vector.extract_strided_slice %transpose3A_540 {offsets = [1, 0], sizes = [1, 128], strides = [1, 1]} : vector<3x128xf32> to vector<1x128xf32>
    %broadcast_in_dim3A_545 = arith.constant 0.000000e+00 : f32
    %broadcast_in_dim3A_546 = vector.broadcast %broadcast_in_dim3A_545 : f32 to vector<1x128xf32>
    %concatenate3A_547 = tpu.concatenate %slice3A_544, %broadcast_in_dim3A_546 in 0 : vector<1x128xf32>, vector<1x128xf32> -> vector<2x128xf32>
    %convert_element_type3A_548 = arith.truncf %concatenate3A_543 : vector<2x128xf32> to vector<2x128xbf16>
    %bitcast_convert_type3A_549 = tpu.bitcast %convert_element_type3A_548 : vector<2x128xbf16> -> vector<2x128xi16>
    %convert_element_type3A_550 = arith.truncf %concatenate3A_547 : vector<2x128xf32> to vector<2x128xbf16>
    %bitcast_convert_type3A_551 = tpu.bitcast %convert_element_type3A_550 : vector<2x128xbf16> -> vector<2x128xi16>
    %convert_element_type3A_552 = arith.extui %bitcast_convert_type3A_551 : vector<2x128xi16> to vector<2x128xi32>
    %shift_left3A_553 = arith.constant 16 : i32
    %shift_left3A_554 = vector.broadcast %shift_left3A_553 : i32 to vector<2x128xi32>
    %shift_left3A_555 = arith.shli %convert_element_type3A_552, %shift_left3A_554 : vector<2x128xi32>
    %convert_element_type3A_556 = arith.extui %bitcast_convert_type3A_549 : vector<2x128xi16> to vector<2x128xi32>
    %or3A_557 = arith.ori %shift_left3A_555, %convert_element_type3A_556 : vector<2x128xi32>
    %bitcast_convert_type3A_558 = tpu.bitcast %or3A_557 : vector<2x128xi32> -> vector<2x128xi32>
    %swap3A_559 = arith.constant 14 : index
    %swap3A_560 = arith.constant 0 : index
    %swap3A_561 = vector.load %arg6[%swap3A_559, %swap3A_560] : memref<128x128xi32, #tpu.memory_space<vmem>>, vector<2x128xi32>
    tpu.vector_store %arg6[%swap3A_559, %swap3A_560], %bitcast_convert_type3A_558 {strides = array<i32>} : memref<128x128xi32, #tpu.memory_space<vmem>>, vector<2x128xi32>,
    %get3A_562 = arith.constant 1024 : index
    %get3A_563 = arith.constant 0 : index
    %get3A_564 = vector.load %arg3[%get3A_562, %get3A_563] : memref<8192x3xf32, #tpu.memory_space<vmem>>, vector<128x3xf32>
    %transpose3A_565 = tpu.transpose %get3A_564, [1, 0] : vector<128x3xf32> -> vector<3x128xf32>
    %slice3A_566 = vector.extract_strided_slice %transpose3A_565 {offsets = [0, 0], sizes = [1, 128], strides = [1, 1]} : vector<3x128xf32> to vector<1x128xf32>
    %slice3A_567 = vector.extract_strided_slice %transpose3A_565 {offsets = [2, 0], sizes = [1, 128], strides = [1, 1]} : vector<3x128xf32> to vector<1x128xf32>
    %concatenate3A_568 = tpu.concatenate %slice3A_566, %slice3A_567 in 0 : vector<1x128xf32>, vector<1x128xf32> -> vector<2x128xf32>
    %slice3A_569 = vector.extract_strided_slice %transpose3A_565 {offsets = [1, 0], sizes = [1, 128], strides = [1, 1]} : vector<3x128xf32> to vector<1x128xf32>
    %broadcast_in_dim3A_570 = arith.constant 0.000000e+00 : f32
    %broadcast_in_dim3A_571 = vector.broadcast %broadcast_in_dim3A_570 : f32 to vector<1x128xf32>
    %concatenate3A_572 = tpu.concatenate %slice3A_569, %broadcast_in_dim3A_571 in 0 : vector<1x128xf32>, vector<1x128xf32> -> vector<2x128xf32>
    %convert_element_type3A_573 = arith.truncf %concatenate3A_568 : vector<2x128xf32> to vector<2x128xbf16>
    %bitcast_convert_type3A_574 = tpu.bitcast %convert_element_type3A_573 : vector<2x128xbf16> -> vector<2x128xi16>
    %convert_element_type3A_575 = arith.truncf %concatenate3A_572 : vector<2x128xf32> to vector<2x128xbf16>
    %bitcast_convert_type3A_576 = tpu.bitcast %convert_element_type3A_575 : vector<2x128xbf16> -> vector<2x128xi16>
    %convert_element_type3A_577 = arith.extui %bitcast_convert_type3A_576 : vector<2x128xi16> to vector<2x128xi32>
    %shift_left3A_578 = arith.constant 16 : i32
    %shift_left3A_579 = vector.broadcast %shift_left3A_578 : i32 to vector<2x128xi32>
    %shift_left3A_580 = arith.shli %convert_element_type3A_577, %shift_left3A_579 : vector<2x128xi32>
    %convert_element_type3A_581 = arith.extui %bitcast_convert_type3A_574 : vector<2x128xi16> to vector<2x128xi32>
    %or3A_582 = arith.ori %shift_left3A_580, %convert_element_type3A_581 : vector<2x128xi32>
    %bitcast_convert_type3A_583 = tpu.bitcast %or3A_582 : vector<2x128xi32> -> vector<2x128xi32>
    %swap3A_584 = arith.constant 16 : index
    %swap3A_585 = arith.constant 0 : index
    %swap3A_586 = vector.load %arg6[%swap3A_584, %swap3A_585] : memref<128x128xi32, #tpu.memory_space<vmem>>, vector<2x128xi32>
    tpu.vector_store %arg6[%swap3A_584, %swap3A_585], %bitcast_convert_type3A_583 {strides = array<i32>} : memref<128x128xi32, #tpu.memory_space<vmem>>, vector<2x128xi32>,
    %get3A_587 = arith.constant 1152 : index
    %get3A_588 = arith.constant 0 : index
    %get3A_589 = vector.load %arg3[%get3A_587, %get3A_588] : memref<8192x3xf32, #tpu.memory_space<vmem>>, vector<128x3xf32>
    %transpose3A_590 = tpu.transpose %get3A_589, [1, 0] : vector<128x3xf32> -> vector<3x128xf32>
    %slice3A_591 = vector.extract_strided_slice %transpose3A_590 {offsets = [0, 0], sizes = [1, 128], strides = [1, 1]} : vector<3x128xf32> to vector<1x128xf32>
    %slice3A_592 = vector.extract_strided_slice %transpose3A_590 {offsets = [2, 0], sizes = [1, 128], strides = [1, 1]} : vector<3x128xf32> to vector<1x128xf32>
    %concatenate3A_593 = tpu.concatenate %slice3A_591, %slice3A_592 in 0 : vector<1x128xf32>, vector<1x128xf32> -> vector<2x128xf32>
    %slice3A_594 = vector.extract_strided_slice %transpose3A_590 {offsets = [1, 0], sizes = [1, 128], strides = [1, 1]} : vector<3x128xf32> to vector<1x128xf32>
    %broadcast_in_dim3A_595 = arith.constant 0.000000e+00 : f32
    %broadcast_in_dim3A_596 = vector.broadcast %broadcast_in_dim3A_595 : f32 to vector<1x128xf32>
    %concatenate3A_597 = tpu.concatenate %slice3A_594, %broadcast_in_dim3A_596 in 0 : vector<1x128xf32>, vector<1x128xf32> -> vector<2x128xf32>
    %convert_element_type3A_598 = arith.truncf %concatenate3A_593 : vector<2x128xf32> to vector<2x128xbf16>
    %bitcast_convert_type3A_599 = tpu.bitcast %convert_element_type3A_598 : vector<2x128xbf16> -> vector<2x128xi16>
    %convert_element_type3A_600 = arith.truncf %concatenate3A_597 : vector<2x128xf32> to vector<2x128xbf16>
    %bitcast_convert_type3A_601 = tpu.bitcast %convert_element_type3A_600 : vector<2x128xbf16> -> vector<2x128xi16>
    %convert_element_type3A_602 = arith.extui %bitcast_convert_type3A_601 : vector<2x128xi16> to vector<2x128xi32>
    %shift_left3A_603 = arith.constant 16 : i32
    %shift_left3A_604 = vector.broadcast %shift_left3A_603 : i32 to vector<2x128xi32>
    %shift_left3A_605 = arith.shli %convert_element_type3A_602, %shift_left3A_604 : vector<2x128xi32>
    %convert_element_type3A_606 = arith.extui %bitcast_convert_type3A_599 : vector<2x128xi16> to vector<2x128xi32>
    %or3A_607 = arith.ori %shift_left3A_605, %convert_element_type3A_606 : vector<2x128xi32>
    %bitcast_convert_type3A_608 = tpu.bitcast %or3A_607 : vector<2x128xi32> -> vector<2x128xi32>
    %swap3A_609 = arith.constant 18 : index
    %swap3A_610 = arith.constant 0 : index
    %swap3A_611 = vector.load %arg6[%swap3A_609, %swap3A_610] : memref<128x128xi32, #tpu.memory_space<vmem>>, vector<2x128xi32>
    tpu.vector_store %arg6[%swap3A_609, %swap3A_610], %bitcast_convert_type3A_608 {strides = array<i32>} : memref<128x128xi32, #tpu.memory_space<vmem>>, vector<2x128xi32>,
    %get3A_612 = arith.constant 1280 : index
    %get3A_613 = arith.constant 0 : index
    %get3A_614 = vector.load %arg3[%get3A_612, %get3A_613] : memref<8192x3xf32, #tpu.memory_space<vmem>>, vector<128x3xf32>
    %transpose3A_615 = tpu.transpose %get3A_614, [1, 0] : vector<128x3xf32> -> vector<3x128xf32>
    %slice3A_616 = vector.extract_strided_slice %transpose3A_615 {offsets = [0, 0], sizes = [1, 128], strides = [1, 1]} : vector<3x128xf32> to vector<1x128xf32>
    %slice3A_617 = vector.extract_strided_slice %transpose3A_615 {offsets = [2, 0], sizes = [1, 128], strides = [1, 1]} : vector<3x128xf32> to vector<1x128xf32>
    %concatenate3A_618 = tpu.concatenate %slice3A_616, %slice3A_617 in 0 : vector<1x128xf32>, vector<1x128xf32> -> vector<2x128xf32>
    %slice3A_619 = vector.extract_strided_slice %transpose3A_615 {offsets = [1, 0], sizes = [1, 128], strides = [1, 1]} : vector<3x128xf32> to vector<1x128xf32>
    %broadcast_in_dim3A_620 = arith.constant 0.000000e+00 : f32
    %broadcast_in_dim3A_621 = vector.broadcast %broadcast_in_dim3A_620 : f32 to vector<1x128xf32>
    %concatenate3A_622 = tpu.concatenate %slice3A_619, %broadcast_in_dim3A_621 in 0 : vector<1x128xf32>, vector<1x128xf32> -> vector<2x128xf32>
    %convert_element_type3A_623 = arith.truncf %concatenate3A_618 : vector<2x128xf32> to vector<2x128xbf16>
    %bitcast_convert_type3A_624 = tpu.bitcast %convert_element_type3A_623 : vector<2x128xbf16> -> vector<2x128xi16>
    %convert_element_type3A_625 = arith.truncf %concatenate3A_622 : vector<2x128xf32> to vector<2x128xbf16>
    %bitcast_convert_type3A_626 = tpu.bitcast %convert_element_type3A_625 : vector<2x128xbf16> -> vector<2x128xi16>
    %convert_element_type3A_627 = arith.extui %bitcast_convert_type3A_626 : vector<2x128xi16> to vector<2x128xi32>
    %shift_left3A_628 = arith.constant 16 : i32
    %shift_left3A_629 = vector.broadcast %shift_left3A_628 : i32 to vector<2x128xi32>
    %shift_left3A_630 = arith.shli %convert_element_type3A_627, %shift_left3A_629 : vector<2x128xi32>
    %convert_element_type3A_631 = arith.extui %bitcast_convert_type3A_624 : vector<2x128xi16> to vector<2x128xi32>
    %or3A_632 = arith.ori %shift_left3A_630, %convert_element_type3A_631 : vector<2x128xi32>
    %bitcast_convert_type3A_633 = tpu.bitcast %or3A_632 : vector<2x128xi32> -> vector<2x128xi32>
    %swap3A_634 = arith.constant 20 : index
    %swap3A_635 = arith.constant 0 : index
    %swap3A_636 = vector.load %arg6[%swap3A_634, %swap3A_635] : memref<128x128xi32, #tpu.memory_space<vmem>>, vector<2x128xi32>
    tpu.vector_store %arg6[%swap3A_634, %swap3A_635], %bitcast_convert_type3A_633 {strides = array<i32>} : memref<128x128xi32, #tpu.memory_space<vmem>>, vector<2x128xi32>,
    %get3A_637 = arith.constant 1408 : index
    %get3A_638 = arith.constant 0 : index
    %get3A_639 = vector.load %arg3[%get3A_637, %get3A_638] : memref<8192x3xf32, #tpu.memory_space<vmem>>, vector<128x3xf32>
    %transpose3A_640 = tpu.transpose %get3A_639, [1, 0] : vector<128x3xf32> -> vector<3x128xf32>
    %slice3A_641 = vector.extract_strided_slice %transpose3A_640 {offsets = [0, 0], sizes = [1, 128], strides = [1, 1]} : vector<3x128xf32> to vector<1x128xf32>
    %slice3A_642 = vector.extract_strided_slice %transpose3A_640 {offsets = [2, 0], sizes = [1, 128], strides = [1, 1]} : vector<3x128xf32> to vector<1x128xf32>
    %concatenate3A_643 = tpu.concatenate %slice3A_641, %slice3A_642 in 0 : vector<1x128xf32>, vector<1x128xf32> -> vector<2x128xf32>
    %slice3A_644 = vector.extract_strided_slice %transpose3A_640 {offsets = [1, 0], sizes = [1, 128], strides = [1, 1]} : vector<3x128xf32> to vector<1x128xf32>
    %broadcast_in_dim3A_645 = arith.constant 0.000000e+00 : f32
    %broadcast_in_dim3A_646 = vector.broadcast %broadcast_in_dim3A_645 : f32 to vector<1x128xf32>
    %concatenate3A_647 = tpu.concatenate %slice3A_644, %broadcast_in_dim3A_646 in 0 : vector<1x128xf32>, vector<1x128xf32> -> vector<2x128xf32>
    %convert_element_type3A_648 = arith.truncf %concatenate3A_643 : vector<2x128xf32> to vector<2x128xbf16>
    %bitcast_convert_type3A_649 = tpu.bitcast %convert_element_type3A_648 : vector<2x128xbf16> -> vector<2x128xi16>
    %convert_element_type3A_650 = arith.truncf %concatenate3A_647 : vector<2x128xf32> to vector<2x128xbf16>
    %bitcast_convert_type3A_651 = tpu.bitcast %convert_element_type3A_650 : vector<2x128xbf16> -> vector<2x128xi16>
    %convert_element_type3A_652 = arith.extui %bitcast_convert_type3A_651 : vector<2x128xi16> to vector<2x128xi32>
    %shift_left3A_653 = arith.constant 16 : i32
    %shift_left3A_654 = vector.broadcast %shift_left3A_653 : i32 to vector<2x128xi32>
    %shift_left3A_655 = arith.shli %convert_element_type3A_652, %shift_left3A_654 : vector<2x128xi32>
    %convert_element_type3A_656 = arith.extui %bitcast_convert_type3A_649 : vector<2x128xi16> to vector<2x128xi32>
    %or3A_657 = arith.ori %shift_left3A_655, %convert_element_type3A_656 : vector<2x128xi32>
    %bitcast_convert_type3A_658 = tpu.bitcast %or3A_657 : vector<2x128xi32> -> vector<2x128xi32>
    %swap3A_659 = arith.constant 22 : index
    %swap3A_660 = arith.constant 0 : index
    %swap3A_661 = vector.load %arg6[%swap3A_659, %swap3A_660] : memref<128x128xi32, #tpu.memory_space<vmem>>, vector<2x128xi32>
    tpu.vector_store %arg6[%swap3A_659, %swap3A_660], %bitcast_convert_type3A_658 {strides = array<i32>} : memref<128x128xi32, #tpu.memory_space<vmem>>, vector<2x128xi32>,
    %get3A_662 = arith.constant 1536 : index
    %get3A_663 = arith.constant 0 : index
    %get3A_664 = vector.load %arg3[%get3A_662, %get3A_663] : memref<8192x3xf32, #tpu.memory_space<vmem>>, vector<128x3xf32>
    %transpose3A_665 = tpu.transpose %get3A_664, [1, 0] : vector<128x3xf32> -> vector<3x128xf32>
    %slice3A_666 = vector.extract_strided_slice %transpose3A_665 {offsets = [0, 0], sizes = [1, 128], strides = [1, 1]} : vector<3x128xf32> to vector<1x128xf32>
    %slice3A_667 = vector.extract_strided_slice %transpose3A_665 {offsets = [2, 0], sizes = [1, 128], strides = [1, 1]} : vector<3x128xf32> to vector<1x128xf32>
    %concatenate3A_668 = tpu.concatenate %slice3A_666, %slice3A_667 in 0 : vector<1x128xf32>, vector<1x128xf32> -> vector<2x128xf32>
    %slice3A_669 = vector.extract_strided_slice %transpose3A_665 {offsets = [1, 0], sizes = [1, 128], strides = [1, 1]} : vector<3x128xf32> to vector<1x128xf32>
    %broadcast_in_dim3A_670 = arith.constant 0.000000e+00 : f32
    %broadcast_in_dim3A_671 = vector.broadcast %broadcast_in_dim3A_670 : f32 to vector<1x128xf32>
    %concatenate3A_672 = tpu.concatenate %slice3A_669, %broadcast_in_dim3A_671 in 0 : vector<1x128xf32>, vector<1x128xf32> -> vector<2x128xf32>
    %convert_element_type3A_673 = arith.truncf %concatenate3A_668 : vector<2x128xf32> to vector<2x128xbf16>
    %bitcast_convert_type3A_674 = tpu.bitcast %convert_element_type3A_673 : vector<2x128xbf16> -> vector<2x128xi16>
    %convert_element_type3A_675 = arith.truncf %concatenate3A_672 : vector<2x128xf32> to vector<2x128xbf16>
    %bitcast_convert_type3A_676 = tpu.bitcast %convert_element_type3A_675 : vector<2x128xbf16> -> vector<2x128xi16>
    %convert_element_type3A_677 = arith.extui %bitcast_convert_type3A_676 : vector<2x128xi16> to vector<2x128xi32>
    %shift_left3A_678 = arith.constant 16 : i32
    %shift_left3A_679 = vector.broadcast %shift_left3A_678 : i32 to vector<2x128xi32>
    %shift_left3A_680 = arith.shli %convert_element_type3A_677, %shift_left3A_679 : vector<2x128xi32>
    %convert_element_type3A_681 = arith.extui %bitcast_convert_type3A_674 : vector<2x128xi16> to vector<2x128xi32>
    %or3A_682 = arith.ori %shift_left3A_680, %convert_element_type3A_681 : vector<2x128xi32>
    %bitcast_convert_type3A_683 = tpu.bitcast %or3A_682 : vector<2x128xi32> -> vector<2x128xi32>
    %swap3A_684 = arith.constant 24 : index
    %swap3A_685 = arith.constant 0 : index
    %swap3A_686 = vector.load %arg6[%swap3A_684, %swap3A_685] : memref<128x128xi32, #tpu.memory_space<vmem>>, vector<2x128xi32>
    tpu.vector_store %arg6[%swap3A_684, %swap3A_685], %bitcast_convert_type3A_683 {strides = array<i32>} : memref<128x128xi32, #tpu.memory_space<vmem>>, vector<2x128xi32>,
    %get3A_687 = arith.constant 1664 : index
    %get3A_688 = arith.constant 0 : index
    %get3A_689 = vector.load %arg3[%get3A_687, %get3A_688] : memref<8192x3xf32, #tpu.memory_space<vmem>>, vector<128x3xf32>
    %transpose3A_690 = tpu.transpose %get3A_689, [1, 0] : vector<128x3xf32> -> vector<3x128xf32>
    %slice3A_691 = vector.extract_strided_slice %transpose3A_690 {offsets = [0, 0], sizes = [1, 128], strides = [1, 1]} : vector<3x128xf32> to vector<1x128xf32>
    %slice3A_692 = vector.extract_strided_slice %transpose3A_690 {offsets = [2, 0], sizes = [1, 128], strides = [1, 1]} : vector<3x128xf32> to vector<1x128xf32>
    %concatenate3A_693 = tpu.concatenate %slice3A_691, %slice3A_692 in 0 : vector<1x128xf32>, vector<1x128xf32> -> vector<2x128xf32>
    %slice3A_694 = vector.extract_strided_slice %transpose3A_690 {offsets = [1, 0], sizes = [1, 128], strides = [1, 1]} : vector<3x128xf32> to vector<1x128xf32>
    %broadcast_in_dim3A_695 = arith.constant 0.000000e+00 : f32
    %broadcast_in_dim3A_696 = vector.broadcast %broadcast_in_dim3A_695 : f32 to vector<1x128xf32>
    %concatenate3A_697 = tpu.concatenate %slice3A_694, %broadcast_in_dim3A_696 in 0 : vector<1x128xf32>, vector<1x128xf32> -> vector<2x128xf32>
    %convert_element_type3A_698 = arith.truncf %concatenate3A_693 : vector<2x128xf32> to vector<2x128xbf16>
    %bitcast_convert_type3A_699 = tpu.bitcast %convert_element_type3A_698 : vector<2x128xbf16> -> vector<2x128xi16>
    %convert_element_type3A_700 = arith.truncf %concatenate3A_697 : vector<2x128xf32> to vector<2x128xbf16>
    %bitcast_convert_type3A_701 = tpu.bitcast %convert_element_type3A_700 : vector<2x128xbf16> -> vector<2x128xi16>
    %convert_element_type3A_702 = arith.extui %bitcast_convert_type3A_701 : vector<2x128xi16> to vector<2x128xi32>
    %shift_left3A_703 = arith.constant 16 : i32
    %shift_left3A_704 = vector.broadcast %shift_left3A_703 : i32 to vector<2x128xi32>
    %shift_left3A_705 = arith.shli %convert_element_type3A_702, %shift_left3A_704 : vector<2x128xi32>
    %convert_element_type3A_706 = arith.extui %bitcast_convert_type3A_699 : vector<2x128xi16> to vector<2x128xi32>
    %or3A_707 = arith.ori %shift_left3A_705, %convert_element_type3A_706 : vector<2x128xi32>
    %bitcast_convert_type3A_708 = tpu.bitcast %or3A_707 : vector<2x128xi32> -> vector<2x128xi32>
    %swap3A_709 = arith.constant 26 : index
    %swap3A_710 = arith.constant 0 : index
    %swap3A_711 = vector.load %arg6[%swap3A_709, %swap3A_710] : memref<128x128xi32, #tpu.memory_space<vmem>>, vector<2x128xi32>
    tpu.vector_store %arg6[%swap3A_709, %swap3A_710], %bitcast_convert_type3A_708 {strides = array<i32>} : memref<128x128xi32, #tpu.memory_space<vmem>>, vector<2x128xi32>,
    %get3A_712 = arith.constant 1792 : index
    %get3A_713 = arith.constant 0 : index
    %get3A_714 = vector.load %arg3[%get3A_712, %get3A_713] : memref<8192x3xf32, #tpu.memory_space<vmem>>, vector<128x3xf32>
    %transpose3A_715 = tpu.transpose %get3A_714, [1, 0] : vector<128x3xf32> -> vector<3x128xf32>
    %slice3A_716 = vector.extract_strided_slice %transpose3A_715 {offsets = [0, 0], sizes = [1, 128], strides = [1, 1]} : vector<3x128xf32> to vector<1x128xf32>
    %slice3A_717 = vector.extract_strided_slice %transpose3A_715 {offsets = [2, 0], sizes = [1, 128], strides = [1, 1]} : vector<3x128xf32> to vector<1x128xf32>
    %concatenate3A_718 = tpu.concatenate %slice3A_716, %slice3A_717 in 0 : vector<1x128xf32>, vector<1x128xf32> -> vector<2x128xf32>
    %slice3A_719 = vector.extract_strided_slice %transpose3A_715 {offsets = [1, 0], sizes = [1, 128], strides = [1, 1]} : vector<3x128xf32> to vector<1x128xf32>
    %broadcast_in_dim3A_720 = arith.constant 0.000000e+00 : f32
    %broadcast_in_dim3A_721 = vector.broadcast %broadcast_in_dim3A_720 : f32 to vector<1x128xf32>
    %concatenate3A_722 = tpu.concatenate %slice3A_719, %broadcast_in_dim3A_721 in 0 : vector<1x128xf32>, vector<1x128xf32> -> vector<2x128xf32>
    %convert_element_type3A_723 = arith.truncf %concatenate3A_718 : vector<2x128xf32> to vector<2x128xbf16>
    %bitcast_convert_type3A_724 = tpu.bitcast %convert_element_type3A_723 : vector<2x128xbf16> -> vector<2x128xi16>
    %convert_element_type3A_725 = arith.truncf %concatenate3A_722 : vector<2x128xf32> to vector<2x128xbf16>
    %bitcast_convert_type3A_726 = tpu.bitcast %convert_element_type3A_725 : vector<2x128xbf16> -> vector<2x128xi16>
    %convert_element_type3A_727 = arith.extui %bitcast_convert_type3A_726 : vector<2x128xi16> to vector<2x128xi32>
    %shift_left3A_728 = arith.constant 16 : i32
    %shift_left3A_729 = vector.broadcast %shift_left3A_728 : i32 to vector<2x128xi32>
    %shift_left3A_730 = arith.shli %convert_element_type3A_727, %shift_left3A_729 : vector<2x128xi32>
    %convert_element_type3A_731 = arith.extui %bitcast_convert_type3A_724 : vector<2x128xi16> to vector<2x128xi32>
    %or3A_732 = arith.ori %shift_left3A_730, %convert_element_type3A_731 : vector<2x128xi32>
    %bitcast_convert_type3A_733 = tpu.bitcast %or3A_732 : vector<2x128xi32> -> vector<2x128xi32>
    %swap3A_734 = arith.constant 28 : index
    %swap3A_735 = arith.constant 0 : index
    %swap3A_736 = vector.load %arg6[%swap3A_734, %swap3A_735] : memref<128x128xi32, #tpu.memory_space<vmem>>, vector<2x128xi32>
    tpu.vector_store %arg6[%swap3A_734, %swap3A_735], %bitcast_convert_type3A_733 {strides = array<i32>} : memref<128x128xi32, #tpu.memory_space<vmem>>, vector<2x128xi32>,
    %get3A_737 = arith.constant 1920 : index
    %get3A_738 = arith.constant 0 : index
    %get3A_739 = vector.load %arg3[%get3A_737, %get3A_738] : memref<8192x3xf32, #tpu.memory_space<vmem>>, vector<128x3xf32>
    %transpose3A_740 = tpu.transpose %get3A_739, [1, 0] : vector<128x3xf32> -> vector<3x128xf32>
    %slice3A_741 = vector.extract_strided_slice %transpose3A_740 {offsets = [0, 0], sizes = [1, 128], strides = [1, 1]} : vector<3x128xf32> to vector<1x128xf32>
    %slice3A_742 = vector.extract_strided_slice %transpose3A_740 {offsets = [2, 0], sizes = [1, 128], strides = [1, 1]} : vector<3x128xf32> to vector<1x128xf32>
    %concatenate3A_743 = tpu.concatenate %slice3A_741, %slice3A_742 in 0 : vector<1x128xf32>, vector<1x128xf32> -> vector<2x128xf32>
    %slice3A_744 = vector.extract_strided_slice %transpose3A_740 {offsets = [1, 0], sizes = [1, 128], strides = [1, 1]} : vector<3x128xf32> to vector<1x128xf32>
    %broadcast_in_dim3A_745 = arith.constant 0.000000e+00 : f32
    %broadcast_in_dim3A_746 = vector.broadcast %broadcast_in_dim3A_745 : f32 to vector<1x128xf32>
    %concatenate3A_747 = tpu.concatenate %slice3A_744, %broadcast_in_dim3A_746 in 0 : vector<1x128xf32>, vector<1x128xf32> -> vector<2x128xf32>
    %convert_element_type3A_748 = arith.truncf %concatenate3A_743 : vector<2x128xf32> to vector<2x128xbf16>
    %bitcast_convert_type3A_749 = tpu.bitcast %convert_element_type3A_748 : vector<2x128xbf16> -> vector<2x128xi16>
    %convert_element_type3A_750 = arith.truncf %concatenate3A_747 : vector<2x128xf32> to vector<2x128xbf16>
    %bitcast_convert_type3A_751 = tpu.bitcast %convert_element_type3A_750 : vector<2x128xbf16> -> vector<2x128xi16>
    %convert_element_type3A_752 = arith.extui %bitcast_convert_type3A_751 : vector<2x128xi16> to vector<2x128xi32>
    %shift_left3A_753 = arith.constant 16 : i32
    %shift_left3A_754 = vector.broadcast %shift_left3A_753 : i32 to vector<2x128xi32>
    %shift_left3A_755 = arith.shli %convert_element_type3A_752, %shift_left3A_754 : vector<2x128xi32>
    %convert_element_type3A_756 = arith.extui %bitcast_convert_type3A_749 : vector<2x128xi16> to vector<2x128xi32>
    %or3A_757 = arith.ori %shift_left3A_755, %convert_element_type3A_756 : vector<2x128xi32>
    %bitcast_convert_type3A_758 = tpu.bitcast %or3A_757 : vector<2x128xi32> -> vector<2x128xi32>
    %swap3A_759 = arith.constant 30 : index
    %swap3A_760 = arith.constant 0 : index
    %swap3A_761 = vector.load %arg6[%swap3A_759, %swap3A_760] : memref<128x128xi32, #tpu.memory_space<vmem>>, vector<2x128xi32>
    tpu.vector_store %arg6[%swap3A_759, %swap3A_760], %bitcast_convert_type3A_758 {strides = array<i32>} : memref<128x128xi32, #tpu.memory_space<vmem>>, vector<2x128xi32>,
    %get3A_762 = arith.constant 2048 : index
    %get3A_763 = arith.constant 0 : index
    %get3A_764 = vector.load %arg3[%get3A_762, %get3A_763] : memref<8192x3xf32, #tpu.memory_space<vmem>>, vector<128x3xf32>
    %transpose3A_765 = tpu.transpose %get3A_764, [1, 0] : vector<128x3xf32> -> vector<3x128xf32>
    %slice3A_766 = vector.extract_strided_slice %transpose3A_765 {offsets = [0, 0], sizes = [1, 128], strides = [1, 1]} : vector<3x128xf32> to vector<1x128xf32>
    %slice3A_767 = vector.extract_strided_slice %transpose3A_765 {offsets = [2, 0], sizes = [1, 128], strides = [1, 1]} : vector<3x128xf32> to vector<1x128xf32>
    %concatenate3A_768 = tpu.concatenate %slice3A_766, %slice3A_767 in 0 : vector<1x128xf32>, vector<1x128xf32> -> vector<2x128xf32>
    %slice3A_769 = vector.extract_strided_slice %transpose3A_765 {offsets = [1, 0], sizes = [1, 128], strides = [1, 1]} : vector<3x128xf32> to vector<1x128xf32>
    %broadcast_in_dim3A_770 = arith.constant 0.000000e+00 : f32
    %broadcast_in_dim3A_771 = vector.broadcast %broadcast_in_dim3A_770 : f32 to vector<1x128xf32>
    %concatenate3A_772 = tpu.concatenate %slice3A_769, %broadcast_in_dim3A_771 in 0 : vector<1x128xf32>, vector<1x128xf32> -> vector<2x128xf32>
    %convert_element_type3A_773 = arith.truncf %concatenate3A_768 : vector<2x128xf32> to vector<2x128xbf16>
    %bitcast_convert_type3A_774 = tpu.bitcast %convert_element_type3A_773 : vector<2x128xbf16> -> vector<2x128xi16>
    %convert_element_type3A_775 = arith.truncf %concatenate3A_772 : vector<2x128xf32> to vector<2x128xbf16>
    %bitcast_convert_type3A_776 = tpu.bitcast %convert_element_type3A_775 : vector<2x128xbf16> -> vector<2x128xi16>
    %convert_element_type3A_777 = arith.extui %bitcast_convert_type3A_776 : vector<2x128xi16> to vector<2x128xi32>
    %shift_left3A_778 = arith.constant 16 : i32
    %shift_left3A_779 = vector.broadcast %shift_left3A_778 : i32 to vector<2x128xi32>
    %shift_left3A_780 = arith.shli %convert_element_type3A_777, %shift_left3A_779 : vector<2x128xi32>
    %convert_element_type3A_781 = arith.extui %bitcast_convert_type3A_774 : vector<2x128xi16> to vector<2x128xi32>
    %or3A_782 = arith.ori %shift_left3A_780, %convert_element_type3A_781 : vector<2x128xi32>
    %bitcast_convert_type3A_783 = tpu.bitcast %or3A_782 : vector<2x128xi32> -> vector<2x128xi32>
    %swap3A_784 = arith.constant 32 : index
    %swap3A_785 = arith.constant 0 : index
    %swap3A_786 = vector.load %arg6[%swap3A_784, %swap3A_785] : memref<128x128xi32, #tpu.memory_space<vmem>>, vector<2x128xi32>
    tpu.vector_store %arg6[%swap3A_784, %swap3A_785], %bitcast_convert_type3A_783 {strides = array<i32>} : memref<128x128xi32, #tpu.memory_space<vmem>>, vector<2x128xi32>,
    %get3A_787 = arith.constant 2176 : index
    %get3A_788 = arith.constant 0 : index
    %get3A_789 = vector.load %arg3[%get3A_787, %get3A_788] : memref<8192x3xf32, #tpu.memory_space<vmem>>, vector<128x3xf32>
    %transpose3A_790 = tpu.transpose %get3A_789, [1, 0] : vector<128x3xf32> -> vector<3x128xf32>
    %slice3A_791 = vector.extract_strided_slice %transpose3A_790 {offsets = [0, 0], sizes = [1, 128], strides = [1, 1]} : vector<3x128xf32> to vector<1x128xf32>
    %slice3A_792 = vector.extract_strided_slice %transpose3A_790 {offsets = [2, 0], sizes = [1, 128], strides = [1, 1]} : vector<3x128xf32> to vector<1x128xf32>
    %concatenate3A_793 = tpu.concatenate %slice3A_791, %slice3A_792 in 0 : vector<1x128xf32>, vector<1x128xf32> -> vector<2x128xf32>
    %slice3A_794 = vector.extract_strided_slice %transpose3A_790 {offsets = [1, 0], sizes = [1, 128], strides = [1, 1]} : vector<3x128xf32> to vector<1x128xf32>
    %broadcast_in_dim3A_795 = arith.constant 0.000000e+00 : f32
    %broadcast_in_dim3A_796 = vector.broadcast %broadcast_in_dim3A_795 : f32 to vector<1x128xf32>
    %concatenate3A_797 = tpu.concatenate %slice3A_794, %broadcast_in_dim3A_796 in 0 : vector<1x128xf32>, vector<1x128xf32> -> vector<2x128xf32>
    %convert_element_type3A_798 = arith.truncf %concatenate3A_793 : vector<2x128xf32> to vector<2x128xbf16>
    %bitcast_convert_type3A_799 = tpu.bitcast %convert_element_type3A_798 : vector<2x128xbf16> -> vector<2x128xi16>
    %convert_element_type3A_800 = arith.truncf %concatenate3A_797 : vector<2x128xf32> to vector<2x128xbf16>
    %bitcast_convert_type3A_801 = tpu.bitcast %convert_element_type3A_800 : vector<2x128xbf16> -> vector<2x128xi16>
    %convert_element_type3A_802 = arith.extui %bitcast_convert_type3A_801 : vector<2x128xi16> to vector<2x128xi32>
    %shift_left3A_803 = arith.constant 16 : i32
    %shift_left3A_804 = vector.broadcast %shift_left3A_803 : i32 to vector<2x128xi32>
    %shift_left3A_805 = arith.shli %convert_element_type3A_802, %shift_left3A_804 : vector<2x128xi32>
    %convert_element_type3A_806 = arith.extui %bitcast_convert_type3A_799 : vector<2x128xi16> to vector<2x128xi32>
    %or3A_807 = arith.ori %shift_left3A_805, %convert_element_type3A_806 : vector<2x128xi32>
    %bitcast_convert_type3A_808 = tpu.bitcast %or3A_807 : vector<2x128xi32> -> vector<2x128xi32>
    %swap3A_809 = arith.constant 34 : index
    %swap3A_810 = arith.constant 0 : index
    %swap3A_811 = vector.load %arg6[%swap3A_809, %swap3A_810] : memref<128x128xi32, #tpu.memory_space<vmem>>, vector<2x128xi32>
    tpu.vector_store %arg6[%swap3A_809, %swap3A_810], %bitcast_convert_type3A_808 {strides = array<i32>} : memref<128x128xi32, #tpu.memory_space<vmem>>, vector<2x128xi32>,
    %get3A_812 = arith.constant 2304 : index
    %get3A_813 = arith.constant 0 : index
    %get3A_814 = vector.load %arg3[%get3A_812, %get3A_813] : memref<8192x3xf32, #tpu.memory_space<vmem>>, vector<128x3xf32>
    %transpose3A_815 = tpu.transpose %get3A_814, [1, 0] : vector<128x3xf32> -> vector<3x128xf32>
    %slice3A_816 = vector.extract_strided_slice %transpose3A_815 {offsets = [0, 0], sizes = [1, 128], strides = [1, 1]} : vector<3x128xf32> to vector<1x128xf32>
    %slice3A_817 = vector.extract_strided_slice %transpose3A_815 {offsets = [2, 0], sizes = [1, 128], strides = [1, 1]} : vector<3x128xf32> to vector<1x128xf32>
    %concatenate3A_818 = tpu.concatenate %slice3A_816, %slice3A_817 in 0 : vector<1x128xf32>, vector<1x128xf32> -> vector<2x128xf32>
    %slice3A_819 = vector.extract_strided_slice %transpose3A_815 {offsets = [1, 0], sizes = [1, 128], strides = [1, 1]} : vector<3x128xf32> to vector<1x128xf32>
    %broadcast_in_dim3A_820 = arith.constant 0.000000e+00 : f32
    %broadcast_in_dim3A_821 = vector.broadcast %broadcast_in_dim3A_820 : f32 to vector<1x128xf32>
    %concatenate3A_822 = tpu.concatenate %slice3A_819, %broadcast_in_dim3A_821 in 0 : vector<1x128xf32>, vector<1x128xf32> -> vector<2x128xf32>
    %convert_element_type3A_823 = arith.truncf %concatenate3A_818 : vector<2x128xf32> to vector<2x128xbf16>
    %bitcast_convert_type3A_824 = tpu.bitcast %convert_element_type3A_823 : vector<2x128xbf16> -> vector<2x128xi16>
    %convert_element_type3A_825 = arith.truncf %concatenate3A_822 : vector<2x128xf32> to vector<2x128xbf16>
    %bitcast_convert_type3A_826 = tpu.bitcast %convert_element_type3A_825 : vector<2x128xbf16> -> vector<2x128xi16>
    %convert_element_type3A_827 = arith.extui %bitcast_convert_type3A_826 : vector<2x128xi16> to vector<2x128xi32>
    %shift_left3A_828 = arith.constant 16 : i32
    %shift_left3A_829 = vector.broadcast %shift_left3A_828 : i32 to vector<2x128xi32>
    %shift_left3A_830 = arith.shli %convert_element_type3A_827, %shift_left3A_829 : vector<2x128xi32>
    %convert_element_type3A_831 = arith.extui %bitcast_convert_type3A_824 : vector<2x128xi16> to vector<2x128xi32>
    %or3A_832 = arith.ori %shift_left3A_830, %convert_element_type3A_831 : vector<2x128xi32>
    %bitcast_convert_type3A_833 = tpu.bitcast %or3A_832 : vector<2x128xi32> -> vector<2x128xi32>
    %swap3A_834 = arith.constant 36 : index
    %swap3A_835 = arith.constant 0 : index
    %swap3A_836 = vector.load %arg6[%swap3A_834, %swap3A_835] : memref<128x128xi32, #tpu.memory_space<vmem>>, vector<2x128xi32>
    tpu.vector_store %arg6[%swap3A_834, %swap3A_835], %bitcast_convert_type3A_833 {strides = array<i32>} : memref<128x128xi32, #tpu.memory_space<vmem>>, vector<2x128xi32>,
    %get3A_837 = arith.constant 2432 : index
    %get3A_838 = arith.constant 0 : index
    %get3A_839 = vector.load %arg3[%get3A_837, %get3A_838] : memref<8192x3xf32, #tpu.memory_space<vmem>>, vector<128x3xf32>
    %transpose3A_840 = tpu.transpose %get3A_839, [1, 0] : vector<128x3xf32> -> vector<3x128xf32>
    %slice3A_841 = vector.extract_strided_slice %transpose3A_840 {offsets = [0, 0], sizes = [1, 128], strides = [1, 1]} : vector<3x128xf32> to vector<1x128xf32>
    %slice3A_842 = vector.extract_strided_slice %transpose3A_840 {offsets = [2, 0], sizes = [1, 128], strides = [1, 1]} : vector<3x128xf32> to vector<1x128xf32>
    %concatenate3A_843 = tpu.concatenate %slice3A_841, %slice3A_842 in 0 : vector<1x128xf32>, vector<1x128xf32> -> vector<2x128xf32>
    %slice3A_844 = vector.extract_strided_slice %transpose3A_840 {offsets = [1, 0], sizes = [1, 128], strides = [1, 1]} : vector<3x128xf32> to vector<1x128xf32>
    %broadcast_in_dim3A_845 = arith.constant 0.000000e+00 : f32
    %broadcast_in_dim3A_846 = vector.broadcast %broadcast_in_dim3A_845 : f32 to vector<1x128xf32>
    %concatenate3A_847 = tpu.concatenate %slice3A_844, %broadcast_in_dim3A_846 in 0 : vector<1x128xf32>, vector<1x128xf32> -> vector<2x128xf32>
    %convert_element_type3A_848 = arith.truncf %concatenate3A_843 : vector<2x128xf32> to vector<2x128xbf16>
    %bitcast_convert_type3A_849 = tpu.bitcast %convert_element_type3A_848 : vector<2x128xbf16> -> vector<2x128xi16>
    %convert_element_type3A_850 = arith.truncf %concatenate3A_847 : vector<2x128xf32> to vector<2x128xbf16>
    %bitcast_convert_type3A_851 = tpu.bitcast %convert_element_type3A_850 : vector<2x128xbf16> -> vector<2x128xi16>
    %convert_element_type3A_852 = arith.extui %bitcast_convert_type3A_851 : vector<2x128xi16> to vector<2x128xi32>
    %shift_left3A_853 = arith.constant 16 : i32
    %shift_left3A_854 = vector.broadcast %shift_left3A_853 : i32 to vector<2x128xi32>
    %shift_left3A_855 = arith.shli %convert_element_type3A_852, %shift_left3A_854 : vector<2x128xi32>
    %convert_element_type3A_856 = arith.extui %bitcast_convert_type3A_849 : vector<2x128xi16> to vector<2x128xi32>
    %or3A_857 = arith.ori %shift_left3A_855, %convert_element_type3A_856 : vector<2x128xi32>
    %bitcast_convert_type3A_858 = tpu.bitcast %or3A_857 : vector<2x128xi32> -> vector<2x128xi32>
    %swap3A_859 = arith.constant 38 : index
    %swap3A_860 = arith.constant 0 : index
    %swap3A_861 = vector.load %arg6[%swap3A_859, %swap3A_860] : memref<128x128xi32, #tpu.memory_space<vmem>>, vector<2x128xi32>
    tpu.vector_store %arg6[%swap3A_859, %swap3A_860], %bitcast_convert_type3A_858 {strides = array<i32>} : memref<128x128xi32, #tpu.memory_space<vmem>>, vector<2x128xi32>,
    %get3A_862 = arith.constant 2560 : index
    %get3A_863 = arith.constant 0 : index
    %get3A_864 = vector.load %arg3[%get3A_862, %get3A_863] : memref<8192x3xf32, #tpu.memory_space<vmem>>, vector<128x3xf32>
    %transpose3A_865 = tpu.transpose %get3A_864, [1, 0] : vector<128x3xf32> -> vector<3x128xf32>
    %slice3A_866 = vector.extract_strided_slice %transpose3A_865 {offsets = [0, 0], sizes = [1, 128], strides = [1, 1]} : vector<3x128xf32> to vector<1x128xf32>
    %slice3A_867 = vector.extract_strided_slice %transpose3A_865 {offsets = [2, 0], sizes = [1, 128], strides = [1, 1]} : vector<3x128xf32> to vector<1x128xf32>
    %concatenate3A_868 = tpu.concatenate %slice3A_866, %slice3A_867 in 0 : vector<1x128xf32>, vector<1x128xf32> -> vector<2x128xf32>
    %slice3A_869 = vector.extract_strided_slice %transpose3A_865 {offsets = [1, 0], sizes = [1, 128], strides = [1, 1]} : vector<3x128xf32> to vector<1x128xf32>
    %broadcast_in_dim3A_870 = arith.constant 0.000000e+00 : f32
    %broadcast_in_dim3A_871 = vector.broadcast %broadcast_in_dim3A_870 : f32 to vector<1x128xf32>
    %concatenate3A_872 = tpu.concatenate %slice3A_869, %broadcast_in_dim3A_871 in 0 : vector<1x128xf32>, vector<1x128xf32> -> vector<2x128xf32>
    %convert_element_type3A_873 = arith.truncf %concatenate3A_868 : vector<2x128xf32> to vector<2x128xbf16>
    %bitcast_convert_type3A_874 = tpu.bitcast %convert_element_type3A_873 : vector<2x128xbf16> -> vector<2x128xi16>
    %convert_element_type3A_875 = arith.truncf %concatenate3A_872 : vector<2x128xf32> to vector<2x128xbf16>
    %bitcast_convert_type3A_876 = tpu.bitcast %convert_element_type3A_875 : vector<2x128xbf16> -> vector<2x128xi16>
    %convert_element_type3A_877 = arith.extui %bitcast_convert_type3A_876 : vector<2x128xi16> to vector<2x128xi32>
    %shift_left3A_878 = arith.constant 16 : i32
    %shift_left3A_879 = vector.broadcast %shift_left3A_878 : i32 to vector<2x128xi32>
    %shift_left3A_880 = arith.shli %convert_element_type3A_877, %shift_left3A_879 : vector<2x128xi32>
    %convert_element_type3A_881 = arith.extui %bitcast_convert_type3A_874 : vector<2x128xi16> to vector<2x128xi32>
    %or3A_882 = arith.ori %shift_left3A_880, %convert_element_type3A_881 : vector<2x128xi32>
    %bitcast_convert_type3A_883 = tpu.bitcast %or3A_882 : vector<2x128xi32> -> vector<2x128xi32>
    %swap3A_884 = arith.constant 40 : index
    %swap3A_885 = arith.constant 0 : index
    %swap3A_886 = vector.load %arg6[%swap3A_884, %swap3A_885] : memref<128x128xi32, #tpu.memory_space<vmem>>, vector<2x128xi32>
    tpu.vector_store %arg6[%swap3A_884, %swap3A_885], %bitcast_convert_type3A_883 {strides = array<i32>} : memref<128x128xi32, #tpu.memory_space<vmem>>, vector<2x128xi32>,
    %get3A_887 = arith.constant 2688 : index
    %get3A_888 = arith.constant 0 : index
    %get3A_889 = vector.load %arg3[%get3A_887, %get3A_888] : memref<8192x3xf32, #tpu.memory_space<vmem>>, vector<128x3xf32>
    %transpose3A_890 = tpu.transpose %get3A_889, [1, 0] : vector<128x3xf32> -> vector<3x128xf32>
    %slice3A_891 = vector.extract_strided_slice %transpose3A_890 {offsets = [0, 0], sizes = [1, 128], strides = [1, 1]} : vector<3x128xf32> to vector<1x128xf32>
    %slice3A_892 = vector.extract_strided_slice %transpose3A_890 {offsets = [2, 0], sizes = [1, 128], strides = [1, 1]} : vector<3x128xf32> to vector<1x128xf32>
    %concatenate3A_893 = tpu.concatenate %slice3A_891, %slice3A_892 in 0 : vector<1x128xf32>, vector<1x128xf32> -> vector<2x128xf32>
    %slice3A_894 = vector.extract_strided_slice %transpose3A_890 {offsets = [1, 0], sizes = [1, 128], strides = [1, 1]} : vector<3x128xf32> to vector<1x128xf32>
    %broadcast_in_dim3A_895 = arith.constant 0.000000e+00 : f32
    %broadcast_in_dim3A_896 = vector.broadcast %broadcast_in_dim3A_895 : f32 to vector<1x128xf32>
    %concatenate3A_897 = tpu.concatenate %slice3A_894, %broadcast_in_dim3A_896 in 0 : vector<1x128xf32>, vector<1x128xf32> -> vector<2x128xf32>
    %convert_element_type3A_898 = arith.truncf %concatenate3A_893 : vector<2x128xf32> to vector<2x128xbf16>
    %bitcast_convert_type3A_899 = tpu.bitcast %convert_element_type3A_898 : vector<2x128xbf16> -> vector<2x128xi16>
    %convert_element_type3A_900 = arith.truncf %concatenate3A_897 : vector<2x128xf32> to vector<2x128xbf16>
    %bitcast_convert_type3A_901 = tpu.bitcast %convert_element_type3A_900 : vector<2x128xbf16> -> vector<2x128xi16>
    %convert_element_type3A_902 = arith.extui %bitcast_convert_type3A_901 : vector<2x128xi16> to vector<2x128xi32>
    %shift_left3A_903 = arith.constant 16 : i32
    %shift_left3A_904 = vector.broadcast %shift_left3A_903 : i32 to vector<2x128xi32>
    %shift_left3A_905 = arith.shli %convert_element_type3A_902, %shift_left3A_904 : vector<2x128xi32>
    %convert_element_type3A_906 = arith.extui %bitcast_convert_type3A_899 : vector<2x128xi16> to vector<2x128xi32>
    %or3A_907 = arith.ori %shift_left3A_905, %convert_element_type3A_906 : vector<2x128xi32>
    %bitcast_convert_type3A_908 = tpu.bitcast %or3A_907 : vector<2x128xi32> -> vector<2x128xi32>
    %swap3A_909 = arith.constant 42 : index
    %swap3A_910 = arith.constant 0 : index
    %swap3A_911 = vector.load %arg6[%swap3A_909, %swap3A_910] : memref<128x128xi32, #tpu.memory_space<vmem>>, vector<2x128xi32>
    tpu.vector_store %arg6[%swap3A_909, %swap3A_910], %bitcast_convert_type3A_908 {strides = array<i32>} : memref<128x128xi32, #tpu.memory_space<vmem>>, vector<2x128xi32>,
    %get3A_912 = arith.constant 2816 : index
    %get3A_913 = arith.constant 0 : index
    %get3A_914 = vector.load %arg3[%get3A_912, %get3A_913] : memref<8192x3xf32, #tpu.memory_space<vmem>>, vector<128x3xf32>
    %transpose3A_915 = tpu.transpose %get3A_914, [1, 0] : vector<128x3xf32> -> vector<3x128xf32>
    %slice3A_916 = vector.extract_strided_slice %transpose3A_915 {offsets = [0, 0], sizes = [1, 128], strides = [1, 1]} : vector<3x128xf32> to vector<1x128xf32>
    %slice3A_917 = vector.extract_strided_slice %transpose3A_915 {offsets = [2, 0], sizes = [1, 128], strides = [1, 1]} : vector<3x128xf32> to vector<1x128xf32>
    %concatenate3A_918 = tpu.concatenate %slice3A_916, %slice3A_917 in 0 : vector<1x128xf32>, vector<1x128xf32> -> vector<2x128xf32>
    %slice3A_919 = vector.extract_strided_slice %transpose3A_915 {offsets = [1, 0], sizes = [1, 128], strides = [1, 1]} : vector<3x128xf32> to vector<1x128xf32>
    %broadcast_in_dim3A_920 = arith.constant 0.000000e+00 : f32
    %broadcast_in_dim3A_921 = vector.broadcast %broadcast_in_dim3A_920 : f32 to vector<1x128xf32>
    %concatenate3A_922 = tpu.concatenate %slice3A_919, %broadcast_in_dim3A_921 in 0 : vector<1x128xf32>, vector<1x128xf32> -> vector<2x128xf32>
    %convert_element_type3A_923 = arith.truncf %concatenate3A_918 : vector<2x128xf32> to vector<2x128xbf16>
    %bitcast_convert_type3A_924 = tpu.bitcast %convert_element_type3A_923 : vector<2x128xbf16> -> vector<2x128xi16>
    %convert_element_type3A_925 = arith.truncf %concatenate3A_922 : vector<2x128xf32> to vector<2x128xbf16>
    %bitcast_convert_type3A_926 = tpu.bitcast %convert_element_type3A_925 : vector<2x128xbf16> -> vector<2x128xi16>
    %convert_element_type3A_927 = arith.extui %bitcast_convert_type3A_926 : vector<2x128xi16> to vector<2x128xi32>
    %shift_left3A_928 = arith.constant 16 : i32
    %shift_left3A_929 = vector.broadcast %shift_left3A_928 : i32 to vector<2x128xi32>
    %shift_left3A_930 = arith.shli %convert_element_type3A_927, %shift_left3A_929 : vector<2x128xi32>
    %convert_element_type3A_931 = arith.extui %bitcast_convert_type3A_924 : vector<2x128xi16> to vector<2x128xi32>
    %or3A_932 = arith.ori %shift_left3A_930, %convert_element_type3A_931 : vector<2x128xi32>
    %bitcast_convert_type3A_933 = tpu.bitcast %or3A_932 : vector<2x128xi32> -> vector<2x128xi32>
    %swap3A_934 = arith.constant 44 : index
    %swap3A_935 = arith.constant 0 : index
    %swap3A_936 = vector.load %arg6[%swap3A_934, %swap3A_935] : memref<128x128xi32, #tpu.memory_space<vmem>>, vector<2x128xi32>
    tpu.vector_store %arg6[%swap3A_934, %swap3A_935], %bitcast_convert_type3A_933 {strides = array<i32>} : memref<128x128xi32, #tpu.memory_space<vmem>>, vector<2x128xi32>,
    %get3A_937 = arith.constant 2944 : index
    %get3A_938 = arith.constant 0 : index
    %get3A_939 = vector.load %arg3[%get3A_937, %get3A_938] : memref<8192x3xf32, #tpu.memory_space<vmem>>, vector<128x3xf32>
    %transpose3A_940 = tpu.transpose %get3A_939, [1, 0] : vector<128x3xf32> -> vector<3x128xf32>
    %slice3A_941 = vector.extract_strided_slice %transpose3A_940 {offsets = [0, 0], sizes = [1, 128], strides = [1, 1]} : vector<3x128xf32> to vector<1x128xf32>
    %slice3A_942 = vector.extract_strided_slice %transpose3A_940 {offsets = [2, 0], sizes = [1, 128], strides = [1, 1]} : vector<3x128xf32> to vector<1x128xf32>
    %concatenate3A_943 = tpu.concatenate %slice3A_941, %slice3A_942 in 0 : vector<1x128xf32>, vector<1x128xf32> -> vector<2x128xf32>
    %slice3A_944 = vector.extract_strided_slice %transpose3A_940 {offsets = [1, 0], sizes = [1, 128], strides = [1, 1]} : vector<3x128xf32> to vector<1x128xf32>
    %broadcast_in_dim3A_945 = arith.constant 0.000000e+00 : f32
    %broadcast_in_dim3A_946 = vector.broadcast %broadcast_in_dim3A_945 : f32 to vector<1x128xf32>
    %concatenate3A_947 = tpu.concatenate %slice3A_944, %broadcast_in_dim3A_946 in 0 : vector<1x128xf32>, vector<1x128xf32> -> vector<2x128xf32>
    %convert_element_type3A_948 = arith.truncf %concatenate3A_943 : vector<2x128xf32> to vector<2x128xbf16>
    %bitcast_convert_type3A_949 = tpu.bitcast %convert_element_type3A_948 : vector<2x128xbf16> -> vector<2x128xi16>
    %convert_element_type3A_950 = arith.truncf %concatenate3A_947 : vector<2x128xf32> to vector<2x128xbf16>
    %bitcast_convert_type3A_951 = tpu.bitcast %convert_element_type3A_950 : vector<2x128xbf16> -> vector<2x128xi16>
    %convert_element_type3A_952 = arith.extui %bitcast_convert_type3A_951 : vector<2x128xi16> to vector<2x128xi32>
    %shift_left3A_953 = arith.constant 16 : i32
    %shift_left3A_954 = vector.broadcast %shift_left3A_953 : i32 to vector<2x128xi32>
    %shift_left3A_955 = arith.shli %convert_element_type3A_952, %shift_left3A_954 : vector<2x128xi32>
    %convert_element_type3A_956 = arith.extui %bitcast_convert_type3A_949 : vector<2x128xi16> to vector<2x128xi32>
    %or3A_957 = arith.ori %shift_left3A_955, %convert_element_type3A_956 : vector<2x128xi32>
    %bitcast_convert_type3A_958 = tpu.bitcast %or3A_957 : vector<2x128xi32> -> vector<2x128xi32>
    %swap3A_959 = arith.constant 46 : index
    %swap3A_960 = arith.constant 0 : index
    %swap3A_961 = vector.load %arg6[%swap3A_959, %swap3A_960] : memref<128x128xi32, #tpu.memory_space<vmem>>, vector<2x128xi32>
    tpu.vector_store %arg6[%swap3A_959, %swap3A_960], %bitcast_convert_type3A_958 {strides = array<i32>} : memref<128x128xi32, #tpu.memory_space<vmem>>, vector<2x128xi32>,
    %get3A_962 = arith.constant 3072 : index
    %get3A_963 = arith.constant 0 : index
    %get3A_964 = vector.load %arg3[%get3A_962, %get3A_963] : memref<8192x3xf32, #tpu.memory_space<vmem>>, vector<128x3xf32>
    %transpose3A_965 = tpu.transpose %get3A_964, [1, 0] : vector<128x3xf32> -> vector<3x128xf32>
    %slice3A_966 = vector.extract_strided_slice %transpose3A_965 {offsets = [0, 0], sizes = [1, 128], strides = [1, 1]} : vector<3x128xf32> to vector<1x128xf32>
    %slice3A_967 = vector.extract_strided_slice %transpose3A_965 {offsets = [2, 0], sizes = [1, 128], strides = [1, 1]} : vector<3x128xf32> to vector<1x128xf32>
    %concatenate3A_968 = tpu.concatenate %slice3A_966, %slice3A_967 in 0 : vector<1x128xf32>, vector<1x128xf32> -> vector<2x128xf32>
    %slice3A_969 = vector.extract_strided_slice %transpose3A_965 {offsets = [1, 0], sizes = [1, 128], strides = [1, 1]} : vector<3x128xf32> to vector<1x128xf32>
    %broadcast_in_dim3A_970 = arith.constant 0.000000e+00 : f32
    %broadcast_in_dim3A_971 = vector.broadcast %broadcast_in_dim3A_970 : f32 to vector<1x128xf32>
    %concatenate3A_972 = tpu.concatenate %slice3A_969, %broadcast_in_dim3A_971 in 0 : vector<1x128xf32>, vector<1x128xf32> -> vector<2x128xf32>
    %convert_element_type3A_973 = arith.truncf %concatenate3A_968 : vector<2x128xf32> to vector<2x128xbf16>
    %bitcast_convert_type3A_974 = tpu.bitcast %convert_element_type3A_973 : vector<2x128xbf16> -> vector<2x128xi16>
    %convert_element_type3A_975 = arith.truncf %concatenate3A_972 : vector<2x128xf32> to vector<2x128xbf16>
    %bitcast_convert_type3A_976 = tpu.bitcast %convert_element_type3A_975 : vector<2x128xbf16> -> vector<2x128xi16>
    %convert_element_type3A_977 = arith.extui %bitcast_convert_type3A_976 : vector<2x128xi16> to vector<2x128xi32>
    %shift_left3A_978 = arith.constant 16 : i32
    %shift_left3A_979 = vector.broadcast %shift_left3A_978 : i32 to vector<2x128xi32>
    %shift_left3A_980 = arith.shli %convert_element_type3A_977, %shift_left3A_979 : vector<2x128xi32>
    %convert_element_type3A_981 = arith.extui %bitcast_convert_type3A_974 : vector<2x128xi16> to vector<2x128xi32>
    %or3A_982 = arith.ori %shift_left3A_980, %convert_element_type3A_981 : vector<2x128xi32>
    %bitcast_convert_type3A_983 = tpu.bitcast %or3A_982 : vector<2x128xi32> -> vector<2x128xi32>
    %swap3A_984 = arith.constant 48 : index
    %swap3A_985 = arith.constant 0 : index
    %swap3A_986 = vector.load %arg6[%swap3A_984, %swap3A_985] : memref<128x128xi32, #tpu.memory_space<vmem>>, vector<2x128xi32>
    tpu.vector_store %arg6[%swap3A_984, %swap3A_985], %bitcast_convert_type3A_983 {strides = array<i32>} : memref<128x128xi32, #tpu.memory_space<vmem>>, vector<2x128xi32>,
    %get3A_987 = arith.constant 3200 : index
    %get3A_988 = arith.constant 0 : index
    %get3A_989 = vector.load %arg3[%get3A_987, %get3A_988] : memref<8192x3xf32, #tpu.memory_space<vmem>>, vector<128x3xf32>
    %transpose3A_990 = tpu.transpose %get3A_989, [1, 0] : vector<128x3xf32> -> vector<3x128xf32>
    %slice3A_991 = vector.extract_strided_slice %transpose3A_990 {offsets = [0, 0], sizes = [1, 128], strides = [1, 1]} : vector<3x128xf32> to vector<1x128xf32>
    %slice3A_992 = vector.extract_strided_slice %transpose3A_990 {offsets = [2, 0], sizes = [1, 128], strides = [1, 1]} : vector<3x128xf32> to vector<1x128xf32>
    %concatenate3A_993 = tpu.concatenate %slice3A_991, %slice3A_992 in 0 : vector<1x128xf32>, vector<1x128xf32> -> vector<2x128xf32>
    %slice3A_994 = vector.extract_strided_slice %transpose3A_990 {offsets = [1, 0], sizes = [1, 128], strides = [1, 1]} : vector<3x128xf32> to vector<1x128xf32>
    %broadcast_in_dim3A_995 = arith.constant 0.000000e+00 : f32
    %broadcast_in_dim3A_996 = vector.broadcast %broadcast_in_dim3A_995 : f32 to vector<1x128xf32>
    %concatenate3A_997 = tpu.concatenate %slice3A_994, %broadcast_in_dim3A_996 in 0 : vector<1x128xf32>, vector<1x128xf32> -> vector<2x128xf32>
    %convert_element_type3A_998 = arith.truncf %concatenate3A_993 : vector<2x128xf32> to vector<2x128xbf16>
    %bitcast_convert_type3A_999 = tpu.bitcast %convert_element_type3A_998 : vector<2x128xbf16> -> vector<2x128xi16>
    %convert_element_type3A_1000 = arith.truncf %concatenate3A_997 : vector<2x128xf32> to vector<2x128xbf16>
    %bitcast_convert_type3A_1001 = tpu.bitcast %convert_element_type3A_1000 : vector<2x128xbf16> -> vector<2x128xi16>
    %convert_element_type3A_1002 = arith.extui %bitcast_convert_type3A_1001 : vector<2x128xi16> to vector<2x128xi32>
    %shift_left3A_1003 = arith.constant 16 : i32
    %shift_left3A_1004 = vector.broadcast %shift_left3A_1003 : i32 to vector<2x128xi32>
    %shift_left3A_1005 = arith.shli %convert_element_type3A_1002, %shift_left3A_1004 : vector<2x128xi32>
    %convert_element_type3A_1006 = arith.extui %bitcast_convert_type3A_999 : vector<2x128xi16> to vector<2x128xi32>
    %or3A_1007 = arith.ori %shift_left3A_1005, %convert_element_type3A_1006 : vector<2x128xi32>
    %bitcast_convert_type3A_1008 = tpu.bitcast %or3A_1007 : vector<2x128xi32> -> vector<2x128xi32>
    %swap3A_1009 = arith.constant 50 : index
    %swap3A_1010 = arith.constant 0 : index
    %swap3A_1011 = vector.load %arg6[%swap3A_1009, %swap3A_1010] : memref<128x128xi32, #tpu.memory_space<vmem>>, vector<2x128xi32>
    tpu.vector_store %arg6[%swap3A_1009, %swap3A_1010], %bitcast_convert_type3A_1008 {strides = array<i32>} : memref<128x128xi32, #tpu.memory_space<vmem>>, vector<2x128xi32>,
    %get3A_1012 = arith.constant 3328 : index
    %get3A_1013 = arith.constant 0 : index
    %get3A_1014 = vector.load %arg3[%get3A_1012, %get3A_1013] : memref<8192x3xf32, #tpu.memory_space<vmem>>, vector<128x3xf32>
    %transpose3A_1015 = tpu.transpose %get3A_1014, [1, 0] : vector<128x3xf32> -> vector<3x128xf32>
    %slice3A_1016 = vector.extract_strided_slice %transpose3A_1015 {offsets = [0, 0], sizes = [1, 128], strides = [1, 1]} : vector<3x128xf32> to vector<1x128xf32>
    %slice3A_1017 = vector.extract_strided_slice %transpose3A_1015 {offsets = [2, 0], sizes = [1, 128], strides = [1, 1]} : vector<3x128xf32> to vector<1x128xf32>
    %concatenate3A_1018 = tpu.concatenate %slice3A_1016, %slice3A_1017 in 0 : vector<1x128xf32>, vector<1x128xf32> -> vector<2x128xf32>
    %slice3A_1019 = vector.extract_strided_slice %transpose3A_1015 {offsets = [1, 0], sizes = [1, 128], strides = [1, 1]} : vector<3x128xf32> to vector<1x128xf32>
    %broadcast_in_dim3A_1020 = arith.constant 0.000000e+00 : f32
    %broadcast_in_dim3A_1021 = vector.broadcast %broadcast_in_dim3A_1020 : f32 to vector<1x128xf32>
    %concatenate3A_1022 = tpu.concatenate %slice3A_1019, %broadcast_in_dim3A_1021 in 0 : vector<1x128xf32>, vector<1x128xf32> -> vector<2x128xf32>
    %convert_element_type3A_1023 = arith.truncf %concatenate3A_1018 : vector<2x128xf32> to vector<2x128xbf16>
    %bitcast_convert_type3A_1024 = tpu.bitcast %convert_element_type3A_1023 : vector<2x128xbf16> -> vector<2x128xi16>
    %convert_element_type3A_1025 = arith.truncf %concatenate3A_1022 : vector<2x128xf32> to vector<2x128xbf16>
    %bitcast_convert_type3A_1026 = tpu.bitcast %convert_element_type3A_1025 : vector<2x128xbf16> -> vector<2x128xi16>
    %convert_element_type3A_1027 = arith.extui %bitcast_convert_type3A_1026 : vector<2x128xi16> to vector<2x128xi32>
    %shift_left3A_1028 = arith.constant 16 : i32
    %shift_left3A_1029 = vector.broadcast %shift_left3A_1028 : i32 to vector<2x128xi32>
    %shift_left3A_1030 = arith.shli %convert_element_type3A_1027, %shift_left3A_1029 : vector<2x128xi32>
    %convert_element_type3A_1031 = arith.extui %bitcast_convert_type3A_1024 : vector<2x128xi16> to vector<2x128xi32>
    %or3A_1032 = arith.ori %shift_left3A_1030, %convert_element_type3A_1031 : vector<2x128xi32>
    %bitcast_convert_type3A_1033 = tpu.bitcast %or3A_1032 : vector<2x128xi32> -> vector<2x128xi32>
    %swap3A_1034 = arith.constant 52 : index
    %swap3A_1035 = arith.constant 0 : index
    %swap3A_1036 = vector.load %arg6[%swap3A_1034, %swap3A_1035] : memref<128x128xi32, #tpu.memory_space<vmem>>, vector<2x128xi32>
    tpu.vector_store %arg6[%swap3A_1034, %swap3A_1035], %bitcast_convert_type3A_1033 {strides = array<i32>} : memref<128x128xi32, #tpu.memory_space<vmem>>, vector<2x128xi32>,
    %get3A_1037 = arith.constant 3456 : index
    %get3A_1038 = arith.constant 0 : index
    %get3A_1039 = vector.load %arg3[%get3A_1037, %get3A_1038] : memref<8192x3xf32, #tpu.memory_space<vmem>>, vector<128x3xf32>
    %transpose3A_1040 = tpu.transpose %get3A_1039, [1, 0] : vector<128x3xf32> -> vector<3x128xf32>
    %slice3A_1041 = vector.extract_strided_slice %transpose3A_1040 {offsets = [0, 0], sizes = [1, 128], strides = [1, 1]} : vector<3x128xf32> to vector<1x128xf32>
    %slice3A_1042 = vector.extract_strided_slice %transpose3A_1040 {offsets = [2, 0], sizes = [1, 128], strides = [1, 1]} : vector<3x128xf32> to vector<1x128xf32>
    %concatenate3A_1043 = tpu.concatenate %slice3A_1041, %slice3A_1042 in 0 : vector<1x128xf32>, vector<1x128xf32> -> vector<2x128xf32>
    %slice3A_1044 = vector.extract_strided_slice %transpose3A_1040 {offsets = [1, 0], sizes = [1, 128], strides = [1, 1]} : vector<3x128xf32> to vector<1x128xf32>
    %broadcast_in_dim3A_1045 = arith.constant 0.000000e+00 : f32
    %broadcast_in_dim3A_1046 = vector.broadcast %broadcast_in_dim3A_1045 : f32 to vector<1x128xf32>
    %concatenate3A_1047 = tpu.concatenate %slice3A_1044, %broadcast_in_dim3A_1046 in 0 : vector<1x128xf32>, vector<1x128xf32> -> vector<2x128xf32>
    %convert_element_type3A_1048 = arith.truncf %concatenate3A_1043 : vector<2x128xf32> to vector<2x128xbf16>
    %bitcast_convert_type3A_1049 = tpu.bitcast %convert_element_type3A_1048 : vector<2x128xbf16> -> vector<2x128xi16>
    %convert_element_type3A_1050 = arith.truncf %concatenate3A_1047 : vector<2x128xf32> to vector<2x128xbf16>
    %bitcast_convert_type3A_1051 = tpu.bitcast %convert_element_type3A_1050 : vector<2x128xbf16> -> vector<2x128xi16>
    %convert_element_type3A_1052 = arith.extui %bitcast_convert_type3A_1051 : vector<2x128xi16> to vector<2x128xi32>
    %shift_left3A_1053 = arith.constant 16 : i32
    %shift_left3A_1054 = vector.broadcast %shift_left3A_1053 : i32 to vector<2x128xi32>
    %shift_left3A_1055 = arith.shli %convert_element_type3A_1052, %shift_left3A_1054 : vector<2x128xi32>
    %convert_element_type3A_1056 = arith.extui %bitcast_convert_type3A_1049 : vector<2x128xi16> to vector<2x128xi32>
    %or3A_1057 = arith.ori %shift_left3A_1055, %convert_element_type3A_1056 : vector<2x128xi32>
    %bitcast_convert_type3A_1058 = tpu.bitcast %or3A_1057 : vector<2x128xi32> -> vector<2x128xi32>
    %swap3A_1059 = arith.constant 54 : index
    %swap3A_1060 = arith.constant 0 : index
    %swap3A_1061 = vector.load %arg6[%swap3A_1059, %swap3A_1060] : memref<128x128xi32, #tpu.memory_space<vmem>>, vector<2x128xi32>
    tpu.vector_store %arg6[%swap3A_1059, %swap3A_1060], %bitcast_convert_type3A_1058 {strides = array<i32>} : memref<128x128xi32, #tpu.memory_space<vmem>>, vector<2x128xi32>,
    %get3A_1062 = arith.constant 3584 : index
    %get3A_1063 = arith.constant 0 : index
    %get3A_1064 = vector.load %arg3[%get3A_1062, %get3A_1063] : memref<8192x3xf32, #tpu.memory_space<vmem>>, vector<128x3xf32>
    %transpose3A_1065 = tpu.transpose %get3A_1064, [1, 0] : vector<128x3xf32> -> vector<3x128xf32>
    %slice3A_1066 = vector.extract_strided_slice %transpose3A_1065 {offsets = [0, 0], sizes = [1, 128], strides = [1, 1]} : vector<3x128xf32> to vector<1x128xf32>
    %slice3A_1067 = vector.extract_strided_slice %transpose3A_1065 {offsets = [2, 0], sizes = [1, 128], strides = [1, 1]} : vector<3x128xf32> to vector<1x128xf32>
    %concatenate3A_1068 = tpu.concatenate %slice3A_1066, %slice3A_1067 in 0 : vector<1x128xf32>, vector<1x128xf32> -> vector<2x128xf32>
    %slice3A_1069 = vector.extract_strided_slice %transpose3A_1065 {offsets = [1, 0], sizes = [1, 128], strides = [1, 1]} : vector<3x128xf32> to vector<1x128xf32>
    %broadcast_in_dim3A_1070 = arith.constant 0.000000e+00 : f32
    %broadcast_in_dim3A_1071 = vector.broadcast %broadcast_in_dim3A_1070 : f32 to vector<1x128xf32>
    %concatenate3A_1072 = tpu.concatenate %slice3A_1069, %broadcast_in_dim3A_1071 in 0 : vector<1x128xf32>, vector<1x128xf32> -> vector<2x128xf32>
    %convert_element_type3A_1073 = arith.truncf %concatenate3A_1068 : vector<2x128xf32> to vector<2x128xbf16>
    %bitcast_convert_type3A_1074 = tpu.bitcast %convert_element_type3A_1073 : vector<2x128xbf16> -> vector<2x128xi16>
    %convert_element_type3A_1075 = arith.truncf %concatenate3A_1072 : vector<2x128xf32> to vector<2x128xbf16>
    %bitcast_convert_type3A_1076 = tpu.bitcast %convert_element_type3A_1075 : vector<2x128xbf16> -> vector<2x128xi16>
    %convert_element_type3A_1077 = arith.extui %bitcast_convert_type3A_1076 : vector<2x128xi16> to vector<2x128xi32>
    %shift_left3A_1078 = arith.constant 16 : i32
    %shift_left3A_1079 = vector.broadcast %shift_left3A_1078 : i32 to vector<2x128xi32>
    %shift_left3A_1080 = arith.shli %convert_element_type3A_1077, %shift_left3A_1079 : vector<2x128xi32>
    %convert_element_type3A_1081 = arith.extui %bitcast_convert_type3A_1074 : vector<2x128xi16> to vector<2x128xi32>
    %or3A_1082 = arith.ori %shift_left3A_1080, %convert_element_type3A_1081 : vector<2x128xi32>
    %bitcast_convert_type3A_1083 = tpu.bitcast %or3A_1082 : vector<2x128xi32> -> vector<2x128xi32>
    %swap3A_1084 = arith.constant 56 : index
    %swap3A_1085 = arith.constant 0 : index
    %swap3A_1086 = vector.load %arg6[%swap3A_1084, %swap3A_1085] : memref<128x128xi32, #tpu.memory_space<vmem>>, vector<2x128xi32>
    tpu.vector_store %arg6[%swap3A_1084, %swap3A_1085], %bitcast_convert_type3A_1083 {strides = array<i32>} : memref<128x128xi32, #tpu.memory_space<vmem>>, vector<2x128xi32>,
    %get3A_1087 = arith.constant 3712 : index
    %get3A_1088 = arith.constant 0 : index
    %get3A_1089 = vector.load %arg3[%get3A_1087, %get3A_1088] : memref<8192x3xf32, #tpu.memory_space<vmem>>, vector<128x3xf32>
    %transpose3A_1090 = tpu.transpose %get3A_1089, [1, 0] : vector<128x3xf32> -> vector<3x128xf32>
    %slice3A_1091 = vector.extract_strided_slice %transpose3A_1090 {offsets = [0, 0], sizes = [1, 128], strides = [1, 1]} : vector<3x128xf32> to vector<1x128xf32>
    %slice3A_1092 = vector.extract_strided_slice %transpose3A_1090 {offsets = [2, 0], sizes = [1, 128], strides = [1, 1]} : vector<3x128xf32> to vector<1x128xf32>
    %concatenate3A_1093 = tpu.concatenate %slice3A_1091, %slice3A_1092 in 0 : vector<1x128xf32>, vector<1x128xf32> -> vector<2x128xf32>
    %slice3A_1094 = vector.extract_strided_slice %transpose3A_1090 {offsets = [1, 0], sizes = [1, 128], strides = [1, 1]} : vector<3x128xf32> to vector<1x128xf32>
    %broadcast_in_dim3A_1095 = arith.constant 0.000000e+00 : f32
    %broadcast_in_dim3A_1096 = vector.broadcast %broadcast_in_dim3A_1095 : f32 to vector<1x128xf32>
    %concatenate3A_1097 = tpu.concatenate %slice3A_1094, %broadcast_in_dim3A_1096 in 0 : vector<1x128xf32>, vector<1x128xf32> -> vector<2x128xf32>
    %convert_element_type3A_1098 = arith.truncf %concatenate3A_1093 : vector<2x128xf32> to vector<2x128xbf16>
    %bitcast_convert_type3A_1099 = tpu.bitcast %convert_element_type3A_1098 : vector<2x128xbf16> -> vector<2x128xi16>
    %convert_element_type3A_1100 = arith.truncf %concatenate3A_1097 : vector<2x128xf32> to vector<2x128xbf16>
    %bitcast_convert_type3A_1101 = tpu.bitcast %convert_element_type3A_1100 : vector<2x128xbf16> -> vector<2x128xi16>
    %convert_element_type3A_1102 = arith.extui %bitcast_convert_type3A_1101 : vector<2x128xi16> to vector<2x128xi32>
    %shift_left3A_1103 = arith.constant 16 : i32
    %shift_left3A_1104 = vector.broadcast %shift_left3A_1103 : i32 to vector<2x128xi32>
    %shift_left3A_1105 = arith.shli %convert_element_type3A_1102, %shift_left3A_1104 : vector<2x128xi32>
    %convert_element_type3A_1106 = arith.extui %bitcast_convert_type3A_1099 : vector<2x128xi16> to vector<2x128xi32>
    %or3A_1107 = arith.ori %shift_left3A_1105, %convert_element_type3A_1106 : vector<2x128xi32>
    %bitcast_convert_type3A_1108 = tpu.bitcast %or3A_1107 : vector<2x128xi32> -> vector<2x128xi32>
    %swap3A_1109 = arith.constant 58 : index
    %swap3A_1110 = arith.constant 0 : index
    %swap3A_1111 = vector.load %arg6[%swap3A_1109, %swap3A_1110] : memref<128x128xi32, #tpu.memory_space<vmem>>, vector<2x128xi32>
    tpu.vector_store %arg6[%swap3A_1109, %swap3A_1110], %bitcast_convert_type3A_1108 {strides = array<i32>} : memref<128x128xi32, #tpu.memory_space<vmem>>, vector<2x128xi32>,
    %get3A_1112 = arith.constant 3840 : index
    %get3A_1113 = arith.constant 0 : index
    %get3A_1114 = vector.load %arg3[%get3A_1112, %get3A_1113] : memref<8192x3xf32, #tpu.memory_space<vmem>>, vector<128x3xf32>
    %transpose3A_1115 = tpu.transpose %get3A_1114, [1, 0] : vector<128x3xf32> -> vector<3x128xf32>
    %slice3A_1116 = vector.extract_strided_slice %transpose3A_1115 {offsets = [0, 0], sizes = [1, 128], strides = [1, 1]} : vector<3x128xf32> to vector<1x128xf32>
    %slice3A_1117 = vector.extract_strided_slice %transpose3A_1115 {offsets = [2, 0], sizes = [1, 128], strides = [1, 1]} : vector<3x128xf32> to vector<1x128xf32>
    %concatenate3A_1118 = tpu.concatenate %slice3A_1116, %slice3A_1117 in 0 : vector<1x128xf32>, vector<1x128xf32> -> vector<2x128xf32>
    %slice3A_1119 = vector.extract_strided_slice %transpose3A_1115 {offsets = [1, 0], sizes = [1, 128], strides = [1, 1]} : vector<3x128xf32> to vector<1x128xf32>
    %broadcast_in_dim3A_1120 = arith.constant 0.000000e+00 : f32
    %broadcast_in_dim3A_1121 = vector.broadcast %broadcast_in_dim3A_1120 : f32 to vector<1x128xf32>
    %concatenate3A_1122 = tpu.concatenate %slice3A_1119, %broadcast_in_dim3A_1121 in 0 : vector<1x128xf32>, vector<1x128xf32> -> vector<2x128xf32>
    %convert_element_type3A_1123 = arith.truncf %concatenate3A_1118 : vector<2x128xf32> to vector<2x128xbf16>
    %bitcast_convert_type3A_1124 = tpu.bitcast %convert_element_type3A_1123 : vector<2x128xbf16> -> vector<2x128xi16>
    %convert_element_type3A_1125 = arith.truncf %concatenate3A_1122 : vector<2x128xf32> to vector<2x128xbf16>
    %bitcast_convert_type3A_1126 = tpu.bitcast %convert_element_type3A_1125 : vector<2x128xbf16> -> vector<2x128xi16>
    %convert_element_type3A_1127 = arith.extui %bitcast_convert_type3A_1126 : vector<2x128xi16> to vector<2x128xi32>
    %shift_left3A_1128 = arith.constant 16 : i32
    %shift_left3A_1129 = vector.broadcast %shift_left3A_1128 : i32 to vector<2x128xi32>
    %shift_left3A_1130 = arith.shli %convert_element_type3A_1127, %shift_left3A_1129 : vector<2x128xi32>
    %convert_element_type3A_1131 = arith.extui %bitcast_convert_type3A_1124 : vector<2x128xi16> to vector<2x128xi32>
    %or3A_1132 = arith.ori %shift_left3A_1130, %convert_element_type3A_1131 : vector<2x128xi32>
    %bitcast_convert_type3A_1133 = tpu.bitcast %or3A_1132 : vector<2x128xi32> -> vector<2x128xi32>
    %swap3A_1134 = arith.constant 60 : index
    %swap3A_1135 = arith.constant 0 : index
    %swap3A_1136 = vector.load %arg6[%swap3A_1134, %swap3A_1135] : memref<128x128xi32, #tpu.memory_space<vmem>>, vector<2x128xi32>
    tpu.vector_store %arg6[%swap3A_1134, %swap3A_1135], %bitcast_convert_type3A_1133 {strides = array<i32>} : memref<128x128xi32, #tpu.memory_space<vmem>>, vector<2x128xi32>,
    %get3A_1137 = arith.constant 3968 : index
    %get3A_1138 = arith.constant 0 : index
    %get3A_1139 = vector.load %arg3[%get3A_1137, %get3A_1138] : memref<8192x3xf32, #tpu.memory_space<vmem>>, vector<128x3xf32>
    %transpose3A_1140 = tpu.transpose %get3A_1139, [1, 0] : vector<128x3xf32> -> vector<3x128xf32>
    %slice3A_1141 = vector.extract_strided_slice %transpose3A_1140 {offsets = [0, 0], sizes = [1, 128], strides = [1, 1]} : vector<3x128xf32> to vector<1x128xf32>
    %slice3A_1142 = vector.extract_strided_slice %transpose3A_1140 {offsets = [2, 0], sizes = [1, 128], strides = [1, 1]} : vector<3x128xf32> to vector<1x128xf32>
    %concatenate3A_1143 = tpu.concatenate %slice3A_1141, %slice3A_1142 in 0 : vector<1x128xf32>, vector<1x128xf32> -> vector<2x128xf32>
    %slice3A_1144 = vector.extract_strided_slice %transpose3A_1140 {offsets = [1, 0], sizes = [1, 128], strides = [1, 1]} : vector<3x128xf32> to vector<1x128xf32>
    %broadcast_in_dim3A_1145 = arith.constant 0.000000e+00 : f32
    %broadcast_in_dim3A_1146 = vector.broadcast %broadcast_in_dim3A_1145 : f32 to vector<1x128xf32>
    %concatenate3A_1147 = tpu.concatenate %slice3A_1144, %broadcast_in_dim3A_1146 in 0 : vector<1x128xf32>, vector<1x128xf32> -> vector<2x128xf32>
    %convert_element_type3A_1148 = arith.truncf %concatenate3A_1143 : vector<2x128xf32> to vector<2x128xbf16>
    %bitcast_convert_type3A_1149 = tpu.bitcast %convert_element_type3A_1148 : vector<2x128xbf16> -> vector<2x128xi16>
    %convert_element_type3A_1150 = arith.truncf %concatenate3A_1147 : vector<2x128xf32> to vector<2x128xbf16>
    %bitcast_convert_type3A_1151 = tpu.bitcast %convert_element_type3A_1150 : vector<2x128xbf16> -> vector<2x128xi16>
    %convert_element_type3A_1152 = arith.extui %bitcast_convert_type3A_1151 : vector<2x128xi16> to vector<2x128xi32>
    %shift_left3A_1153 = arith.constant 16 : i32
    %shift_left3A_1154 = vector.broadcast %shift_left3A_1153 : i32 to vector<2x128xi32>
    %shift_left3A_1155 = arith.shli %convert_element_type3A_1152, %shift_left3A_1154 : vector<2x128xi32>
    %convert_element_type3A_1156 = arith.extui %bitcast_convert_type3A_1149 : vector<2x128xi16> to vector<2x128xi32>
    %or3A_1157 = arith.ori %shift_left3A_1155, %convert_element_type3A_1156 : vector<2x128xi32>
    %bitcast_convert_type3A_1158 = tpu.bitcast %or3A_1157 : vector<2x128xi32> -> vector<2x128xi32>
    %swap3A_1159 = arith.constant 62 : index
    %swap3A_1160 = arith.constant 0 : index
    %swap3A_1161 = vector.load %arg6[%swap3A_1159, %swap3A_1160] : memref<128x128xi32, #tpu.memory_space<vmem>>, vector<2x128xi32>
    tpu.vector_store %arg6[%swap3A_1159, %swap3A_1160], %bitcast_convert_type3A_1158 {strides = array<i32>} : memref<128x128xi32, #tpu.memory_space<vmem>>, vector<2x128xi32>,
    %get3A_1162 = arith.constant 4096 : index
    %get3A_1163 = arith.constant 0 : index
    %get3A_1164 = vector.load %arg3[%get3A_1162, %get3A_1163] : memref<8192x3xf32, #tpu.memory_space<vmem>>, vector<128x3xf32>
    %transpose3A_1165 = tpu.transpose %get3A_1164, [1, 0] : vector<128x3xf32> -> vector<3x128xf32>
    %slice3A_1166 = vector.extract_strided_slice %transpose3A_1165 {offsets = [0, 0], sizes = [1, 128], strides = [1, 1]} : vector<3x128xf32> to vector<1x128xf32>
    %slice3A_1167 = vector.extract_strided_slice %transpose3A_1165 {offsets = [2, 0], sizes = [1, 128], strides = [1, 1]} : vector<3x128xf32> to vector<1x128xf32>
    %concatenate3A_1168 = tpu.concatenate %slice3A_1166, %slice3A_1167 in 0 : vector<1x128xf32>, vector<1x128xf32> -> vector<2x128xf32>
    %slice3A_1169 = vector.extract_strided_slice %transpose3A_1165 {offsets = [1, 0], sizes = [1, 128], strides = [1, 1]} : vector<3x128xf32> to vector<1x128xf32>
    %broadcast_in_dim3A_1170 = arith.constant 0.000000e+00 : f32
    %broadcast_in_dim3A_1171 = vector.broadcast %broadcast_in_dim3A_1170 : f32 to vector<1x128xf32>
    %concatenate3A_1172 = tpu.concatenate %slice3A_1169, %broadcast_in_dim3A_1171 in 0 : vector<1x128xf32>, vector<1x128xf32> -> vector<2x128xf32>
    %convert_element_type3A_1173 = arith.truncf %concatenate3A_1168 : vector<2x128xf32> to vector<2x128xbf16>
    %bitcast_convert_type3A_1174 = tpu.bitcast %convert_element_type3A_1173 : vector<2x128xbf16> -> vector<2x128xi16>
    %convert_element_type3A_1175 = arith.truncf %concatenate3A_1172 : vector<2x128xf32> to vector<2x128xbf16>
    %bitcast_convert_type3A_1176 = tpu.bitcast %convert_element_type3A_1175 : vector<2x128xbf16> -> vector<2x128xi16>
    %convert_element_type3A_1177 = arith.extui %bitcast_convert_type3A_1176 : vector<2x128xi16> to vector<2x128xi32>
    %shift_left3A_1178 = arith.constant 16 : i32
    %shift_left3A_1179 = vector.broadcast %shift_left3A_1178 : i32 to vector<2x128xi32>
    %shift_left3A_1180 = arith.shli %convert_element_type3A_1177, %shift_left3A_1179 : vector<2x128xi32>
    %convert_element_type3A_1181 = arith.extui %bitcast_convert_type3A_1174 : vector<2x128xi16> to vector<2x128xi32>
    %or3A_1182 = arith.ori %shift_left3A_1180, %convert_element_type3A_1181 : vector<2x128xi32>
    %bitcast_convert_type3A_1183 = tpu.bitcast %or3A_1182 : vector<2x128xi32> -> vector<2x128xi32>
    %swap3A_1184 = arith.constant 64 : index
    %swap3A_1185 = arith.constant 0 : index
    %swap3A_1186 = vector.load %arg6[%swap3A_1184, %swap3A_1185] : memref<128x128xi32, #tpu.memory_space<vmem>>, vector<2x128xi32>
    tpu.vector_store %arg6[%swap3A_1184, %swap3A_1185], %bitcast_convert_type3A_1183 {strides = array<i32>} : memref<128x128xi32, #tpu.memory_space<vmem>>, vector<2x128xi32>,
    %get3A_1187 = arith.constant 4224 : index
    %get3A_1188 = arith.constant 0 : index
    %get3A_1189 = vector.load %arg3[%get3A_1187, %get3A_1188] : memref<8192x3xf32, #tpu.memory_space<vmem>>, vector<128x3xf32>
    %transpose3A_1190 = tpu.transpose %get3A_1189, [1, 0] : vector<128x3xf32> -> vector<3x128xf32>
    %slice3A_1191 = vector.extract_strided_slice %transpose3A_1190 {offsets = [0, 0], sizes = [1, 128], strides = [1, 1]} : vector<3x128xf32> to vector<1x128xf32>
    %slice3A_1192 = vector.extract_strided_slice %transpose3A_1190 {offsets = [2, 0], sizes = [1, 128], strides = [1, 1]} : vector<3x128xf32> to vector<1x128xf32>
    %concatenate3A_1193 = tpu.concatenate %slice3A_1191, %slice3A_1192 in 0 : vector<1x128xf32>, vector<1x128xf32> -> vector<2x128xf32>
    %slice3A_1194 = vector.extract_strided_slice %transpose3A_1190 {offsets = [1, 0], sizes = [1, 128], strides = [1, 1]} : vector<3x128xf32> to vector<1x128xf32>
    %broadcast_in_dim3A_1195 = arith.constant 0.000000e+00 : f32
    %broadcast_in_dim3A_1196 = vector.broadcast %broadcast_in_dim3A_1195 : f32 to vector<1x128xf32>
    %concatenate3A_1197 = tpu.concatenate %slice3A_1194, %broadcast_in_dim3A_1196 in 0 : vector<1x128xf32>, vector<1x128xf32> -> vector<2x128xf32>
    %convert_element_type3A_1198 = arith.truncf %concatenate3A_1193 : vector<2x128xf32> to vector<2x128xbf16>
    %bitcast_convert_type3A_1199 = tpu.bitcast %convert_element_type3A_1198 : vector<2x128xbf16> -> vector<2x128xi16>
    %convert_element_type3A_1200 = arith.truncf %concatenate3A_1197 : vector<2x128xf32> to vector<2x128xbf16>
    %bitcast_convert_type3A_1201 = tpu.bitcast %convert_element_type3A_1200 : vector<2x128xbf16> -> vector<2x128xi16>
    %convert_element_type3A_1202 = arith.extui %bitcast_convert_type3A_1201 : vector<2x128xi16> to vector<2x128xi32>
    %shift_left3A_1203 = arith.constant 16 : i32
    %shift_left3A_1204 = vector.broadcast %shift_left3A_1203 : i32 to vector<2x128xi32>
    %shift_left3A_1205 = arith.shli %convert_element_type3A_1202, %shift_left3A_1204 : vector<2x128xi32>
    %convert_element_type3A_1206 = arith.extui %bitcast_convert_type3A_1199 : vector<2x128xi16> to vector<2x128xi32>
    %or3A_1207 = arith.ori %shift_left3A_1205, %convert_element_type3A_1206 : vector<2x128xi32>
    %bitcast_convert_type3A_1208 = tpu.bitcast %or3A_1207 : vector<2x128xi32> -> vector<2x128xi32>
    %swap3A_1209 = arith.constant 66 : index
    %swap3A_1210 = arith.constant 0 : index
    %swap3A_1211 = vector.load %arg6[%swap3A_1209, %swap3A_1210] : memref<128x128xi32, #tpu.memory_space<vmem>>, vector<2x128xi32>
    tpu.vector_store %arg6[%swap3A_1209, %swap3A_1210], %bitcast_convert_type3A_1208 {strides = array<i32>} : memref<128x128xi32, #tpu.memory_space<vmem>>, vector<2x128xi32>,
    %get3A_1212 = arith.constant 4352 : index
    %get3A_1213 = arith.constant 0 : index
    %get3A_1214 = vector.load %arg3[%get3A_1212, %get3A_1213] : memref<8192x3xf32, #tpu.memory_space<vmem>>, vector<128x3xf32>
    %transpose3A_1215 = tpu.transpose %get3A_1214, [1, 0] : vector<128x3xf32> -> vector<3x128xf32>
    %slice3A_1216 = vector.extract_strided_slice %transpose3A_1215 {offsets = [0, 0], sizes = [1, 128], strides = [1, 1]} : vector<3x128xf32> to vector<1x128xf32>
    %slice3A_1217 = vector.extract_strided_slice %transpose3A_1215 {offsets = [2, 0], sizes = [1, 128], strides = [1, 1]} : vector<3x128xf32> to vector<1x128xf32>
    %concatenate3A_1218 = tpu.concatenate %slice3A_1216, %slice3A_1217 in 0 : vector<1x128xf32>, vector<1x128xf32> -> vector<2x128xf32>
    %slice3A_1219 = vector.extract_strided_slice %transpose3A_1215 {offsets = [1, 0], sizes = [1, 128], strides = [1, 1]} : vector<3x128xf32> to vector<1x128xf32>
    %broadcast_in_dim3A_1220 = arith.constant 0.000000e+00 : f32
    %broadcast_in_dim3A_1221 = vector.broadcast %broadcast_in_dim3A_1220 : f32 to vector<1x128xf32>
    %concatenate3A_1222 = tpu.concatenate %slice3A_1219, %broadcast_in_dim3A_1221 in 0 : vector<1x128xf32>, vector<1x128xf32> -> vector<2x128xf32>
    %convert_element_type3A_1223 = arith.truncf %concatenate3A_1218 : vector<2x128xf32> to vector<2x128xbf16>
    %bitcast_convert_type3A_1224 = tpu.bitcast %convert_element_type3A_1223 : vector<2x128xbf16> -> vector<2x128xi16>
    %convert_element_type3A_1225 = arith.truncf %concatenate3A_1222 : vector<2x128xf32> to vector<2x128xbf16>
    %bitcast_convert_type3A_1226 = tpu.bitcast %convert_element_type3A_1225 : vector<2x128xbf16> -> vector<2x128xi16>
    %convert_element_type3A_1227 = arith.extui %bitcast_convert_type3A_1226 : vector<2x128xi16> to vector<2x128xi32>
    %shift_left3A_1228 = arith.constant 16 : i32
    %shift_left3A_1229 = vector.broadcast %shift_left3A_1228 : i32 to vector<2x128xi32>
    %shift_left3A_1230 = arith.shli %convert_element_type3A_1227, %shift_left3A_1229 : vector<2x128xi32>
    %convert_element_type3A_1231 = arith.extui %bitcast_convert_type3A_1224 : vector<2x128xi16> to vector<2x128xi32>
    %or3A_1232 = arith.ori %shift_left3A_1230, %convert_element_type3A_1231 : vector<2x128xi32>
    %bitcast_convert_type3A_1233 = tpu.bitcast %or3A_1232 : vector<2x128xi32> -> vector<2x128xi32>
    %swap3A_1234 = arith.constant 68 : index
    %swap3A_1235 = arith.constant 0 : index
    %swap3A_1236 = vector.load %arg6[%swap3A_1234, %swap3A_1235] : memref<128x128xi32, #tpu.memory_space<vmem>>, vector<2x128xi32>
    tpu.vector_store %arg6[%swap3A_1234, %swap3A_1235], %bitcast_convert_type3A_1233 {strides = array<i32>} : memref<128x128xi32, #tpu.memory_space<vmem>>, vector<2x128xi32>,
    %get3A_1237 = arith.constant 4480 : index
    %get3A_1238 = arith.constant 0 : index
    %get3A_1239 = vector.load %arg3[%get3A_1237, %get3A_1238] : memref<8192x3xf32, #tpu.memory_space<vmem>>, vector<128x3xf32>
    %transpose3A_1240 = tpu.transpose %get3A_1239, [1, 0] : vector<128x3xf32> -> vector<3x128xf32>
    %slice3A_1241 = vector.extract_strided_slice %transpose3A_1240 {offsets = [0, 0], sizes = [1, 128], strides = [1, 1]} : vector<3x128xf32> to vector<1x128xf32>
    %slice3A_1242 = vector.extract_strided_slice %transpose3A_1240 {offsets = [2, 0], sizes = [1, 128], strides = [1, 1]} : vector<3x128xf32> to vector<1x128xf32>
    %concatenate3A_1243 = tpu.concatenate %slice3A_1241, %slice3A_1242 in 0 : vector<1x128xf32>, vector<1x128xf32> -> vector<2x128xf32>
    %slice3A_1244 = vector.extract_strided_slice %transpose3A_1240 {offsets = [1, 0], sizes = [1, 128], strides = [1, 1]} : vector<3x128xf32> to vector<1x128xf32>
    %broadcast_in_dim3A_1245 = arith.constant 0.000000e+00 : f32
    %broadcast_in_dim3A_1246 = vector.broadcast %broadcast_in_dim3A_1245 : f32 to vector<1x128xf32>
    %concatenate3A_1247 = tpu.concatenate %slice3A_1244, %broadcast_in_dim3A_1246 in 0 : vector<1x128xf32>, vector<1x128xf32> -> vector<2x128xf32>
    %convert_element_type3A_1248 = arith.truncf %concatenate3A_1243 : vector<2x128xf32> to vector<2x128xbf16>
    %bitcast_convert_type3A_1249 = tpu.bitcast %convert_element_type3A_1248 : vector<2x128xbf16> -> vector<2x128xi16>
    %convert_element_type3A_1250 = arith.truncf %concatenate3A_1247 : vector<2x128xf32> to vector<2x128xbf16>
    %bitcast_convert_type3A_1251 = tpu.bitcast %convert_element_type3A_1250 : vector<2x128xbf16> -> vector<2x128xi16>
    %convert_element_type3A_1252 = arith.extui %bitcast_convert_type3A_1251 : vector<2x128xi16> to vector<2x128xi32>
    %shift_left3A_1253 = arith.constant 16 : i32
    %shift_left3A_1254 = vector.broadcast %shift_left3A_1253 : i32 to vector<2x128xi32>
    %shift_left3A_1255 = arith.shli %convert_element_type3A_1252, %shift_left3A_1254 : vector<2x128xi32>
    %convert_element_type3A_1256 = arith.extui %bitcast_convert_type3A_1249 : vector<2x128xi16> to vector<2x128xi32>
    %or3A_1257 = arith.ori %shift_left3A_1255, %convert_element_type3A_1256 : vector<2x128xi32>
    %bitcast_convert_type3A_1258 = tpu.bitcast %or3A_1257 : vector<2x128xi32> -> vector<2x128xi32>
    %swap3A_1259 = arith.constant 70 : index
    %swap3A_1260 = arith.constant 0 : index
    %swap3A_1261 = vector.load %arg6[%swap3A_1259, %swap3A_1260] : memref<128x128xi32, #tpu.memory_space<vmem>>, vector<2x128xi32>
    tpu.vector_store %arg6[%swap3A_1259, %swap3A_1260], %bitcast_convert_type3A_1258 {strides = array<i32>} : memref<128x128xi32, #tpu.memory_space<vmem>>, vector<2x128xi32>,
    %get3A_1262 = arith.constant 4608 : index
    %get3A_1263 = arith.constant 0 : index
    %get3A_1264 = vector.load %arg3[%get3A_1262, %get3A_1263] : memref<8192x3xf32, #tpu.memory_space<vmem>>, vector<128x3xf32>
    %transpose3A_1265 = tpu.transpose %get3A_1264, [1, 0] : vector<128x3xf32> -> vector<3x128xf32>
    %slice3A_1266 = vector.extract_strided_slice %transpose3A_1265 {offsets = [0, 0], sizes = [1, 128], strides = [1, 1]} : vector<3x128xf32> to vector<1x128xf32>
    %slice3A_1267 = vector.extract_strided_slice %transpose3A_1265 {offsets = [2, 0], sizes = [1, 128], strides = [1, 1]} : vector<3x128xf32> to vector<1x128xf32>
    %concatenate3A_1268 = tpu.concatenate %slice3A_1266, %slice3A_1267 in 0 : vector<1x128xf32>, vector<1x128xf32> -> vector<2x128xf32>
    %slice3A_1269 = vector.extract_strided_slice %transpose3A_1265 {offsets = [1, 0], sizes = [1, 128], strides = [1, 1]} : vector<3x128xf32> to vector<1x128xf32>
    %broadcast_in_dim3A_1270 = arith.constant 0.000000e+00 : f32
    %broadcast_in_dim3A_1271 = vector.broadcast %broadcast_in_dim3A_1270 : f32 to vector<1x128xf32>
    %concatenate3A_1272 = tpu.concatenate %slice3A_1269, %broadcast_in_dim3A_1271 in 0 : vector<1x128xf32>, vector<1x128xf32> -> vector<2x128xf32>
    %convert_element_type3A_1273 = arith.truncf %concatenate3A_1268 : vector<2x128xf32> to vector<2x128xbf16>
    %bitcast_convert_type3A_1274 = tpu.bitcast %convert_element_type3A_1273 : vector<2x128xbf16> -> vector<2x128xi16>
    %convert_element_type3A_1275 = arith.truncf %concatenate3A_1272 : vector<2x128xf32> to vector<2x128xbf16>
    %bitcast_convert_type3A_1276 = tpu.bitcast %convert_element_type3A_1275 : vector<2x128xbf16> -> vector<2x128xi16>
    %convert_element_type3A_1277 = arith.extui %bitcast_convert_type3A_1276 : vector<2x128xi16> to vector<2x128xi32>
    %shift_left3A_1278 = arith.constant 16 : i32
    %shift_left3A_1279 = vector.broadcast %shift_left3A_1278 : i32 to vector<2x128xi32>
    %shift_left3A_1280 = arith.shli %convert_element_type3A_1277, %shift_left3A_1279 : vector<2x128xi32>
    %convert_element_type3A_1281 = arith.extui %bitcast_convert_type3A_1274 : vector<2x128xi16> to vector<2x128xi32>
    %or3A_1282 = arith.ori %shift_left3A_1280, %convert_element_type3A_1281 : vector<2x128xi32>
    %bitcast_convert_type3A_1283 = tpu.bitcast %or3A_1282 : vector<2x128xi32> -> vector<2x128xi32>
    %swap3A_1284 = arith.constant 72 : index
    %swap3A_1285 = arith.constant 0 : index
    %swap3A_1286 = vector.load %arg6[%swap3A_1284, %swap3A_1285] : memref<128x128xi32, #tpu.memory_space<vmem>>, vector<2x128xi32>
    tpu.vector_store %arg6[%swap3A_1284, %swap3A_1285], %bitcast_convert_type3A_1283 {strides = array<i32>} : memref<128x128xi32, #tpu.memory_space<vmem>>, vector<2x128xi32>,
    %get3A_1287 = arith.constant 4736 : index
    %get3A_1288 = arith.constant 0 : index
    %get3A_1289 = vector.load %arg3[%get3A_1287, %get3A_1288] : memref<8192x3xf32, #tpu.memory_space<vmem>>, vector<128x3xf32>
    %transpose3A_1290 = tpu.transpose %get3A_1289, [1, 0] : vector<128x3xf32> -> vector<3x128xf32>
    %slice3A_1291 = vector.extract_strided_slice %transpose3A_1290 {offsets = [0, 0], sizes = [1, 128], strides = [1, 1]} : vector<3x128xf32> to vector<1x128xf32>
    %slice3A_1292 = vector.extract_strided_slice %transpose3A_1290 {offsets = [2, 0], sizes = [1, 128], strides = [1, 1]} : vector<3x128xf32> to vector<1x128xf32>
    %concatenate3A_1293 = tpu.concatenate %slice3A_1291, %slice3A_1292 in 0 : vector<1x128xf32>, vector<1x128xf32> -> vector<2x128xf32>
    %slice3A_1294 = vector.extract_strided_slice %transpose3A_1290 {offsets = [1, 0], sizes = [1, 128], strides = [1, 1]} : vector<3x128xf32> to vector<1x128xf32>
    %broadcast_in_dim3A_1295 = arith.constant 0.000000e+00 : f32
    %broadcast_in_dim3A_1296 = vector.broadcast %broadcast_in_dim3A_1295 : f32 to vector<1x128xf32>
    %concatenate3A_1297 = tpu.concatenate %slice3A_1294, %broadcast_in_dim3A_1296 in 0 : vector<1x128xf32>, vector<1x128xf32> -> vector<2x128xf32>
    %convert_element_type3A_1298 = arith.truncf %concatenate3A_1293 : vector<2x128xf32> to vector<2x128xbf16>
    %bitcast_convert_type3A_1299 = tpu.bitcast %convert_element_type3A_1298 : vector<2x128xbf16> -> vector<2x128xi16>
    %convert_element_type3A_1300 = arith.truncf %concatenate3A_1297 : vector<2x128xf32> to vector<2x128xbf16>
    %bitcast_convert_type3A_1301 = tpu.bitcast %convert_element_type3A_1300 : vector<2x128xbf16> -> vector<2x128xi16>
    %convert_element_type3A_1302 = arith.extui %bitcast_convert_type3A_1301 : vector<2x128xi16> to vector<2x128xi32>
    %shift_left3A_1303 = arith.constant 16 : i32
    %shift_left3A_1304 = vector.broadcast %shift_left3A_1303 : i32 to vector<2x128xi32>
    %shift_left3A_1305 = arith.shli %convert_element_type3A_1302, %shift_left3A_1304 : vector<2x128xi32>
    %convert_element_type3A_1306 = arith.extui %bitcast_convert_type3A_1299 : vector<2x128xi16> to vector<2x128xi32>
    %or3A_1307 = arith.ori %shift_left3A_1305, %convert_element_type3A_1306 : vector<2x128xi32>
    %bitcast_convert_type3A_1308 = tpu.bitcast %or3A_1307 : vector<2x128xi32> -> vector<2x128xi32>
    %swap3A_1309 = arith.constant 74 : index
    %swap3A_1310 = arith.constant 0 : index
    %swap3A_1311 = vector.load %arg6[%swap3A_1309, %swap3A_1310] : memref<128x128xi32, #tpu.memory_space<vmem>>, vector<2x128xi32>
    tpu.vector_store %arg6[%swap3A_1309, %swap3A_1310], %bitcast_convert_type3A_1308 {strides = array<i32>} : memref<128x128xi32, #tpu.memory_space<vmem>>, vector<2x128xi32>,
    %get3A_1312 = arith.constant 4864 : index
    %get3A_1313 = arith.constant 0 : index
    %get3A_1314 = vector.load %arg3[%get3A_1312, %get3A_1313] : memref<8192x3xf32, #tpu.memory_space<vmem>>, vector<128x3xf32>
    %transpose3A_1315 = tpu.transpose %get3A_1314, [1, 0] : vector<128x3xf32> -> vector<3x128xf32>
    %slice3A_1316 = vector.extract_strided_slice %transpose3A_1315 {offsets = [0, 0], sizes = [1, 128], strides = [1, 1]} : vector<3x128xf32> to vector<1x128xf32>
    %slice3A_1317 = vector.extract_strided_slice %transpose3A_1315 {offsets = [2, 0], sizes = [1, 128], strides = [1, 1]} : vector<3x128xf32> to vector<1x128xf32>
    %concatenate3A_1318 = tpu.concatenate %slice3A_1316, %slice3A_1317 in 0 : vector<1x128xf32>, vector<1x128xf32> -> vector<2x128xf32>
    %slice3A_1319 = vector.extract_strided_slice %transpose3A_1315 {offsets = [1, 0], sizes = [1, 128], strides = [1, 1]} : vector<3x128xf32> to vector<1x128xf32>
    %broadcast_in_dim3A_1320 = arith.constant 0.000000e+00 : f32
    %broadcast_in_dim3A_1321 = vector.broadcast %broadcast_in_dim3A_1320 : f32 to vector<1x128xf32>
    %concatenate3A_1322 = tpu.concatenate %slice3A_1319, %broadcast_in_dim3A_1321 in 0 : vector<1x128xf32>, vector<1x128xf32> -> vector<2x128xf32>
    %convert_element_type3A_1323 = arith.truncf %concatenate3A_1318 : vector<2x128xf32> to vector<2x128xbf16>
    %bitcast_convert_type3A_1324 = tpu.bitcast %convert_element_type3A_1323 : vector<2x128xbf16> -> vector<2x128xi16>
    %convert_element_type3A_1325 = arith.truncf %concatenate3A_1322 : vector<2x128xf32> to vector<2x128xbf16>
    %bitcast_convert_type3A_1326 = tpu.bitcast %convert_element_type3A_1325 : vector<2x128xbf16> -> vector<2x128xi16>
    %convert_element_type3A_1327 = arith.extui %bitcast_convert_type3A_1326 : vector<2x128xi16> to vector<2x128xi32>
    %shift_left3A_1328 = arith.constant 16 : i32
    %shift_left3A_1329 = vector.broadcast %shift_left3A_1328 : i32 to vector<2x128xi32>
    %shift_left3A_1330 = arith.shli %convert_element_type3A_1327, %shift_left3A_1329 : vector<2x128xi32>
    %convert_element_type3A_1331 = arith.extui %bitcast_convert_type3A_1324 : vector<2x128xi16> to vector<2x128xi32>
    %or3A_1332 = arith.ori %shift_left3A_1330, %convert_element_type3A_1331 : vector<2x128xi32>
    %bitcast_convert_type3A_1333 = tpu.bitcast %or3A_1332 : vector<2x128xi32> -> vector<2x128xi32>
    %swap3A_1334 = arith.constant 76 : index
    %swap3A_1335 = arith.constant 0 : index
    %swap3A_1336 = vector.load %arg6[%swap3A_1334, %swap3A_1335] : memref<128x128xi32, #tpu.memory_space<vmem>>, vector<2x128xi32>
    tpu.vector_store %arg6[%swap3A_1334, %swap3A_1335], %bitcast_convert_type3A_1333 {strides = array<i32>} : memref<128x128xi32, #tpu.memory_space<vmem>>, vector<2x128xi32>,
    %get3A_1337 = arith.constant 4992 : index
    %get3A_1338 = arith.constant 0 : index
    %get3A_1339 = vector.load %arg3[%get3A_1337, %get3A_1338] : memref<8192x3xf32, #tpu.memory_space<vmem>>, vector<128x3xf32>
    %transpose3A_1340 = tpu.transpose %get3A_1339, [1, 0] : vector<128x3xf32> -> vector<3x128xf32>
    %slice3A_1341 = vector.extract_strided_slice %transpose3A_1340 {offsets = [0, 0], sizes = [1, 128], strides = [1, 1]} : vector<3x128xf32> to vector<1x128xf32>
    %slice3A_1342 = vector.extract_strided_slice %transpose3A_1340 {offsets = [2, 0], sizes = [1, 128], strides = [1, 1]} : vector<3x128xf32> to vector<1x128xf32>
    %concatenate3A_1343 = tpu.concatenate %slice3A_1341, %slice3A_1342 in 0 : vector<1x128xf32>, vector<1x128xf32> -> vector<2x128xf32>
    %slice3A_1344 = vector.extract_strided_slice %transpose3A_1340 {offsets = [1, 0], sizes = [1, 128], strides = [1, 1]} : vector<3x128xf32> to vector<1x128xf32>
    %broadcast_in_dim3A_1345 = arith.constant 0.000000e+00 : f32
    %broadcast_in_dim3A_1346 = vector.broadcast %broadcast_in_dim3A_1345 : f32 to vector<1x128xf32>
    %concatenate3A_1347 = tpu.concatenate %slice3A_1344, %broadcast_in_dim3A_1346 in 0 : vector<1x128xf32>, vector<1x128xf32> -> vector<2x128xf32>
    %convert_element_type3A_1348 = arith.truncf %concatenate3A_1343 : vector<2x128xf32> to vector<2x128xbf16>
    %bitcast_convert_type3A_1349 = tpu.bitcast %convert_element_type3A_1348 : vector<2x128xbf16> -> vector<2x128xi16>
    %convert_element_type3A_1350 = arith.truncf %concatenate3A_1347 : vector<2x128xf32> to vector<2x128xbf16>
    %bitcast_convert_type3A_1351 = tpu.bitcast %convert_element_type3A_1350 : vector<2x128xbf16> -> vector<2x128xi16>
    %convert_element_type3A_1352 = arith.extui %bitcast_convert_type3A_1351 : vector<2x128xi16> to vector<2x128xi32>
    %shift_left3A_1353 = arith.constant 16 : i32
    %shift_left3A_1354 = vector.broadcast %shift_left3A_1353 : i32 to vector<2x128xi32>
    %shift_left3A_1355 = arith.shli %convert_element_type3A_1352, %shift_left3A_1354 : vector<2x128xi32>
    %convert_element_type3A_1356 = arith.extui %bitcast_convert_type3A_1349 : vector<2x128xi16> to vector<2x128xi32>
    %or3A_1357 = arith.ori %shift_left3A_1355, %convert_element_type3A_1356 : vector<2x128xi32>
    %bitcast_convert_type3A_1358 = tpu.bitcast %or3A_1357 : vector<2x128xi32> -> vector<2x128xi32>
    %swap3A_1359 = arith.constant 78 : index
    %swap3A_1360 = arith.constant 0 : index
    %swap3A_1361 = vector.load %arg6[%swap3A_1359, %swap3A_1360] : memref<128x128xi32, #tpu.memory_space<vmem>>, vector<2x128xi32>
    tpu.vector_store %arg6[%swap3A_1359, %swap3A_1360], %bitcast_convert_type3A_1358 {strides = array<i32>} : memref<128x128xi32, #tpu.memory_space<vmem>>, vector<2x128xi32>,
    %get3A_1362 = arith.constant 5120 : index
    %get3A_1363 = arith.constant 0 : index
    %get3A_1364 = vector.load %arg3[%get3A_1362, %get3A_1363] : memref<8192x3xf32, #tpu.memory_space<vmem>>, vector<128x3xf32>
    %transpose3A_1365 = tpu.transpose %get3A_1364, [1, 0] : vector<128x3xf32> -> vector<3x128xf32>
    %slice3A_1366 = vector.extract_strided_slice %transpose3A_1365 {offsets = [0, 0], sizes = [1, 128], strides = [1, 1]} : vector<3x128xf32> to vector<1x128xf32>
    %slice3A_1367 = vector.extract_strided_slice %transpose3A_1365 {offsets = [2, 0], sizes = [1, 128], strides = [1, 1]} : vector<3x128xf32> to vector<1x128xf32>
    %concatenate3A_1368 = tpu.concatenate %slice3A_1366, %slice3A_1367 in 0 : vector<1x128xf32>, vector<1x128xf32> -> vector<2x128xf32>
    %slice3A_1369 = vector.extract_strided_slice %transpose3A_1365 {offsets = [1, 0], sizes = [1, 128], strides = [1, 1]} : vector<3x128xf32> to vector<1x128xf32>
    %broadcast_in_dim3A_1370 = arith.constant 0.000000e+00 : f32
    %broadcast_in_dim3A_1371 = vector.broadcast %broadcast_in_dim3A_1370 : f32 to vector<1x128xf32>
    %concatenate3A_1372 = tpu.concatenate %slice3A_1369, %broadcast_in_dim3A_1371 in 0 : vector<1x128xf32>, vector<1x128xf32> -> vector<2x128xf32>
    %convert_element_type3A_1373 = arith.truncf %concatenate3A_1368 : vector<2x128xf32> to vector<2x128xbf16>
    %bitcast_convert_type3A_1374 = tpu.bitcast %convert_element_type3A_1373 : vector<2x128xbf16> -> vector<2x128xi16>
    %convert_element_type3A_1375 = arith.truncf %concatenate3A_1372 : vector<2x128xf32> to vector<2x128xbf16>
    %bitcast_convert_type3A_1376 = tpu.bitcast %convert_element_type3A_1375 : vector<2x128xbf16> -> vector<2x128xi16>
    %convert_element_type3A_1377 = arith.extui %bitcast_convert_type3A_1376 : vector<2x128xi16> to vector<2x128xi32>
    %shift_left3A_1378 = arith.constant 16 : i32
    %shift_left3A_1379 = vector.broadcast %shift_left3A_1378 : i32 to vector<2x128xi32>
    %shift_left3A_1380 = arith.shli %convert_element_type3A_1377, %shift_left3A_1379 : vector<2x128xi32>
    %convert_element_type3A_1381 = arith.extui %bitcast_convert_type3A_1374 : vector<2x128xi16> to vector<2x128xi32>
    %or3A_1382 = arith.ori %shift_left3A_1380, %convert_element_type3A_1381 : vector<2x128xi32>
    %bitcast_convert_type3A_1383 = tpu.bitcast %or3A_1382 : vector<2x128xi32> -> vector<2x128xi32>
    %swap3A_1384 = arith.constant 80 : index
    %swap3A_1385 = arith.constant 0 : index
    %swap3A_1386 = vector.load %arg6[%swap3A_1384, %swap3A_1385] : memref<128x128xi32, #tpu.memory_space<vmem>>, vector<2x128xi32>
    tpu.vector_store %arg6[%swap3A_1384, %swap3A_1385], %bitcast_convert_type3A_1383 {strides = array<i32>} : memref<128x128xi32, #tpu.memory_space<vmem>>, vector<2x128xi32>,
    %get3A_1387 = arith.constant 5248 : index
    %get3A_1388 = arith.constant 0 : index
    %get3A_1389 = vector.load %arg3[%get3A_1387, %get3A_1388] : memref<8192x3xf32, #tpu.memory_space<vmem>>, vector<128x3xf32>
    %transpose3A_1390 = tpu.transpose %get3A_1389, [1, 0] : vector<128x3xf32> -> vector<3x128xf32>
    %slice3A_1391 = vector.extract_strided_slice %transpose3A_1390 {offsets = [0, 0], sizes = [1, 128], strides = [1, 1]} : vector<3x128xf32> to vector<1x128xf32>
    %slice3A_1392 = vector.extract_strided_slice %transpose3A_1390 {offsets = [2, 0], sizes = [1, 128], strides = [1, 1]} : vector<3x128xf32> to vector<1x128xf32>
    %concatenate3A_1393 = tpu.concatenate %slice3A_1391, %slice3A_1392 in 0 : vector<1x128xf32>, vector<1x128xf32> -> vector<2x128xf32>
    %slice3A_1394 = vector.extract_strided_slice %transpose3A_1390 {offsets = [1, 0], sizes = [1, 128], strides = [1, 1]} : vector<3x128xf32> to vector<1x128xf32>
    %broadcast_in_dim3A_1395 = arith.constant 0.000000e+00 : f32
    %broadcast_in_dim3A_1396 = vector.broadcast %broadcast_in_dim3A_1395 : f32 to vector<1x128xf32>
    %concatenate3A_1397 = tpu.concatenate %slice3A_1394, %broadcast_in_dim3A_1396 in 0 : vector<1x128xf32>, vector<1x128xf32> -> vector<2x128xf32>
    %convert_element_type3A_1398 = arith.truncf %concatenate3A_1393 : vector<2x128xf32> to vector<2x128xbf16>
    %bitcast_convert_type3A_1399 = tpu.bitcast %convert_element_type3A_1398 : vector<2x128xbf16> -> vector<2x128xi16>
    %convert_element_type3A_1400 = arith.truncf %concatenate3A_1397 : vector<2x128xf32> to vector<2x128xbf16>
    %bitcast_convert_type3A_1401 = tpu.bitcast %convert_element_type3A_1400 : vector<2x128xbf16> -> vector<2x128xi16>
    %convert_element_type3A_1402 = arith.extui %bitcast_convert_type3A_1401 : vector<2x128xi16> to vector<2x128xi32>
    %shift_left3A_1403 = arith.constant 16 : i32
    %shift_left3A_1404 = vector.broadcast %shift_left3A_1403 : i32 to vector<2x128xi32>
    %shift_left3A_1405 = arith.shli %convert_element_type3A_1402, %shift_left3A_1404 : vector<2x128xi32>
    %convert_element_type3A_1406 = arith.extui %bitcast_convert_type3A_1399 : vector<2x128xi16> to vector<2x128xi32>
    %or3A_1407 = arith.ori %shift_left3A_1405, %convert_element_type3A_1406 : vector<2x128xi32>
    %bitcast_convert_type3A_1408 = tpu.bitcast %or3A_1407 : vector<2x128xi32> -> vector<2x128xi32>
    %swap3A_1409 = arith.constant 82 : index
    %swap3A_1410 = arith.constant 0 : index
    %swap3A_1411 = vector.load %arg6[%swap3A_1409, %swap3A_1410] : memref<128x128xi32, #tpu.memory_space<vmem>>, vector<2x128xi32>
    tpu.vector_store %arg6[%swap3A_1409, %swap3A_1410], %bitcast_convert_type3A_1408 {strides = array<i32>} : memref<128x128xi32, #tpu.memory_space<vmem>>, vector<2x128xi32>,
    %get3A_1412 = arith.constant 5376 : index
    %get3A_1413 = arith.constant 0 : index
    %get3A_1414 = vector.load %arg3[%get3A_1412, %get3A_1413] : memref<8192x3xf32, #tpu.memory_space<vmem>>, vector<128x3xf32>
    %transpose3A_1415 = tpu.transpose %get3A_1414, [1, 0] : vector<128x3xf32> -> vector<3x128xf32>
    %slice3A_1416 = vector.extract_strided_slice %transpose3A_1415 {offsets = [0, 0], sizes = [1, 128], strides = [1, 1]} : vector<3x128xf32> to vector<1x128xf32>
    %slice3A_1417 = vector.extract_strided_slice %transpose3A_1415 {offsets = [2, 0], sizes = [1, 128], strides = [1, 1]} : vector<3x128xf32> to vector<1x128xf32>
    %concatenate3A_1418 = tpu.concatenate %slice3A_1416, %slice3A_1417 in 0 : vector<1x128xf32>, vector<1x128xf32> -> vector<2x128xf32>
    %slice3A_1419 = vector.extract_strided_slice %transpose3A_1415 {offsets = [1, 0], sizes = [1, 128], strides = [1, 1]} : vector<3x128xf32> to vector<1x128xf32>
    %broadcast_in_dim3A_1420 = arith.constant 0.000000e+00 : f32
    %broadcast_in_dim3A_1421 = vector.broadcast %broadcast_in_dim3A_1420 : f32 to vector<1x128xf32>
    %concatenate3A_1422 = tpu.concatenate %slice3A_1419, %broadcast_in_dim3A_1421 in 0 : vector<1x128xf32>, vector<1x128xf32> -> vector<2x128xf32>
    %convert_element_type3A_1423 = arith.truncf %concatenate3A_1418 : vector<2x128xf32> to vector<2x128xbf16>
    %bitcast_convert_type3A_1424 = tpu.bitcast %convert_element_type3A_1423 : vector<2x128xbf16> -> vector<2x128xi16>
    %convert_element_type3A_1425 = arith.truncf %concatenate3A_1422 : vector<2x128xf32> to vector<2x128xbf16>
    %bitcast_convert_type3A_1426 = tpu.bitcast %convert_element_type3A_1425 : vector<2x128xbf16> -> vector<2x128xi16>
    %convert_element_type3A_1427 = arith.extui %bitcast_convert_type3A_1426 : vector<2x128xi16> to vector<2x128xi32>
    %shift_left3A_1428 = arith.constant 16 : i32
    %shift_left3A_1429 = vector.broadcast %shift_left3A_1428 : i32 to vector<2x128xi32>
    %shift_left3A_1430 = arith.shli %convert_element_type3A_1427, %shift_left3A_1429 : vector<2x128xi32>
    %convert_element_type3A_1431 = arith.extui %bitcast_convert_type3A_1424 : vector<2x128xi16> to vector<2x128xi32>
    %or3A_1432 = arith.ori %shift_left3A_1430, %convert_element_type3A_1431 : vector<2x128xi32>
    %bitcast_convert_type3A_1433 = tpu.bitcast %or3A_1432 : vector<2x128xi32> -> vector<2x128xi32>
    %swap3A_1434 = arith.constant 84 : index
    %swap3A_1435 = arith.constant 0 : index
    %swap3A_1436 = vector.load %arg6[%swap3A_1434, %swap3A_1435] : memref<128x128xi32, #tpu.memory_space<vmem>>, vector<2x128xi32>
    tpu.vector_store %arg6[%swap3A_1434, %swap3A_1435], %bitcast_convert_type3A_1433 {strides = array<i32>} : memref<128x128xi32, #tpu.memory_space<vmem>>, vector<2x128xi32>,
    %get3A_1437 = arith.constant 5504 : index
    %get3A_1438 = arith.constant 0 : index
    %get3A_1439 = vector.load %arg3[%get3A_1437, %get3A_1438] : memref<8192x3xf32, #tpu.memory_space<vmem>>, vector<128x3xf32>
    %transpose3A_1440 = tpu.transpose %get3A_1439, [1, 0] : vector<128x3xf32> -> vector<3x128xf32>
    %slice3A_1441 = vector.extract_strided_slice %transpose3A_1440 {offsets = [0, 0], sizes = [1, 128], strides = [1, 1]} : vector<3x128xf32> to vector<1x128xf32>
    %slice3A_1442 = vector.extract_strided_slice %transpose3A_1440 {offsets = [2, 0], sizes = [1, 128], strides = [1, 1]} : vector<3x128xf32> to vector<1x128xf32>
    %concatenate3A_1443 = tpu.concatenate %slice3A_1441, %slice3A_1442 in 0 : vector<1x128xf32>, vector<1x128xf32> -> vector<2x128xf32>
    %slice3A_1444 = vector.extract_strided_slice %transpose3A_1440 {offsets = [1, 0], sizes = [1, 128], strides = [1, 1]} : vector<3x128xf32> to vector<1x128xf32>
    %broadcast_in_dim3A_1445 = arith.constant 0.000000e+00 : f32
    %broadcast_in_dim3A_1446 = vector.broadcast %broadcast_in_dim3A_1445 : f32 to vector<1x128xf32>
    %concatenate3A_1447 = tpu.concatenate %slice3A_1444, %broadcast_in_dim3A_1446 in 0 : vector<1x128xf32>, vector<1x128xf32> -> vector<2x128xf32>
    %convert_element_type3A_1448 = arith.truncf %concatenate3A_1443 : vector<2x128xf32> to vector<2x128xbf16>
    %bitcast_convert_type3A_1449 = tpu.bitcast %convert_element_type3A_1448 : vector<2x128xbf16> -> vector<2x128xi16>
    %convert_element_type3A_1450 = arith.truncf %concatenate3A_1447 : vector<2x128xf32> to vector<2x128xbf16>
    %bitcast_convert_type3A_1451 = tpu.bitcast %convert_element_type3A_1450 : vector<2x128xbf16> -> vector<2x128xi16>
    %convert_element_type3A_1452 = arith.extui %bitcast_convert_type3A_1451 : vector<2x128xi16> to vector<2x128xi32>
    %shift_left3A_1453 = arith.constant 16 : i32
    %shift_left3A_1454 = vector.broadcast %shift_left3A_1453 : i32 to vector<2x128xi32>
    %shift_left3A_1455 = arith.shli %convert_element_type3A_1452, %shift_left3A_1454 : vector<2x128xi32>
    %convert_element_type3A_1456 = arith.extui %bitcast_convert_type3A_1449 : vector<2x128xi16> to vector<2x128xi32>
    %or3A_1457 = arith.ori %shift_left3A_1455, %convert_element_type3A_1456 : vector<2x128xi32>
    %bitcast_convert_type3A_1458 = tpu.bitcast %or3A_1457 : vector<2x128xi32> -> vector<2x128xi32>
    %swap3A_1459 = arith.constant 86 : index
    %swap3A_1460 = arith.constant 0 : index
    %swap3A_1461 = vector.load %arg6[%swap3A_1459, %swap3A_1460] : memref<128x128xi32, #tpu.memory_space<vmem>>, vector<2x128xi32>
    tpu.vector_store %arg6[%swap3A_1459, %swap3A_1460], %bitcast_convert_type3A_1458 {strides = array<i32>} : memref<128x128xi32, #tpu.memory_space<vmem>>, vector<2x128xi32>,
    %get3A_1462 = arith.constant 5632 : index
    %get3A_1463 = arith.constant 0 : index
    %get3A_1464 = vector.load %arg3[%get3A_1462, %get3A_1463] : memref<8192x3xf32, #tpu.memory_space<vmem>>, vector<128x3xf32>
    %transpose3A_1465 = tpu.transpose %get3A_1464, [1, 0] : vector<128x3xf32> -> vector<3x128xf32>
    %slice3A_1466 = vector.extract_strided_slice %transpose3A_1465 {offsets = [0, 0], sizes = [1, 128], strides = [1, 1]} : vector<3x128xf32> to vector<1x128xf32>
    %slice3A_1467 = vector.extract_strided_slice %transpose3A_1465 {offsets = [2, 0], sizes = [1, 128], strides = [1, 1]} : vector<3x128xf32> to vector<1x128xf32>
    %concatenate3A_1468 = tpu.concatenate %slice3A_1466, %slice3A_1467 in 0 : vector<1x128xf32>, vector<1x128xf32> -> vector<2x128xf32>
    %slice3A_1469 = vector.extract_strided_slice %transpose3A_1465 {offsets = [1, 0], sizes = [1, 128], strides = [1, 1]} : vector<3x128xf32> to vector<1x128xf32>
    %broadcast_in_dim3A_1470 = arith.constant 0.000000e+00 : f32
    %broadcast_in_dim3A_1471 = vector.broadcast %broadcast_in_dim3A_1470 : f32 to vector<1x128xf32>
    %concatenate3A_1472 = tpu.concatenate %slice3A_1469, %broadcast_in_dim3A_1471 in 0 : vector<1x128xf32>, vector<1x128xf32> -> vector<2x128xf32>
    %convert_element_type3A_1473 = arith.truncf %concatenate3A_1468 : vector<2x128xf32> to vector<2x128xbf16>
    %bitcast_convert_type3A_1474 = tpu.bitcast %convert_element_type3A_1473 : vector<2x128xbf16> -> vector<2x128xi16>
    %convert_element_type3A_1475 = arith.truncf %concatenate3A_1472 : vector<2x128xf32> to vector<2x128xbf16>
    %bitcast_convert_type3A_1476 = tpu.bitcast %convert_element_type3A_1475 : vector<2x128xbf16> -> vector<2x128xi16>
    %convert_element_type3A_1477 = arith.extui %bitcast_convert_type3A_1476 : vector<2x128xi16> to vector<2x128xi32>
    %shift_left3A_1478 = arith.constant 16 : i32
    %shift_left3A_1479 = vector.broadcast %shift_left3A_1478 : i32 to vector<2x128xi32>
    %shift_left3A_1480 = arith.shli %convert_element_type3A_1477, %shift_left3A_1479 : vector<2x128xi32>
    %convert_element_type3A_1481 = arith.extui %bitcast_convert_type3A_1474 : vector<2x128xi16> to vector<2x128xi32>
    %or3A_1482 = arith.ori %shift_left3A_1480, %convert_element_type3A_1481 : vector<2x128xi32>
    %bitcast_convert_type3A_1483 = tpu.bitcast %or3A_1482 : vector<2x128xi32> -> vector<2x128xi32>
    %swap3A_1484 = arith.constant 88 : index
    %swap3A_1485 = arith.constant 0 : index
    %swap3A_1486 = vector.load %arg6[%swap3A_1484, %swap3A_1485] : memref<128x128xi32, #tpu.memory_space<vmem>>, vector<2x128xi32>
    tpu.vector_store %arg6[%swap3A_1484, %swap3A_1485], %bitcast_convert_type3A_1483 {strides = array<i32>} : memref<128x128xi32, #tpu.memory_space<vmem>>, vector<2x128xi32>,
    %get3A_1487 = arith.constant 5760 : index
    %get3A_1488 = arith.constant 0 : index
    %get3A_1489 = vector.load %arg3[%get3A_1487, %get3A_1488] : memref<8192x3xf32, #tpu.memory_space<vmem>>, vector<128x3xf32>
    %transpose3A_1490 = tpu.transpose %get3A_1489, [1, 0] : vector<128x3xf32> -> vector<3x128xf32>
    %slice3A_1491 = vector.extract_strided_slice %transpose3A_1490 {offsets = [0, 0], sizes = [1, 128], strides = [1, 1]} : vector<3x128xf32> to vector<1x128xf32>
    %slice3A_1492 = vector.extract_strided_slice %transpose3A_1490 {offsets = [2, 0], sizes = [1, 128], strides = [1, 1]} : vector<3x128xf32> to vector<1x128xf32>
    %concatenate3A_1493 = tpu.concatenate %slice3A_1491, %slice3A_1492 in 0 : vector<1x128xf32>, vector<1x128xf32> -> vector<2x128xf32>
    %slice3A_1494 = vector.extract_strided_slice %transpose3A_1490 {offsets = [1, 0], sizes = [1, 128], strides = [1, 1]} : vector<3x128xf32> to vector<1x128xf32>
    %broadcast_in_dim3A_1495 = arith.constant 0.000000e+00 : f32
    %broadcast_in_dim3A_1496 = vector.broadcast %broadcast_in_dim3A_1495 : f32 to vector<1x128xf32>
    %concatenate3A_1497 = tpu.concatenate %slice3A_1494, %broadcast_in_dim3A_1496 in 0 : vector<1x128xf32>, vector<1x128xf32> -> vector<2x128xf32>
    %convert_element_type3A_1498 = arith.truncf %concatenate3A_1493 : vector<2x128xf32> to vector<2x128xbf16>
    %bitcast_convert_type3A_1499 = tpu.bitcast %convert_element_type3A_1498 : vector<2x128xbf16> -> vector<2x128xi16>
    %convert_element_type3A_1500 = arith.truncf %concatenate3A_1497 : vector<2x128xf32> to vector<2x128xbf16>
    %bitcast_convert_type3A_1501 = tpu.bitcast %convert_element_type3A_1500 : vector<2x128xbf16> -> vector<2x128xi16>
    %convert_element_type3A_1502 = arith.extui %bitcast_convert_type3A_1501 : vector<2x128xi16> to vector<2x128xi32>
    %shift_left3A_1503 = arith.constant 16 : i32
    %shift_left3A_1504 = vector.broadcast %shift_left3A_1503 : i32 to vector<2x128xi32>
    %shift_left3A_1505 = arith.shli %convert_element_type3A_1502, %shift_left3A_1504 : vector<2x128xi32>
    %convert_element_type3A_1506 = arith.extui %bitcast_convert_type3A_1499 : vector<2x128xi16> to vector<2x128xi32>
    %or3A_1507 = arith.ori %shift_left3A_1505, %convert_element_type3A_1506 : vector<2x128xi32>
    %bitcast_convert_type3A_1508 = tpu.bitcast %or3A_1507 : vector<2x128xi32> -> vector<2x128xi32>
    %swap3A_1509 = arith.constant 90 : index
    %swap3A_1510 = arith.constant 0 : index
    %swap3A_1511 = vector.load %arg6[%swap3A_1509, %swap3A_1510] : memref<128x128xi32, #tpu.memory_space<vmem>>, vector<2x128xi32>
    tpu.vector_store %arg6[%swap3A_1509, %swap3A_1510], %bitcast_convert_type3A_1508 {strides = array<i32>} : memref<128x128xi32, #tpu.memory_space<vmem>>, vector<2x128xi32>,
    %get3A_1512 = arith.constant 5888 : index
    %get3A_1513 = arith.constant 0 : index
    %get3A_1514 = vector.load %arg3[%get3A_1512, %get3A_1513] : memref<8192x3xf32, #tpu.memory_space<vmem>>, vector<128x3xf32>
    %transpose3A_1515 = tpu.transpose %get3A_1514, [1, 0] : vector<128x3xf32> -> vector<3x128xf32>
    %slice3A_1516 = vector.extract_strided_slice %transpose3A_1515 {offsets = [0, 0], sizes = [1, 128], strides = [1, 1]} : vector<3x128xf32> to vector<1x128xf32>
    %slice3A_1517 = vector.extract_strided_slice %transpose3A_1515 {offsets = [2, 0], sizes = [1, 128], strides = [1, 1]} : vector<3x128xf32> to vector<1x128xf32>
    %concatenate3A_1518 = tpu.concatenate %slice3A_1516, %slice3A_1517 in 0 : vector<1x128xf32>, vector<1x128xf32> -> vector<2x128xf32>
    %slice3A_1519 = vector.extract_strided_slice %transpose3A_1515 {offsets = [1, 0], sizes = [1, 128], strides = [1, 1]} : vector<3x128xf32> to vector<1x128xf32>
    %broadcast_in_dim3A_1520 = arith.constant 0.000000e+00 : f32
    %broadcast_in_dim3A_1521 = vector.broadcast %broadcast_in_dim3A_1520 : f32 to vector<1x128xf32>
    %concatenate3A_1522 = tpu.concatenate %slice3A_1519, %broadcast_in_dim3A_1521 in 0 : vector<1x128xf32>, vector<1x128xf32> -> vector<2x128xf32>
    %convert_element_type3A_1523 = arith.truncf %concatenate3A_1518 : vector<2x128xf32> to vector<2x128xbf16>
    %bitcast_convert_type3A_1524 = tpu.bitcast %convert_element_type3A_1523 : vector<2x128xbf16> -> vector<2x128xi16>
    %convert_element_type3A_1525 = arith.truncf %concatenate3A_1522 : vector<2x128xf32> to vector<2x128xbf16>
    %bitcast_convert_type3A_1526 = tpu.bitcast %convert_element_type3A_1525 : vector<2x128xbf16> -> vector<2x128xi16>
    %convert_element_type3A_1527 = arith.extui %bitcast_convert_type3A_1526 : vector<2x128xi16> to vector<2x128xi32>
    %shift_left3A_1528 = arith.constant 16 : i32
    %shift_left3A_1529 = vector.broadcast %shift_left3A_1528 : i32 to vector<2x128xi32>
    %shift_left3A_1530 = arith.shli %convert_element_type3A_1527, %shift_left3A_1529 : vector<2x128xi32>
    %convert_element_type3A_1531 = arith.extui %bitcast_convert_type3A_1524 : vector<2x128xi16> to vector<2x128xi32>
    %or3A_1532 = arith.ori %shift_left3A_1530, %convert_element_type3A_1531 : vector<2x128xi32>
    %bitcast_convert_type3A_1533 = tpu.bitcast %or3A_1532 : vector<2x128xi32> -> vector<2x128xi32>
    %swap3A_1534 = arith.constant 92 : index
    %swap3A_1535 = arith.constant 0 : index
    %swap3A_1536 = vector.load %arg6[%swap3A_1534, %swap3A_1535] : memref<128x128xi32, #tpu.memory_space<vmem>>, vector<2x128xi32>
    tpu.vector_store %arg6[%swap3A_1534, %swap3A_1535], %bitcast_convert_type3A_1533 {strides = array<i32>} : memref<128x128xi32, #tpu.memory_space<vmem>>, vector<2x128xi32>,
    %get3A_1537 = arith.constant 6016 : index
    %get3A_1538 = arith.constant 0 : index
    %get3A_1539 = vector.load %arg3[%get3A_1537, %get3A_1538] : memref<8192x3xf32, #tpu.memory_space<vmem>>, vector<128x3xf32>
    %transpose3A_1540 = tpu.transpose %get3A_1539, [1, 0] : vector<128x3xf32> -> vector<3x128xf32>
    %slice3A_1541 = vector.extract_strided_slice %transpose3A_1540 {offsets = [0, 0], sizes = [1, 128], strides = [1, 1]} : vector<3x128xf32> to vector<1x128xf32>
    %slice3A_1542 = vector.extract_strided_slice %transpose3A_1540 {offsets = [2, 0], sizes = [1, 128], strides = [1, 1]} : vector<3x128xf32> to vector<1x128xf32>
    %concatenate3A_1543 = tpu.concatenate %slice3A_1541, %slice3A_1542 in 0 : vector<1x128xf32>, vector<1x128xf32> -> vector<2x128xf32>
    %slice3A_1544 = vector.extract_strided_slice %transpose3A_1540 {offsets = [1, 0], sizes = [1, 128], strides = [1, 1]} : vector<3x128xf32> to vector<1x128xf32>
    %broadcast_in_dim3A_1545 = arith.constant 0.000000e+00 : f32
    %broadcast_in_dim3A_1546 = vector.broadcast %broadcast_in_dim3A_1545 : f32 to vector<1x128xf32>
    %concatenate3A_1547 = tpu.concatenate %slice3A_1544, %broadcast_in_dim3A_1546 in 0 : vector<1x128xf32>, vector<1x128xf32> -> vector<2x128xf32>
    %convert_element_type3A_1548 = arith.truncf %concatenate3A_1543 : vector<2x128xf32> to vector<2x128xbf16>
    %bitcast_convert_type3A_1549 = tpu.bitcast %convert_element_type3A_1548 : vector<2x128xbf16> -> vector<2x128xi16>
    %convert_element_type3A_1550 = arith.truncf %concatenate3A_1547 : vector<2x128xf32> to vector<2x128xbf16>
    %bitcast_convert_type3A_1551 = tpu.bitcast %convert_element_type3A_1550 : vector<2x128xbf16> -> vector<2x128xi16>
    %convert_element_type3A_1552 = arith.extui %bitcast_convert_type3A_1551 : vector<2x128xi16> to vector<2x128xi32>
    %shift_left3A_1553 = arith.constant 16 : i32
    %shift_left3A_1554 = vector.broadcast %shift_left3A_1553 : i32 to vector<2x128xi32>
    %shift_left3A_1555 = arith.shli %convert_element_type3A_1552, %shift_left3A_1554 : vector<2x128xi32>
    %convert_element_type3A_1556 = arith.extui %bitcast_convert_type3A_1549 : vector<2x128xi16> to vector<2x128xi32>
    %or3A_1557 = arith.ori %shift_left3A_1555, %convert_element_type3A_1556 : vector<2x128xi32>
    %bitcast_convert_type3A_1558 = tpu.bitcast %or3A_1557 : vector<2x128xi32> -> vector<2x128xi32>
    %swap3A_1559 = arith.constant 94 : index
    %swap3A_1560 = arith.constant 0 : index
    %swap3A_1561 = vector.load %arg6[%swap3A_1559, %swap3A_1560] : memref<128x128xi32, #tpu.memory_space<vmem>>, vector<2x128xi32>
    tpu.vector_store %arg6[%swap3A_1559, %swap3A_1560], %bitcast_convert_type3A_1558 {strides = array<i32>} : memref<128x128xi32, #tpu.memory_space<vmem>>, vector<2x128xi32>,
    %get3A_1562 = arith.constant 6144 : index
    %get3A_1563 = arith.constant 0 : index
    %get3A_1564 = vector.load %arg3[%get3A_1562, %get3A_1563] : memref<8192x3xf32, #tpu.memory_space<vmem>>, vector<128x3xf32>
    %transpose3A_1565 = tpu.transpose %get3A_1564, [1, 0] : vector<128x3xf32> -> vector<3x128xf32>
    %slice3A_1566 = vector.extract_strided_slice %transpose3A_1565 {offsets = [0, 0], sizes = [1, 128], strides = [1, 1]} : vector<3x128xf32> to vector<1x128xf32>
    %slice3A_1567 = vector.extract_strided_slice %transpose3A_1565 {offsets = [2, 0], sizes = [1, 128], strides = [1, 1]} : vector<3x128xf32> to vector<1x128xf32>
    %concatenate3A_1568 = tpu.concatenate %slice3A_1566, %slice3A_1567 in 0 : vector<1x128xf32>, vector<1x128xf32> -> vector<2x128xf32>
    %slice3A_1569 = vector.extract_strided_slice %transpose3A_1565 {offsets = [1, 0], sizes = [1, 128], strides = [1, 1]} : vector<3x128xf32> to vector<1x128xf32>
    %broadcast_in_dim3A_1570 = arith.constant 0.000000e+00 : f32
    %broadcast_in_dim3A_1571 = vector.broadcast %broadcast_in_dim3A_1570 : f32 to vector<1x128xf32>
    %concatenate3A_1572 = tpu.concatenate %slice3A_1569, %broadcast_in_dim3A_1571 in 0 : vector<1x128xf32>, vector<1x128xf32> -> vector<2x128xf32>
    %convert_element_type3A_1573 = arith.truncf %concatenate3A_1568 : vector<2x128xf32> to vector<2x128xbf16>
    %bitcast_convert_type3A_1574 = tpu.bitcast %convert_element_type3A_1573 : vector<2x128xbf16> -> vector<2x128xi16>
    %convert_element_type3A_1575 = arith.truncf %concatenate3A_1572 : vector<2x128xf32> to vector<2x128xbf16>
    %bitcast_convert_type3A_1576 = tpu.bitcast %convert_element_type3A_1575 : vector<2x128xbf16> -> vector<2x128xi16>
    %convert_element_type3A_1577 = arith.extui %bitcast_convert_type3A_1576 : vector<2x128xi16> to vector<2x128xi32>
    %shift_left3A_1578 = arith.constant 16 : i32
    %shift_left3A_1579 = vector.broadcast %shift_left3A_1578 : i32 to vector<2x128xi32>
    %shift_left3A_1580 = arith.shli %convert_element_type3A_1577, %shift_left3A_1579 : vector<2x128xi32>
    %convert_element_type3A_1581 = arith.extui %bitcast_convert_type3A_1574 : vector<2x128xi16> to vector<2x128xi32>
    %or3A_1582 = arith.ori %shift_left3A_1580, %convert_element_type3A_1581 : vector<2x128xi32>
    %bitcast_convert_type3A_1583 = tpu.bitcast %or3A_1582 : vector<2x128xi32> -> vector<2x128xi32>
    %swap3A_1584 = arith.constant 96 : index
    %swap3A_1585 = arith.constant 0 : index
    %swap3A_1586 = vector.load %arg6[%swap3A_1584, %swap3A_1585] : memref<128x128xi32, #tpu.memory_space<vmem>>, vector<2x128xi32>
    tpu.vector_store %arg6[%swap3A_1584, %swap3A_1585], %bitcast_convert_type3A_1583 {strides = array<i32>} : memref<128x128xi32, #tpu.memory_space<vmem>>, vector<2x128xi32>,
    %get3A_1587 = arith.constant 6272 : index
    %get3A_1588 = arith.constant 0 : index
    %get3A_1589 = vector.load %arg3[%get3A_1587, %get3A_1588] : memref<8192x3xf32, #tpu.memory_space<vmem>>, vector<128x3xf32>
    %transpose3A_1590 = tpu.transpose %get3A_1589, [1, 0] : vector<128x3xf32> -> vector<3x128xf32>
    %slice3A_1591 = vector.extract_strided_slice %transpose3A_1590 {offsets = [0, 0], sizes = [1, 128], strides = [1, 1]} : vector<3x128xf32> to vector<1x128xf32>
    %slice3A_1592 = vector.extract_strided_slice %transpose3A_1590 {offsets = [2, 0], sizes = [1, 128], strides = [1, 1]} : vector<3x128xf32> to vector<1x128xf32>
    %concatenate3A_1593 = tpu.concatenate %slice3A_1591, %slice3A_1592 in 0 : vector<1x128xf32>, vector<1x128xf32> -> vector<2x128xf32>
    %slice3A_1594 = vector.extract_strided_slice %transpose3A_1590 {offsets = [1, 0], sizes = [1, 128], strides = [1, 1]} : vector<3x128xf32> to vector<1x128xf32>
    %broadcast_in_dim3A_1595 = arith.constant 0.000000e+00 : f32
    %broadcast_in_dim3A_1596 = vector.broadcast %broadcast_in_dim3A_1595 : f32 to vector<1x128xf32>
    %concatenate3A_1597 = tpu.concatenate %slice3A_1594, %broadcast_in_dim3A_1596 in 0 : vector<1x128xf32>, vector<1x128xf32> -> vector<2x128xf32>
    %convert_element_type3A_1598 = arith.truncf %concatenate3A_1593 : vector<2x128xf32> to vector<2x128xbf16>
    %bitcast_convert_type3A_1599 = tpu.bitcast %convert_element_type3A_1598 : vector<2x128xbf16> -> vector<2x128xi16>
    %convert_element_type3A_1600 = arith.truncf %concatenate3A_1597 : vector<2x128xf32> to vector<2x128xbf16>
    %bitcast_convert_type3A_1601 = tpu.bitcast %convert_element_type3A_1600 : vector<2x128xbf16> -> vector<2x128xi16>
    %convert_element_type3A_1602 = arith.extui %bitcast_convert_type3A_1601 : vector<2x128xi16> to vector<2x128xi32>
    %shift_left3A_1603 = arith.constant 16 : i32
    %shift_left3A_1604 = vector.broadcast %shift_left3A_1603 : i32 to vector<2x128xi32>
    %shift_left3A_1605 = arith.shli %convert_element_type3A_1602, %shift_left3A_1604 : vector<2x128xi32>
    %convert_element_type3A_1606 = arith.extui %bitcast_convert_type3A_1599 : vector<2x128xi16> to vector<2x128xi32>
    %or3A_1607 = arith.ori %shift_left3A_1605, %convert_element_type3A_1606 : vector<2x128xi32>
    %bitcast_convert_type3A_1608 = tpu.bitcast %or3A_1607 : vector<2x128xi32> -> vector<2x128xi32>
    %swap3A_1609 = arith.constant 98 : index
    %swap3A_1610 = arith.constant 0 : index
    %swap3A_1611 = vector.load %arg6[%swap3A_1609, %swap3A_1610] : memref<128x128xi32, #tpu.memory_space<vmem>>, vector<2x128xi32>
    tpu.vector_store %arg6[%swap3A_1609, %swap3A_1610], %bitcast_convert_type3A_1608 {strides = array<i32>} : memref<128x128xi32, #tpu.memory_space<vmem>>, vector<2x128xi32>,
    %get3A_1612 = arith.constant 6400 : index
    %get3A_1613 = arith.constant 0 : index
    %get3A_1614 = vector.load %arg3[%get3A_1612, %get3A_1613] : memref<8192x3xf32, #tpu.memory_space<vmem>>, vector<128x3xf32>
    %transpose3A_1615 = tpu.transpose %get3A_1614, [1, 0] : vector<128x3xf32> -> vector<3x128xf32>
    %slice3A_1616 = vector.extract_strided_slice %transpose3A_1615 {offsets = [0, 0], sizes = [1, 128], strides = [1, 1]} : vector<3x128xf32> to vector<1x128xf32>
    %slice3A_1617 = vector.extract_strided_slice %transpose3A_1615 {offsets = [2, 0], sizes = [1, 128], strides = [1, 1]} : vector<3x128xf32> to vector<1x128xf32>
    %concatenate3A_1618 = tpu.concatenate %slice3A_1616, %slice3A_1617 in 0 : vector<1x128xf32>, vector<1x128xf32> -> vector<2x128xf32>
    %slice3A_1619 = vector.extract_strided_slice %transpose3A_1615 {offsets = [1, 0], sizes = [1, 128], strides = [1, 1]} : vector<3x128xf32> to vector<1x128xf32>
    %broadcast_in_dim3A_1620 = arith.constant 0.000000e+00 : f32
    %broadcast_in_dim3A_1621 = vector.broadcast %broadcast_in_dim3A_1620 : f32 to vector<1x128xf32>
    %concatenate3A_1622 = tpu.concatenate %slice3A_1619, %broadcast_in_dim3A_1621 in 0 : vector<1x128xf32>, vector<1x128xf32> -> vector<2x128xf32>
    %convert_element_type3A_1623 = arith.truncf %concatenate3A_1618 : vector<2x128xf32> to vector<2x128xbf16>
    %bitcast_convert_type3A_1624 = tpu.bitcast %convert_element_type3A_1623 : vector<2x128xbf16> -> vector<2x128xi16>
    %convert_element_type3A_1625 = arith.truncf %concatenate3A_1622 : vector<2x128xf32> to vector<2x128xbf16>
    %bitcast_convert_type3A_1626 = tpu.bitcast %convert_element_type3A_1625 : vector<2x128xbf16> -> vector<2x128xi16>
    %convert_element_type3A_1627 = arith.extui %bitcast_convert_type3A_1626 : vector<2x128xi16> to vector<2x128xi32>
    %shift_left3A_1628 = arith.constant 16 : i32
    %shift_left3A_1629 = vector.broadcast %shift_left3A_1628 : i32 to vector<2x128xi32>
    %shift_left3A_1630 = arith.shli %convert_element_type3A_1627, %shift_left3A_1629 : vector<2x128xi32>
    %convert_element_type3A_1631 = arith.extui %bitcast_convert_type3A_1624 : vector<2x128xi16> to vector<2x128xi32>
    %or3A_1632 = arith.ori %shift_left3A_1630, %convert_element_type3A_1631 : vector<2x128xi32>
    %bitcast_convert_type3A_1633 = tpu.bitcast %or3A_1632 : vector<2x128xi32> -> vector<2x128xi32>
    %swap3A_1634 = arith.constant 100 : index
    %swap3A_1635 = arith.constant 0 : index
    %swap3A_1636 = vector.load %arg6[%swap3A_1634, %swap3A_1635] : memref<128x128xi32, #tpu.memory_space<vmem>>, vector<2x128xi32>
    tpu.vector_store %arg6[%swap3A_1634, %swap3A_1635], %bitcast_convert_type3A_1633 {strides = array<i32>} : memref<128x128xi32, #tpu.memory_space<vmem>>, vector<2x128xi32>,
    %get3A_1637 = arith.constant 6528 : index
    %get3A_1638 = arith.constant 0 : index
    %get3A_1639 = vector.load %arg3[%get3A_1637, %get3A_1638] : memref<8192x3xf32, #tpu.memory_space<vmem>>, vector<128x3xf32>
    %transpose3A_1640 = tpu.transpose %get3A_1639, [1, 0] : vector<128x3xf32> -> vector<3x128xf32>
    %slice3A_1641 = vector.extract_strided_slice %transpose3A_1640 {offsets = [0, 0], sizes = [1, 128], strides = [1, 1]} : vector<3x128xf32> to vector<1x128xf32>
    %slice3A_1642 = vector.extract_strided_slice %transpose3A_1640 {offsets = [2, 0], sizes = [1, 128], strides = [1, 1]} : vector<3x128xf32> to vector<1x128xf32>
    %concatenate3A_1643 = tpu.concatenate %slice3A_1641, %slice3A_1642 in 0 : vector<1x128xf32>, vector<1x128xf32> -> vector<2x128xf32>
    %slice3A_1644 = vector.extract_strided_slice %transpose3A_1640 {offsets = [1, 0], sizes = [1, 128], strides = [1, 1]} : vector<3x128xf32> to vector<1x128xf32>
    %broadcast_in_dim3A_1645 = arith.constant 0.000000e+00 : f32
    %broadcast_in_dim3A_1646 = vector.broadcast %broadcast_in_dim3A_1645 : f32 to vector<1x128xf32>
    %concatenate3A_1647 = tpu.concatenate %slice3A_1644, %broadcast_in_dim3A_1646 in 0 : vector<1x128xf32>, vector<1x128xf32> -> vector<2x128xf32>
    %convert_element_type3A_1648 = arith.truncf %concatenate3A_1643 : vector<2x128xf32> to vector<2x128xbf16>
    %bitcast_convert_type3A_1649 = tpu.bitcast %convert_element_type3A_1648 : vector<2x128xbf16> -> vector<2x128xi16>
    %convert_element_type3A_1650 = arith.truncf %concatenate3A_1647 : vector<2x128xf32> to vector<2x128xbf16>
    %bitcast_convert_type3A_1651 = tpu.bitcast %convert_element_type3A_1650 : vector<2x128xbf16> -> vector<2x128xi16>
    %convert_element_type3A_1652 = arith.extui %bitcast_convert_type3A_1651 : vector<2x128xi16> to vector<2x128xi32>
    %shift_left3A_1653 = arith.constant 16 : i32
    %shift_left3A_1654 = vector.broadcast %shift_left3A_1653 : i32 to vector<2x128xi32>
    %shift_left3A_1655 = arith.shli %convert_element_type3A_1652, %shift_left3A_1654 : vector<2x128xi32>
    %convert_element_type3A_1656 = arith.extui %bitcast_convert_type3A_1649 : vector<2x128xi16> to vector<2x128xi32>
    %or3A_1657 = arith.ori %shift_left3A_1655, %convert_element_type3A_1656 : vector<2x128xi32>
    %bitcast_convert_type3A_1658 = tpu.bitcast %or3A_1657 : vector<2x128xi32> -> vector<2x128xi32>
    %swap3A_1659 = arith.constant 102 : index
    %swap3A_1660 = arith.constant 0 : index
    %swap3A_1661 = vector.load %arg6[%swap3A_1659, %swap3A_1660] : memref<128x128xi32, #tpu.memory_space<vmem>>, vector<2x128xi32>
    tpu.vector_store %arg6[%swap3A_1659, %swap3A_1660], %bitcast_convert_type3A_1658 {strides = array<i32>} : memref<128x128xi32, #tpu.memory_space<vmem>>, vector<2x128xi32>,
    %get3A_1662 = arith.constant 6656 : index
    %get3A_1663 = arith.constant 0 : index
    %get3A_1664 = vector.load %arg3[%get3A_1662, %get3A_1663] : memref<8192x3xf32, #tpu.memory_space<vmem>>, vector<128x3xf32>
    %transpose3A_1665 = tpu.transpose %get3A_1664, [1, 0] : vector<128x3xf32> -> vector<3x128xf32>
    %slice3A_1666 = vector.extract_strided_slice %transpose3A_1665 {offsets = [0, 0], sizes = [1, 128], strides = [1, 1]} : vector<3x128xf32> to vector<1x128xf32>
    %slice3A_1667 = vector.extract_strided_slice %transpose3A_1665 {offsets = [2, 0], sizes = [1, 128], strides = [1, 1]} : vector<3x128xf32> to vector<1x128xf32>
    %concatenate3A_1668 = tpu.concatenate %slice3A_1666, %slice3A_1667 in 0 : vector<1x128xf32>, vector<1x128xf32> -> vector<2x128xf32>
    %slice3A_1669 = vector.extract_strided_slice %transpose3A_1665 {offsets = [1, 0], sizes = [1, 128], strides = [1, 1]} : vector<3x128xf32> to vector<1x128xf32>
    %broadcast_in_dim3A_1670 = arith.constant 0.000000e+00 : f32
    %broadcast_in_dim3A_1671 = vector.broadcast %broadcast_in_dim3A_1670 : f32 to vector<1x128xf32>
    %concatenate3A_1672 = tpu.concatenate %slice3A_1669, %broadcast_in_dim3A_1671 in 0 : vector<1x128xf32>, vector<1x128xf32> -> vector<2x128xf32>
    %convert_element_type3A_1673 = arith.truncf %concatenate3A_1668 : vector<2x128xf32> to vector<2x128xbf16>
    %bitcast_convert_type3A_1674 = tpu.bitcast %convert_element_type3A_1673 : vector<2x128xbf16> -> vector<2x128xi16>
    %convert_element_type3A_1675 = arith.truncf %concatenate3A_1672 : vector<2x128xf32> to vector<2x128xbf16>
    %bitcast_convert_type3A_1676 = tpu.bitcast %convert_element_type3A_1675 : vector<2x128xbf16> -> vector<2x128xi16>
    %convert_element_type3A_1677 = arith.extui %bitcast_convert_type3A_1676 : vector<2x128xi16> to vector<2x128xi32>
    %shift_left3A_1678 = arith.constant 16 : i32
    %shift_left3A_1679 = vector.broadcast %shift_left3A_1678 : i32 to vector<2x128xi32>
    %shift_left3A_1680 = arith.shli %convert_element_type3A_1677, %shift_left3A_1679 : vector<2x128xi32>
    %convert_element_type3A_1681 = arith.extui %bitcast_convert_type3A_1674 : vector<2x128xi16> to vector<2x128xi32>
    %or3A_1682 = arith.ori %shift_left3A_1680, %convert_element_type3A_1681 : vector<2x128xi32>
    %bitcast_convert_type3A_1683 = tpu.bitcast %or3A_1682 : vector<2x128xi32> -> vector<2x128xi32>
    %swap3A_1684 = arith.constant 104 : index
    %swap3A_1685 = arith.constant 0 : index
    %swap3A_1686 = vector.load %arg6[%swap3A_1684, %swap3A_1685] : memref<128x128xi32, #tpu.memory_space<vmem>>, vector<2x128xi32>
    tpu.vector_store %arg6[%swap3A_1684, %swap3A_1685], %bitcast_convert_type3A_1683 {strides = array<i32>} : memref<128x128xi32, #tpu.memory_space<vmem>>, vector<2x128xi32>,
    %get3A_1687 = arith.constant 6784 : index
    %get3A_1688 = arith.constant 0 : index
    %get3A_1689 = vector.load %arg3[%get3A_1687, %get3A_1688] : memref<8192x3xf32, #tpu.memory_space<vmem>>, vector<128x3xf32>
    %transpose3A_1690 = tpu.transpose %get3A_1689, [1, 0] : vector<128x3xf32> -> vector<3x128xf32>
    %slice3A_1691 = vector.extract_strided_slice %transpose3A_1690 {offsets = [0, 0], sizes = [1, 128], strides = [1, 1]} : vector<3x128xf32> to vector<1x128xf32>
    %slice3A_1692 = vector.extract_strided_slice %transpose3A_1690 {offsets = [2, 0], sizes = [1, 128], strides = [1, 1]} : vector<3x128xf32> to vector<1x128xf32>
    %concatenate3A_1693 = tpu.concatenate %slice3A_1691, %slice3A_1692 in 0 : vector<1x128xf32>, vector<1x128xf32> -> vector<2x128xf32>
    %slice3A_1694 = vector.extract_strided_slice %transpose3A_1690 {offsets = [1, 0], sizes = [1, 128], strides = [1, 1]} : vector<3x128xf32> to vector<1x128xf32>
    %broadcast_in_dim3A_1695 = arith.constant 0.000000e+00 : f32
    %broadcast_in_dim3A_1696 = vector.broadcast %broadcast_in_dim3A_1695 : f32 to vector<1x128xf32>
    %concatenate3A_1697 = tpu.concatenate %slice3A_1694, %broadcast_in_dim3A_1696 in 0 : vector<1x128xf32>, vector<1x128xf32> -> vector<2x128xf32>
    %convert_element_type3A_1698 = arith.truncf %concatenate3A_1693 : vector<2x128xf32> to vector<2x128xbf16>
    %bitcast_convert_type3A_1699 = tpu.bitcast %convert_element_type3A_1698 : vector<2x128xbf16> -> vector<2x128xi16>
    %convert_element_type3A_1700 = arith.truncf %concatenate3A_1697 : vector<2x128xf32> to vector<2x128xbf16>
    %bitcast_convert_type3A_1701 = tpu.bitcast %convert_element_type3A_1700 : vector<2x128xbf16> -> vector<2x128xi16>
    %convert_element_type3A_1702 = arith.extui %bitcast_convert_type3A_1701 : vector<2x128xi16> to vector<2x128xi32>
    %shift_left3A_1703 = arith.constant 16 : i32
    %shift_left3A_1704 = vector.broadcast %shift_left3A_1703 : i32 to vector<2x128xi32>
    %shift_left3A_1705 = arith.shli %convert_element_type3A_1702, %shift_left3A_1704 : vector<2x128xi32>
    %convert_element_type3A_1706 = arith.extui %bitcast_convert_type3A_1699 : vector<2x128xi16> to vector<2x128xi32>
    %or3A_1707 = arith.ori %shift_left3A_1705, %convert_element_type3A_1706 : vector<2x128xi32>
    %bitcast_convert_type3A_1708 = tpu.bitcast %or3A_1707 : vector<2x128xi32> -> vector<2x128xi32>
    %swap3A_1709 = arith.constant 106 : index
    %swap3A_1710 = arith.constant 0 : index
    %swap3A_1711 = vector.load %arg6[%swap3A_1709, %swap3A_1710] : memref<128x128xi32, #tpu.memory_space<vmem>>, vector<2x128xi32>
    tpu.vector_store %arg6[%swap3A_1709, %swap3A_1710], %bitcast_convert_type3A_1708 {strides = array<i32>} : memref<128x128xi32, #tpu.memory_space<vmem>>, vector<2x128xi32>,
    %get3A_1712 = arith.constant 6912 : index
    %get3A_1713 = arith.constant 0 : index
    %get3A_1714 = vector.load %arg3[%get3A_1712, %get3A_1713] : memref<8192x3xf32, #tpu.memory_space<vmem>>, vector<128x3xf32>
    %transpose3A_1715 = tpu.transpose %get3A_1714, [1, 0] : vector<128x3xf32> -> vector<3x128xf32>
    %slice3A_1716 = vector.extract_strided_slice %transpose3A_1715 {offsets = [0, 0], sizes = [1, 128], strides = [1, 1]} : vector<3x128xf32> to vector<1x128xf32>
    %slice3A_1717 = vector.extract_strided_slice %transpose3A_1715 {offsets = [2, 0], sizes = [1, 128], strides = [1, 1]} : vector<3x128xf32> to vector<1x128xf32>
    %concatenate3A_1718 = tpu.concatenate %slice3A_1716, %slice3A_1717 in 0 : vector<1x128xf32>, vector<1x128xf32> -> vector<2x128xf32>
    %slice3A_1719 = vector.extract_strided_slice %transpose3A_1715 {offsets = [1, 0], sizes = [1, 128], strides = [1, 1]} : vector<3x128xf32> to vector<1x128xf32>
    %broadcast_in_dim3A_1720 = arith.constant 0.000000e+00 : f32
    %broadcast_in_dim3A_1721 = vector.broadcast %broadcast_in_dim3A_1720 : f32 to vector<1x128xf32>
    %concatenate3A_1722 = tpu.concatenate %slice3A_1719, %broadcast_in_dim3A_1721 in 0 : vector<1x128xf32>, vector<1x128xf32> -> vector<2x128xf32>
    %convert_element_type3A_1723 = arith.truncf %concatenate3A_1718 : vector<2x128xf32> to vector<2x128xbf16>
    %bitcast_convert_type3A_1724 = tpu.bitcast %convert_element_type3A_1723 : vector<2x128xbf16> -> vector<2x128xi16>
    %convert_element_type3A_1725 = arith.truncf %concatenate3A_1722 : vector<2x128xf32> to vector<2x128xbf16>
    %bitcast_convert_type3A_1726 = tpu.bitcast %convert_element_type3A_1725 : vector<2x128xbf16> -> vector<2x128xi16>
    %convert_element_type3A_1727 = arith.extui %bitcast_convert_type3A_1726 : vector<2x128xi16> to vector<2x128xi32>
    %shift_left3A_1728 = arith.constant 16 : i32
    %shift_left3A_1729 = vector.broadcast %shift_left3A_1728 : i32 to vector<2x128xi32>
    %shift_left3A_1730 = arith.shli %convert_element_type3A_1727, %shift_left3A_1729 : vector<2x128xi32>
    %convert_element_type3A_1731 = arith.extui %bitcast_convert_type3A_1724 : vector<2x128xi16> to vector<2x128xi32>
    %or3A_1732 = arith.ori %shift_left3A_1730, %convert_element_type3A_1731 : vector<2x128xi32>
    %bitcast_convert_type3A_1733 = tpu.bitcast %or3A_1732 : vector<2x128xi32> -> vector<2x128xi32>
    %swap3A_1734 = arith.constant 108 : index
    %swap3A_1735 = arith.constant 0 : index
    %swap3A_1736 = vector.load %arg6[%swap3A_1734, %swap3A_1735] : memref<128x128xi32, #tpu.memory_space<vmem>>, vector<2x128xi32>
    tpu.vector_store %arg6[%swap3A_1734, %swap3A_1735], %bitcast_convert_type3A_1733 {strides = array<i32>} : memref<128x128xi32, #tpu.memory_space<vmem>>, vector<2x128xi32>,
    %get3A_1737 = arith.constant 7040 : index
    %get3A_1738 = arith.constant 0 : index
    %get3A_1739 = vector.load %arg3[%get3A_1737, %get3A_1738] : memref<8192x3xf32, #tpu.memory_space<vmem>>, vector<128x3xf32>
    %transpose3A_1740 = tpu.transpose %get3A_1739, [1, 0] : vector<128x3xf32> -> vector<3x128xf32>
    %slice3A_1741 = vector.extract_strided_slice %transpose3A_1740 {offsets = [0, 0], sizes = [1, 128], strides = [1, 1]} : vector<3x128xf32> to vector<1x128xf32>
    %slice3A_1742 = vector.extract_strided_slice %transpose3A_1740 {offsets = [2, 0], sizes = [1, 128], strides = [1, 1]} : vector<3x128xf32> to vector<1x128xf32>
    %concatenate3A_1743 = tpu.concatenate %slice3A_1741, %slice3A_1742 in 0 : vector<1x128xf32>, vector<1x128xf32> -> vector<2x128xf32>
    %slice3A_1744 = vector.extract_strided_slice %transpose3A_1740 {offsets = [1, 0], sizes = [1, 128], strides = [1, 1]} : vector<3x128xf32> to vector<1x128xf32>
    %broadcast_in_dim3A_1745 = arith.constant 0.000000e+00 : f32
    %broadcast_in_dim3A_1746 = vector.broadcast %broadcast_in_dim3A_1745 : f32 to vector<1x128xf32>
    %concatenate3A_1747 = tpu.concatenate %slice3A_1744, %broadcast_in_dim3A_1746 in 0 : vector<1x128xf32>, vector<1x128xf32> -> vector<2x128xf32>
    %convert_element_type3A_1748 = arith.truncf %concatenate3A_1743 : vector<2x128xf32> to vector<2x128xbf16>
    %bitcast_convert_type3A_1749 = tpu.bitcast %convert_element_type3A_1748 : vector<2x128xbf16> -> vector<2x128xi16>
    %convert_element_type3A_1750 = arith.truncf %concatenate3A_1747 : vector<2x128xf32> to vector<2x128xbf16>
    %bitcast_convert_type3A_1751 = tpu.bitcast %convert_element_type3A_1750 : vector<2x128xbf16> -> vector<2x128xi16>
    %convert_element_type3A_1752 = arith.extui %bitcast_convert_type3A_1751 : vector<2x128xi16> to vector<2x128xi32>
    %shift_left3A_1753 = arith.constant 16 : i32
    %shift_left3A_1754 = vector.broadcast %shift_left3A_1753 : i32 to vector<2x128xi32>
    %shift_left3A_1755 = arith.shli %convert_element_type3A_1752, %shift_left3A_1754 : vector<2x128xi32>
    %convert_element_type3A_1756 = arith.extui %bitcast_convert_type3A_1749 : vector<2x128xi16> to vector<2x128xi32>
    %or3A_1757 = arith.ori %shift_left3A_1755, %convert_element_type3A_1756 : vector<2x128xi32>
    %bitcast_convert_type3A_1758 = tpu.bitcast %or3A_1757 : vector<2x128xi32> -> vector<2x128xi32>
    %swap3A_1759 = arith.constant 110 : index
    %swap3A_1760 = arith.constant 0 : index
    %swap3A_1761 = vector.load %arg6[%swap3A_1759, %swap3A_1760] : memref<128x128xi32, #tpu.memory_space<vmem>>, vector<2x128xi32>
    tpu.vector_store %arg6[%swap3A_1759, %swap3A_1760], %bitcast_convert_type3A_1758 {strides = array<i32>} : memref<128x128xi32, #tpu.memory_space<vmem>>, vector<2x128xi32>,
    %get3A_1762 = arith.constant 7168 : index
    %get3A_1763 = arith.constant 0 : index
    %get3A_1764 = vector.load %arg3[%get3A_1762, %get3A_1763] : memref<8192x3xf32, #tpu.memory_space<vmem>>, vector<128x3xf32>
    %transpose3A_1765 = tpu.transpose %get3A_1764, [1, 0] : vector<128x3xf32> -> vector<3x128xf32>
    %slice3A_1766 = vector.extract_strided_slice %transpose3A_1765 {offsets = [0, 0], sizes = [1, 128], strides = [1, 1]} : vector<3x128xf32> to vector<1x128xf32>
    %slice3A_1767 = vector.extract_strided_slice %transpose3A_1765 {offsets = [2, 0], sizes = [1, 128], strides = [1, 1]} : vector<3x128xf32> to vector<1x128xf32>
    %concatenate3A_1768 = tpu.concatenate %slice3A_1766, %slice3A_1767 in 0 : vector<1x128xf32>, vector<1x128xf32> -> vector<2x128xf32>
    %slice3A_1769 = vector.extract_strided_slice %transpose3A_1765 {offsets = [1, 0], sizes = [1, 128], strides = [1, 1]} : vector<3x128xf32> to vector<1x128xf32>
    %broadcast_in_dim3A_1770 = arith.constant 0.000000e+00 : f32
    %broadcast_in_dim3A_1771 = vector.broadcast %broadcast_in_dim3A_1770 : f32 to vector<1x128xf32>
    %concatenate3A_1772 = tpu.concatenate %slice3A_1769, %broadcast_in_dim3A_1771 in 0 : vector<1x128xf32>, vector<1x128xf32> -> vector<2x128xf32>
    %convert_element_type3A_1773 = arith.truncf %concatenate3A_1768 : vector<2x128xf32> to vector<2x128xbf16>
    %bitcast_convert_type3A_1774 = tpu.bitcast %convert_element_type3A_1773 : vector<2x128xbf16> -> vector<2x128xi16>
    %convert_element_type3A_1775 = arith.truncf %concatenate3A_1772 : vector<2x128xf32> to vector<2x128xbf16>
    %bitcast_convert_type3A_1776 = tpu.bitcast %convert_element_type3A_1775 : vector<2x128xbf16> -> vector<2x128xi16>
    %convert_element_type3A_1777 = arith.extui %bitcast_convert_type3A_1776 : vector<2x128xi16> to vector<2x128xi32>
    %shift_left3A_1778 = arith.constant 16 : i32
    %shift_left3A_1779 = vector.broadcast %shift_left3A_1778 : i32 to vector<2x128xi32>
    %shift_left3A_1780 = arith.shli %convert_element_type3A_1777, %shift_left3A_1779 : vector<2x128xi32>
    %convert_element_type3A_1781 = arith.extui %bitcast_convert_type3A_1774 : vector<2x128xi16> to vector<2x128xi32>
    %or3A_1782 = arith.ori %shift_left3A_1780, %convert_element_type3A_1781 : vector<2x128xi32>
    %bitcast_convert_type3A_1783 = tpu.bitcast %or3A_1782 : vector<2x128xi32> -> vector<2x128xi32>
    %swap3A_1784 = arith.constant 112 : index
    %swap3A_1785 = arith.constant 0 : index
    %swap3A_1786 = vector.load %arg6[%swap3A_1784, %swap3A_1785] : memref<128x128xi32, #tpu.memory_space<vmem>>, vector<2x128xi32>
    tpu.vector_store %arg6[%swap3A_1784, %swap3A_1785], %bitcast_convert_type3A_1783 {strides = array<i32>} : memref<128x128xi32, #tpu.memory_space<vmem>>, vector<2x128xi32>,
    %get3A_1787 = arith.constant 7296 : index
    %get3A_1788 = arith.constant 0 : index
    %get3A_1789 = vector.load %arg3[%get3A_1787, %get3A_1788] : memref<8192x3xf32, #tpu.memory_space<vmem>>, vector<128x3xf32>
    %transpose3A_1790 = tpu.transpose %get3A_1789, [1, 0] : vector<128x3xf32> -> vector<3x128xf32>
    %slice3A_1791 = vector.extract_strided_slice %transpose3A_1790 {offsets = [0, 0], sizes = [1, 128], strides = [1, 1]} : vector<3x128xf32> to vector<1x128xf32>
    %slice3A_1792 = vector.extract_strided_slice %transpose3A_1790 {offsets = [2, 0], sizes = [1, 128], strides = [1, 1]} : vector<3x128xf32> to vector<1x128xf32>
    %concatenate3A_1793 = tpu.concatenate %slice3A_1791, %slice3A_1792 in 0 : vector<1x128xf32>, vector<1x128xf32> -> vector<2x128xf32>
    %slice3A_1794 = vector.extract_strided_slice %transpose3A_1790 {offsets = [1, 0], sizes = [1, 128], strides = [1, 1]} : vector<3x128xf32> to vector<1x128xf32>
    %broadcast_in_dim3A_1795 = arith.constant 0.000000e+00 : f32
    %broadcast_in_dim3A_1796 = vector.broadcast %broadcast_in_dim3A_1795 : f32 to vector<1x128xf32>
    %concatenate3A_1797 = tpu.concatenate %slice3A_1794, %broadcast_in_dim3A_1796 in 0 : vector<1x128xf32>, vector<1x128xf32> -> vector<2x128xf32>
    %convert_element_type3A_1798 = arith.truncf %concatenate3A_1793 : vector<2x128xf32> to vector<2x128xbf16>
    %bitcast_convert_type3A_1799 = tpu.bitcast %convert_element_type3A_1798 : vector<2x128xbf16> -> vector<2x128xi16>
    %convert_element_type3A_1800 = arith.truncf %concatenate3A_1797 : vector<2x128xf32> to vector<2x128xbf16>
    %bitcast_convert_type3A_1801 = tpu.bitcast %convert_element_type3A_1800 : vector<2x128xbf16> -> vector<2x128xi16>
    %convert_element_type3A_1802 = arith.extui %bitcast_convert_type3A_1801 : vector<2x128xi16> to vector<2x128xi32>
    %shift_left3A_1803 = arith.constant 16 : i32
    %shift_left3A_1804 = vector.broadcast %shift_left3A_1803 : i32 to vector<2x128xi32>
    %shift_left3A_1805 = arith.shli %convert_element_type3A_1802, %shift_left3A_1804 : vector<2x128xi32>
    %convert_element_type3A_1806 = arith.extui %bitcast_convert_type3A_1799 : vector<2x128xi16> to vector<2x128xi32>
    %or3A_1807 = arith.ori %shift_left3A_1805, %convert_element_type3A_1806 : vector<2x128xi32>
    %bitcast_convert_type3A_1808 = tpu.bitcast %or3A_1807 : vector<2x128xi32> -> vector<2x128xi32>
    %swap3A_1809 = arith.constant 114 : index
    %swap3A_1810 = arith.constant 0 : index
    %swap3A_1811 = vector.load %arg6[%swap3A_1809, %swap3A_1810] : memref<128x128xi32, #tpu.memory_space<vmem>>, vector<2x128xi32>
    tpu.vector_store %arg6[%swap3A_1809, %swap3A_1810], %bitcast_convert_type3A_1808 {strides = array<i32>} : memref<128x128xi32, #tpu.memory_space<vmem>>, vector<2x128xi32>,
    %get3A_1812 = arith.constant 7424 : index
    %get3A_1813 = arith.constant 0 : index
    %get3A_1814 = vector.load %arg3[%get3A_1812, %get3A_1813] : memref<8192x3xf32, #tpu.memory_space<vmem>>, vector<128x3xf32>
    %transpose3A_1815 = tpu.transpose %get3A_1814, [1, 0] : vector<128x3xf32> -> vector<3x128xf32>
    %slice3A_1816 = vector.extract_strided_slice %transpose3A_1815 {offsets = [0, 0], sizes = [1, 128], strides = [1, 1]} : vector<3x128xf32> to vector<1x128xf32>
    %slice3A_1817 = vector.extract_strided_slice %transpose3A_1815 {offsets = [2, 0], sizes = [1, 128], strides = [1, 1]} : vector<3x128xf32> to vector<1x128xf32>
    %concatenate3A_1818 = tpu.concatenate %slice3A_1816, %slice3A_1817 in 0 : vector<1x128xf32>, vector<1x128xf32> -> vector<2x128xf32>
    %slice3A_1819 = vector.extract_strided_slice %transpose3A_1815 {offsets = [1, 0], sizes = [1, 128], strides = [1, 1]} : vector<3x128xf32> to vector<1x128xf32>
    %broadcast_in_dim3A_1820 = arith.constant 0.000000e+00 : f32
    %broadcast_in_dim3A_1821 = vector.broadcast %broadcast_in_dim3A_1820 : f32 to vector<1x128xf32>
    %concatenate3A_1822 = tpu.concatenate %slice3A_1819, %broadcast_in_dim3A_1821 in 0 : vector<1x128xf32>, vector<1x128xf32> -> vector<2x128xf32>
    %convert_element_type3A_1823 = arith.truncf %concatenate3A_1818 : vector<2x128xf32> to vector<2x128xbf16>
    %bitcast_convert_type3A_1824 = tpu.bitcast %convert_element_type3A_1823 : vector<2x128xbf16> -> vector<2x128xi16>
    %convert_element_type3A_1825 = arith.truncf %concatenate3A_1822 : vector<2x128xf32> to vector<2x128xbf16>
    %bitcast_convert_type3A_1826 = tpu.bitcast %convert_element_type3A_1825 : vector<2x128xbf16> -> vector<2x128xi16>
    %convert_element_type3A_1827 = arith.extui %bitcast_convert_type3A_1826 : vector<2x128xi16> to vector<2x128xi32>
    %shift_left3A_1828 = arith.constant 16 : i32
    %shift_left3A_1829 = vector.broadcast %shift_left3A_1828 : i32 to vector<2x128xi32>
    %shift_left3A_1830 = arith.shli %convert_element_type3A_1827, %shift_left3A_1829 : vector<2x128xi32>
    %convert_element_type3A_1831 = arith.extui %bitcast_convert_type3A_1824 : vector<2x128xi16> to vector<2x128xi32>
    %or3A_1832 = arith.ori %shift_left3A_1830, %convert_element_type3A_1831 : vector<2x128xi32>
    %bitcast_convert_type3A_1833 = tpu.bitcast %or3A_1832 : vector<2x128xi32> -> vector<2x128xi32>
    %swap3A_1834 = arith.constant 116 : index
    %swap3A_1835 = arith.constant 0 : index
    %swap3A_1836 = vector.load %arg6[%swap3A_1834, %swap3A_1835] : memref<128x128xi32, #tpu.memory_space<vmem>>, vector<2x128xi32>
    tpu.vector_store %arg6[%swap3A_1834, %swap3A_1835], %bitcast_convert_type3A_1833 {strides = array<i32>} : memref<128x128xi32, #tpu.memory_space<vmem>>, vector<2x128xi32>,
    %get3A_1837 = arith.constant 7552 : index
    %get3A_1838 = arith.constant 0 : index
    %get3A_1839 = vector.load %arg3[%get3A_1837, %get3A_1838] : memref<8192x3xf32, #tpu.memory_space<vmem>>, vector<128x3xf32>
    %transpose3A_1840 = tpu.transpose %get3A_1839, [1, 0] : vector<128x3xf32> -> vector<3x128xf32>
    %slice3A_1841 = vector.extract_strided_slice %transpose3A_1840 {offsets = [0, 0], sizes = [1, 128], strides = [1, 1]} : vector<3x128xf32> to vector<1x128xf32>
    %slice3A_1842 = vector.extract_strided_slice %transpose3A_1840 {offsets = [2, 0], sizes = [1, 128], strides = [1, 1]} : vector<3x128xf32> to vector<1x128xf32>
    %concatenate3A_1843 = tpu.concatenate %slice3A_1841, %slice3A_1842 in 0 : vector<1x128xf32>, vector<1x128xf32> -> vector<2x128xf32>
    %slice3A_1844 = vector.extract_strided_slice %transpose3A_1840 {offsets = [1, 0], sizes = [1, 128], strides = [1, 1]} : vector<3x128xf32> to vector<1x128xf32>
    %broadcast_in_dim3A_1845 = arith.constant 0.000000e+00 : f32
    %broadcast_in_dim3A_1846 = vector.broadcast %broadcast_in_dim3A_1845 : f32 to vector<1x128xf32>
    %concatenate3A_1847 = tpu.concatenate %slice3A_1844, %broadcast_in_dim3A_1846 in 0 : vector<1x128xf32>, vector<1x128xf32> -> vector<2x128xf32>
    %convert_element_type3A_1848 = arith.truncf %concatenate3A_1843 : vector<2x128xf32> to vector<2x128xbf16>
    %bitcast_convert_type3A_1849 = tpu.bitcast %convert_element_type3A_1848 : vector<2x128xbf16> -> vector<2x128xi16>
    %convert_element_type3A_1850 = arith.truncf %concatenate3A_1847 : vector<2x128xf32> to vector<2x128xbf16>
    %bitcast_convert_type3A_1851 = tpu.bitcast %convert_element_type3A_1850 : vector<2x128xbf16> -> vector<2x128xi16>
    %convert_element_type3A_1852 = arith.extui %bitcast_convert_type3A_1851 : vector<2x128xi16> to vector<2x128xi32>
    %shift_left3A_1853 = arith.constant 16 : i32
    %shift_left3A_1854 = vector.broadcast %shift_left3A_1853 : i32 to vector<2x128xi32>
    %shift_left3A_1855 = arith.shli %convert_element_type3A_1852, %shift_left3A_1854 : vector<2x128xi32>
    %convert_element_type3A_1856 = arith.extui %bitcast_convert_type3A_1849 : vector<2x128xi16> to vector<2x128xi32>
    %or3A_1857 = arith.ori %shift_left3A_1855, %convert_element_type3A_1856 : vector<2x128xi32>
    %bitcast_convert_type3A_1858 = tpu.bitcast %or3A_1857 : vector<2x128xi32> -> vector<2x128xi32>
    %swap3A_1859 = arith.constant 118 : index
    %swap3A_1860 = arith.constant 0 : index
    %swap3A_1861 = vector.load %arg6[%swap3A_1859, %swap3A_1860] : memref<128x128xi32, #tpu.memory_space<vmem>>, vector<2x128xi32>
    tpu.vector_store %arg6[%swap3A_1859, %swap3A_1860], %bitcast_convert_type3A_1858 {strides = array<i32>} : memref<128x128xi32, #tpu.memory_space<vmem>>, vector<2x128xi32>,
    %get3A_1862 = arith.constant 7680 : index
    %get3A_1863 = arith.constant 0 : index
    %get3A_1864 = vector.load %arg3[%get3A_1862, %get3A_1863] : memref<8192x3xf32, #tpu.memory_space<vmem>>, vector<128x3xf32>
    %transpose3A_1865 = tpu.transpose %get3A_1864, [1, 0] : vector<128x3xf32> -> vector<3x128xf32>
    %slice3A_1866 = vector.extract_strided_slice %transpose3A_1865 {offsets = [0, 0], sizes = [1, 128], strides = [1, 1]} : vector<3x128xf32> to vector<1x128xf32>
    %slice3A_1867 = vector.extract_strided_slice %transpose3A_1865 {offsets = [2, 0], sizes = [1, 128], strides = [1, 1]} : vector<3x128xf32> to vector<1x128xf32>
    %concatenate3A_1868 = tpu.concatenate %slice3A_1866, %slice3A_1867 in 0 : vector<1x128xf32>, vector<1x128xf32> -> vector<2x128xf32>
    %slice3A_1869 = vector.extract_strided_slice %transpose3A_1865 {offsets = [1, 0], sizes = [1, 128], strides = [1, 1]} : vector<3x128xf32> to vector<1x128xf32>
    %broadcast_in_dim3A_1870 = arith.constant 0.000000e+00 : f32
    %broadcast_in_dim3A_1871 = vector.broadcast %broadcast_in_dim3A_1870 : f32 to vector<1x128xf32>
    %concatenate3A_1872 = tpu.concatenate %slice3A_1869, %broadcast_in_dim3A_1871 in 0 : vector<1x128xf32>, vector<1x128xf32> -> vector<2x128xf32>
    %convert_element_type3A_1873 = arith.truncf %concatenate3A_1868 : vector<2x128xf32> to vector<2x128xbf16>
    %bitcast_convert_type3A_1874 = tpu.bitcast %convert_element_type3A_1873 : vector<2x128xbf16> -> vector<2x128xi16>
    %convert_element_type3A_1875 = arith.truncf %concatenate3A_1872 : vector<2x128xf32> to vector<2x128xbf16>
    %bitcast_convert_type3A_1876 = tpu.bitcast %convert_element_type3A_1875 : vector<2x128xbf16> -> vector<2x128xi16>
    %convert_element_type3A_1877 = arith.extui %bitcast_convert_type3A_1876 : vector<2x128xi16> to vector<2x128xi32>
    %shift_left3A_1878 = arith.constant 16 : i32
    %shift_left3A_1879 = vector.broadcast %shift_left3A_1878 : i32 to vector<2x128xi32>
    %shift_left3A_1880 = arith.shli %convert_element_type3A_1877, %shift_left3A_1879 : vector<2x128xi32>
    %convert_element_type3A_1881 = arith.extui %bitcast_convert_type3A_1874 : vector<2x128xi16> to vector<2x128xi32>
    %or3A_1882 = arith.ori %shift_left3A_1880, %convert_element_type3A_1881 : vector<2x128xi32>
    %bitcast_convert_type3A_1883 = tpu.bitcast %or3A_1882 : vector<2x128xi32> -> vector<2x128xi32>
    %swap3A_1884 = arith.constant 120 : index
    %swap3A_1885 = arith.constant 0 : index
    %swap3A_1886 = vector.load %arg6[%swap3A_1884, %swap3A_1885] : memref<128x128xi32, #tpu.memory_space<vmem>>, vector<2x128xi32>
    tpu.vector_store %arg6[%swap3A_1884, %swap3A_1885], %bitcast_convert_type3A_1883 {strides = array<i32>} : memref<128x128xi32, #tpu.memory_space<vmem>>, vector<2x128xi32>,
    %get3A_1887 = arith.constant 7808 : index
    %get3A_1888 = arith.constant 0 : index
    %get3A_1889 = vector.load %arg3[%get3A_1887, %get3A_1888] : memref<8192x3xf32, #tpu.memory_space<vmem>>, vector<128x3xf32>
    %transpose3A_1890 = tpu.transpose %get3A_1889, [1, 0] : vector<128x3xf32> -> vector<3x128xf32>
    %slice3A_1891 = vector.extract_strided_slice %transpose3A_1890 {offsets = [0, 0], sizes = [1, 128], strides = [1, 1]} : vector<3x128xf32> to vector<1x128xf32>
    %slice3A_1892 = vector.extract_strided_slice %transpose3A_1890 {offsets = [2, 0], sizes = [1, 128], strides = [1, 1]} : vector<3x128xf32> to vector<1x128xf32>
    %concatenate3A_1893 = tpu.concatenate %slice3A_1891, %slice3A_1892 in 0 : vector<1x128xf32>, vector<1x128xf32> -> vector<2x128xf32>
    %slice3A_1894 = vector.extract_strided_slice %transpose3A_1890 {offsets = [1, 0], sizes = [1, 128], strides = [1, 1]} : vector<3x128xf32> to vector<1x128xf32>
    %broadcast_in_dim3A_1895 = arith.constant 0.000000e+00 : f32
    %broadcast_in_dim3A_1896 = vector.broadcast %broadcast_in_dim3A_1895 : f32 to vector<1x128xf32>
    %concatenate3A_1897 = tpu.concatenate %slice3A_1894, %broadcast_in_dim3A_1896 in 0 : vector<1x128xf32>, vector<1x128xf32> -> vector<2x128xf32>
    %convert_element_type3A_1898 = arith.truncf %concatenate3A_1893 : vector<2x128xf32> to vector<2x128xbf16>
    %bitcast_convert_type3A_1899 = tpu.bitcast %convert_element_type3A_1898 : vector<2x128xbf16> -> vector<2x128xi16>
    %convert_element_type3A_1900 = arith.truncf %concatenate3A_1897 : vector<2x128xf32> to vector<2x128xbf16>
    %bitcast_convert_type3A_1901 = tpu.bitcast %convert_element_type3A_1900 : vector<2x128xbf16> -> vector<2x128xi16>
    %convert_element_type3A_1902 = arith.extui %bitcast_convert_type3A_1901 : vector<2x128xi16> to vector<2x128xi32>
    %shift_left3A_1903 = arith.constant 16 : i32
    %shift_left3A_1904 = vector.broadcast %shift_left3A_1903 : i32 to vector<2x128xi32>
    %shift_left3A_1905 = arith.shli %convert_element_type3A_1902, %shift_left3A_1904 : vector<2x128xi32>
    %convert_element_type3A_1906 = arith.extui %bitcast_convert_type3A_1899 : vector<2x128xi16> to vector<2x128xi32>
    %or3A_1907 = arith.ori %shift_left3A_1905, %convert_element_type3A_1906 : vector<2x128xi32>
    %bitcast_convert_type3A_1908 = tpu.bitcast %or3A_1907 : vector<2x128xi32> -> vector<2x128xi32>
    %swap3A_1909 = arith.constant 122 : index
    %swap3A_1910 = arith.constant 0 : index
    %swap3A_1911 = vector.load %arg6[%swap3A_1909, %swap3A_1910] : memref<128x128xi32, #tpu.memory_space<vmem>>, vector<2x128xi32>
    tpu.vector_store %arg6[%swap3A_1909, %swap3A_1910], %bitcast_convert_type3A_1908 {strides = array<i32>} : memref<128x128xi32, #tpu.memory_space<vmem>>, vector<2x128xi32>,
    %get3A_1912 = arith.constant 7936 : index
    %get3A_1913 = arith.constant 0 : index
    %get3A_1914 = vector.load %arg3[%get3A_1912, %get3A_1913] : memref<8192x3xf32, #tpu.memory_space<vmem>>, vector<128x3xf32>
    %transpose3A_1915 = tpu.transpose %get3A_1914, [1, 0] : vector<128x3xf32> -> vector<3x128xf32>
    %slice3A_1916 = vector.extract_strided_slice %transpose3A_1915 {offsets = [0, 0], sizes = [1, 128], strides = [1, 1]} : vector<3x128xf32> to vector<1x128xf32>
    %slice3A_1917 = vector.extract_strided_slice %transpose3A_1915 {offsets = [2, 0], sizes = [1, 128], strides = [1, 1]} : vector<3x128xf32> to vector<1x128xf32>
    %concatenate3A_1918 = tpu.concatenate %slice3A_1916, %slice3A_1917 in 0 : vector<1x128xf32>, vector<1x128xf32> -> vector<2x128xf32>
    %slice3A_1919 = vector.extract_strided_slice %transpose3A_1915 {offsets = [1, 0], sizes = [1, 128], strides = [1, 1]} : vector<3x128xf32> to vector<1x128xf32>
    %broadcast_in_dim3A_1920 = arith.constant 0.000000e+00 : f32
    %broadcast_in_dim3A_1921 = vector.broadcast %broadcast_in_dim3A_1920 : f32 to vector<1x128xf32>
    %concatenate3A_1922 = tpu.concatenate %slice3A_1919, %broadcast_in_dim3A_1921 in 0 : vector<1x128xf32>, vector<1x128xf32> -> vector<2x128xf32>
    %convert_element_type3A_1923 = arith.truncf %concatenate3A_1918 : vector<2x128xf32> to vector<2x128xbf16>
    %bitcast_convert_type3A_1924 = tpu.bitcast %convert_element_type3A_1923 : vector<2x128xbf16> -> vector<2x128xi16>
    %convert_element_type3A_1925 = arith.truncf %concatenate3A_1922 : vector<2x128xf32> to vector<2x128xbf16>
    %bitcast_convert_type3A_1926 = tpu.bitcast %convert_element_type3A_1925 : vector<2x128xbf16> -> vector<2x128xi16>
    %convert_element_type3A_1927 = arith.extui %bitcast_convert_type3A_1926 : vector<2x128xi16> to vector<2x128xi32>
    %shift_left3A_1928 = arith.constant 16 : i32
    %shift_left3A_1929 = vector.broadcast %shift_left3A_1928 : i32 to vector<2x128xi32>
    %shift_left3A_1930 = arith.shli %convert_element_type3A_1927, %shift_left3A_1929 : vector<2x128xi32>
    %convert_element_type3A_1931 = arith.extui %bitcast_convert_type3A_1924 : vector<2x128xi16> to vector<2x128xi32>
    %or3A_1932 = arith.ori %shift_left3A_1930, %convert_element_type3A_1931 : vector<2x128xi32>
    %bitcast_convert_type3A_1933 = tpu.bitcast %or3A_1932 : vector<2x128xi32> -> vector<2x128xi32>
    %swap3A_1934 = arith.constant 124 : index
    %swap3A_1935 = arith.constant 0 : index
    %swap3A_1936 = vector.load %arg6[%swap3A_1934, %swap3A_1935] : memref<128x128xi32, #tpu.memory_space<vmem>>, vector<2x128xi32>
    tpu.vector_store %arg6[%swap3A_1934, %swap3A_1935], %bitcast_convert_type3A_1933 {strides = array<i32>} : memref<128x128xi32, #tpu.memory_space<vmem>>, vector<2x128xi32>,
    %get3A_1937 = arith.constant 8064 : index
    %get3A_1938 = arith.constant 0 : index
    %get3A_1939 = vector.load %arg3[%get3A_1937, %get3A_1938] : memref<8192x3xf32, #tpu.memory_space<vmem>>, vector<128x3xf32>
    %transpose3A_1940 = tpu.transpose %get3A_1939, [1, 0] : vector<128x3xf32> -> vector<3x128xf32>
    %slice3A_1941 = vector.extract_strided_slice %transpose3A_1940 {offsets = [0, 0], sizes = [1, 128], strides = [1, 1]} : vector<3x128xf32> to vector<1x128xf32>
    %slice3A_1942 = vector.extract_strided_slice %transpose3A_1940 {offsets = [2, 0], sizes = [1, 128], strides = [1, 1]} : vector<3x128xf32> to vector<1x128xf32>
    %concatenate3A_1943 = tpu.concatenate %slice3A_1941, %slice3A_1942 in 0 : vector<1x128xf32>, vector<1x128xf32> -> vector<2x128xf32>
    %slice3A_1944 = vector.extract_strided_slice %transpose3A_1940 {offsets = [1, 0], sizes = [1, 128], strides = [1, 1]} : vector<3x128xf32> to vector<1x128xf32>
    %broadcast_in_dim3A_1945 = arith.constant 0.000000e+00 : f32
    %broadcast_in_dim3A_1946 = vector.broadcast %broadcast_in_dim3A_1945 : f32 to vector<1x128xf32>
    %concatenate3A_1947 = tpu.concatenate %slice3A_1944, %broadcast_in_dim3A_1946 in 0 : vector<1x128xf32>, vector<1x128xf32> -> vector<2x128xf32>
    %convert_element_type3A_1948 = arith.truncf %concatenate3A_1943 : vector<2x128xf32> to vector<2x128xbf16>
    %bitcast_convert_type3A_1949 = tpu.bitcast %convert_element_type3A_1948 : vector<2x128xbf16> -> vector<2x128xi16>
    %convert_element_type3A_1950 = arith.truncf %concatenate3A_1947 : vector<2x128xf32> to vector<2x128xbf16>
    %bitcast_convert_type3A_1951 = tpu.bitcast %convert_element_type3A_1950 : vector<2x128xbf16> -> vector<2x128xi16>
    %convert_element_type3A_1952 = arith.extui %bitcast_convert_type3A_1951 : vector<2x128xi16> to vector<2x128xi32>
    %shift_left3A_1953 = arith.constant 16 : i32
    %shift_left3A_1954 = vector.broadcast %shift_left3A_1953 : i32 to vector<2x128xi32>
    %shift_left3A_1955 = arith.shli %convert_element_type3A_1952, %shift_left3A_1954 : vector<2x128xi32>
    %convert_element_type3A_1956 = arith.extui %bitcast_convert_type3A_1949 : vector<2x128xi16> to vector<2x128xi32>
    %or3A_1957 = arith.ori %shift_left3A_1955, %convert_element_type3A_1956 : vector<2x128xi32>
    %bitcast_convert_type3A_1958 = tpu.bitcast %or3A_1957 : vector<2x128xi32> -> vector<2x128xi32>
    %swap3A_1959 = arith.constant 126 : index
    %swap3A_1960 = arith.constant 0 : index
    %swap3A_1961 = vector.load %arg6[%swap3A_1959, %swap3A_1960] : memref<128x128xi32, #tpu.memory_space<vmem>>, vector<2x128xi32>
    tpu.vector_store %arg6[%swap3A_1959, %swap3A_1960], %bitcast_convert_type3A_1958 {strides = array<i32>} : memref<128x128xi32, #tpu.memory_space<vmem>>, vector<2x128xi32>,
    %get3A_1962 = arith.constant 0 : index
    %get3A_1963 = arith.constant 0 : index
    %get3A_1964 = vector.load %arg2[%get3A_1962, %get3A_1963] : memref<3x3xf32, #tpu.memory_space<vmem>>, vector<3x3xf32>
    %slice3A_1965 = vector.extract_strided_slice %get3A_1964 {offsets = [0, 0], sizes = [1, 1], strides = [1, 1]} : vector<3x3xf32> to vector<1x1xf32>
    %broadcast_in_dim3A_1966 = vector.shape_cast %slice3A_1965 : vector<1x1xf32> to vector<1x1xf32>
    %broadcast_in_dim3A_1967 = vector.broadcast %broadcast_in_dim3A_1966 : vector<1x1xf32> to vector<1x128xf32>
    %slice3A_1968 = vector.extract_strided_slice %get3A_1964 {offsets = [1, 1], sizes = [1, 1], strides = [1, 1]} : vector<3x3xf32> to vector<1x1xf32>
    %broadcast_in_dim3A_1969 = vector.shape_cast %slice3A_1968 : vector<1x1xf32> to vector<1x1xf32>
    %broadcast_in_dim3A_1970 = vector.broadcast %broadcast_in_dim3A_1969 : vector<1x1xf32> to vector<1x128xf32>
    %slice3A_1971 = vector.extract_strided_slice %get3A_1964 {offsets = [0, 2], sizes = [1, 1], strides = [1, 1]} : vector<3x3xf32> to vector<1x1xf32>
    %broadcast_in_dim3A_1972 = vector.shape_cast %slice3A_1971 : vector<1x1xf32> to vector<1x1xf32>
    %broadcast_in_dim3A_1973 = vector.broadcast %broadcast_in_dim3A_1972 : vector<1x1xf32> to vector<1x128xf32>
    %slice3A_1974 = vector.extract_strided_slice %get3A_1964 {offsets = [1, 2], sizes = [1, 1], strides = [1, 1]} : vector<3x3xf32> to vector<1x1xf32>
    %broadcast_in_dim3A_1975 = vector.shape_cast %slice3A_1974 : vector<1x1xf32> to vector<1x1xf32>
    %broadcast_in_dim3A_1976 = vector.broadcast %broadcast_in_dim3A_1975 : vector<1x1xf32> to vector<1x128xf32>
    %broadcast_in_dim3A_1977 = arith.constant 0.000000e+00 : f32
    %broadcast_in_dim3A_1978 = vector.broadcast %broadcast_in_dim3A_1977 : f32 to vector<4x128xf32>
    %concatenate3A_1979 = tpu.concatenate %broadcast_in_dim3A_1967, %broadcast_in_dim3A_1970, %broadcast_in_dim3A_1973, %broadcast_in_dim3A_1976, %broadcast_in_dim3A_1978 in 0 : vector<1x128xf32>, vector<1x128xf32>, vector<1x128xf32>, vector<1x128xf32>, vector<4x128xf32> -> vector<8x128xf32>
    %swap3A_1980 = arith.constant 0 : index
    %swap3A_1981 = arith.constant 0 : index
    %swap3A_1982 = vector.load %arg5[%swap3A_1980, %swap3A_1981] : memref<8x128xf32, #tpu.memory_space<vmem>>, vector<8x128xf32>
    tpu.vector_store %arg5[%swap3A_1980, %swap3A_1981], %concatenate3A_1979 {strides = array<i32>} : memref<8x128xf32, #tpu.memory_space<vmem>>, vector<8x128xf32>,
    return
  }
}

</mosaic_0001>

<sc_bundles>
// kernel: kernel.4.cloned.1.call-start
scs
__scs_entry_jumppad:
0x0: {  	(pc) =	sbr.rel $0x88, $3  }
0x1: {  	(tag) =	ssettag $0x0;
	lr =	simm.s32 $0x1  }
0x2: {  	[smem:$0x3F9B] =	sst lr;
	_ =	strace $0xD0000000  }
0x3: {  	_ = 	snop  }
0x4: {  	_ = 	snop  }
0x5: {  	_ = 	snop  }
0x6: {  	_ = 	snop  }
0x7: {  	_ = 	snop  }
__scs_overlays_trampoline_lowered:
0x8: {  	[smem:$0x3FAA] =	sst s0  }
0x9: {  	[smem:$0x3FAB] =	sst s1  }
0xa: {  	[smem:$0x3FAC] =	sst s2  }
0xb: {  	[smem:$0x3FAD] =	sst s3  }
0xc: {  	[smem:$0x3FAE] =	sst s4  }
0xd: {  	[smem:$0x3FAF] =	sst s5  }
0xe: {  	[smem:$0x3FB0] =	sst s6  }
0xf: {  	[smem:$0x3FB1] =	sst s7  }
0x10: {  	[smem:$0x3FB2] =	sst s8  }
0x11: {  	[smem:$0x3FB3] =	sst s9;
	s0 =	simm.s32 @!p0 $0x0  }
0x12: {  	s1 =	sld [smem:$0x3F99];
	s0 =	simm.s32 @p0 $0x1  }
0x13: {  	[smem:$0x3FB4] =	sst s0;
	s0 =	simm.s32 @!p1 $0x0  }
0x14: {  	s2 =	sld [smem:$0x3F98];
	s0 =	simm.s32 @p1 $0x1  }
0x15: {  	[smem:$0x3FB5] =	sst s0;
	s0 =	simm.s32 @!p2 $0x0  }
0x16: {  	s3 =	sld [smem:$0x3FDB];
	s0 =	simm.s32 @p2 $0x1  }
0x17: {  	s4 =	simm.s32 $0x1BF5;
	[smem:$0x3FB7] =	sst s0  }
0x18: {  	s0 =	sld [smem:$0x3F9A];
	_ =	swait.ge [sflag:s4], $0x0  }
0x19: {  	s7 =	sld [smem:$0x3F9B]  }
0x1a: {  	s8 =	sadd.s32 $0xFFFFE003, lr  }
0x1b: {  	s9 =	sadd.s32 $0xFFFFFEF7, lr;
	s5 =	simm.s32 $0xFFFFFFFF;
	p2 =	slt.u32 s8, $0xFFFFF086  }
0x1c: {  	p1 =	slt.u32 s9, $0xF7A;
	s5 =	simm.s32 @!p2 $0x0  }
0x1d: {  	s5 =	simm.s32 @p1 $0x1;
	p0 =	seq.s32 s7, s2  }
0x1e: {  	s7 =	smul.u32 @!p0 $0xF7A, s2;
	p2 =	seq.s32 @!p0 s5, $0x0  }
0x1f: {  	s9 =	smul.u32 $0xF7A, s1;
	s8 =	simm.s32 @!p0 $0x1BF5;
	p2 =	por !p2, p0  }
0x20: {  	[sflag:s8] =	ssyncset.s32 @!p0 $0xFFFFF086;
	s6 =	sadd.s32 @!p0 s3, s7;
	s7 =	simm.s32 @!p0 $0x108  }
0x21: {  	s3 =	sadd.s32 s3, s9;
	s6 =	sadd.s32 @!p0 $0x88, s6;
	s7 =	simm.s32 @p2 $0x1082  }
0x22: {  	[simem:s7], [sflag:s8] =	dma.local @!p0 [hbm:s6], $0xF7A  }
0x23: {  	s9 =	sor.u32 $0xD0000000, s2;
	s6 =	simm.s32 $0x108;
	_ =	swait.ge @!p0 [sflag:s8], $0x0  }
0x24: {  	s3 =	sadd.s32 $0x88, s3;
	s6 =	simm.s32 @!p1 $0x1082;
	[sflag:s4] =	ssyncset.s32 $0xFFFFF086  }
0x25: {  	[simem:s6], [sflag:s4] =	dma.local [hbm:s3], $0xF7A  }
0x26: {  	[smem:$0x3F9B] =	sst s1;
	(tag) =	ssettag s2;
	_ =	strace s9  }
0x27: {  	s1 =	sld [smem:$0x3FAB]  }
0x28: {  	s2 =	sld [smem:$0x3FAC]  }
0x29: {  	s4 =	sld [smem:$0x3FAE]  }
0x2a: {  	p0 =	seq.s32 s5, $0x0;
	s5 =	sld [smem:$0x3FAF]  }
0x2b: {  	s6 =	sld [smem:$0x3FB0]  }
0x2c: {  	s7 =	sld [smem:$0x3FB1]  }
0x2d: {  	s3 =	simm.s32 $0x108;
	s8 =	sld [smem:$0x3FB2]  }
0x2e: {  	s3 =	simm.s32 @!p0 $0x1082;
	s9 =	sld [smem:$0x3FB3]  }
0x2f: {  	lr =	sadd.s32 s0, s3;
	s0 =	sld [smem:$0x3FAA]  }
0x30: {  	s3 =	sld [smem:$0x3FAD]  }
0x31: {  	[smem:$0x3FB6] =	sst s10  }
0x32: {  	s10 =	sld [smem:$0x3FB4];
	_ =	sdelay $0x3  }
0x33: {  	p0 =	seq.s32 s10, $0x1;
	s10 =	sld [smem:$0x3FB6];
	_ =	sdelay $0x3  }
0x34: {  	[smem:$0x3FB6] =	sst s10  }
0x35: {  	s10 =	sld [smem:$0x3FB5];
	_ =	sdelay $0x3  }
0x36: {  	p1 =	seq.s32 s10, $0x1;
	s10 =	sld [smem:$0x3FB6];
	_ =	sdelay $0x3  }
0x37: {  	[smem:$0x3FB6] =	sst s10  }
0x38: {  	s10 =	sld [smem:$0x3FB7]  }
0x39: {  	_ = 	snop;
	(pc) =	sbr.ind lr, $3  }
0x3a: {  	_ = 	snop  }
0x3b: {  	_ = 	snop  }
0x3c: {  	p2 =	seq.s32 s10, $0x1;
	s10 =	sld [smem:$0x3FB6]  }
0x3d: {  	_ =	shalt  }
0x3e: {  	_ =	shalt  }
0x3f: {  	_ =	shalt  }
0x40: {  	_ =	shalt  }
0x41: {  	_ =	shalt  }
0x42: {  	_ =	shalt  }
0x43: {  	_ =	shalt  }
0x44: {  	_ =	shalt  }
0x45: {  	_ =	shalt  }
0x46: {  	_ =	shalt  }
0x47: {  	_ =	shalt  }
0x48: {  	_ =	shalt  }
0x49: {  	_ =	shalt  }
0x4a: {  	_ =	shalt  }
0x4b: {  	_ =	shalt  }
0x4c: {  	_ =	shalt  }
0x4d: {  	_ =	shalt  }
0x4e: {  	_ =	shalt  }
0x4f: {  	_ =	shalt  }
0x50: {  	_ =	shalt  }
0x51: {  	_ =	shalt  }
0x52: {  	_ =	shalt  }
0x53: {  	_ =	shalt  }
0x54: {  	_ =	shalt  }
0x55: {  	_ =	shalt  }
0x56: {  	_ =	shalt  }
0x57: {  	_ =	shalt  }
0x58: {  	_ =	shalt  }
0x59: {  	_ =	shalt  }
0x5a: {  	_ =	shalt  }
0x5b: {  	_ =	shalt  }
0x5c: {  	_ =	shalt  }
0x5d: {  	_ =	shalt  }
0x5e: {  	_ =	shalt  }
0x5f: {  	_ =	shalt  }
0x60: {  	_ =	shalt  }
0x61: {  	_ =	shalt  }
0x62: {  	_ =	shalt  }
0x63: {  	_ =	shalt  }
0x64: {  	_ =	shalt  }
0x65: {  	_ =	shalt  }
0x66: {  	_ =	shalt  }
0x67: {  	_ =	shalt  }
0x68: {  	_ =	shalt  }
0x69: {  	_ =	shalt  }
0x6a: {  	_ =	shalt  }
0x6b: {  	_ =	shalt  }
0x6c: {  	_ =	shalt  }
0x6d: {  	_ =	shalt  }
0x6e: {  	_ =	shalt  }
0x6f: {  	_ =	shalt  }
0x70: {  	_ =	shalt  }
0x71: {  	_ =	shalt  }
0x72: {  	_ =	shalt  }
0x73: {  	_ =	shalt  }
0x74: {  	_ =	shalt  }
0x75: {  	_ =	shalt  }
0x76: {  	_ =	shalt  }
0x77: {  	_ =	shalt  }
0x78: {  	_ =	shalt  }
0x79: {  	_ =	shalt  }
0x7a: {  	_ =	shalt  }
0x7b: {  	_ =	shalt  }
0x7c: {  	_ =	shalt  }
0x7d: {  	_ =	shalt  }
0x7e: {  	_ =	shalt  }
0x7f: {  	_ =	shalt  }
0x80: {  	_ =	shalt  }
0x81: {  	_ =	shalt  }
0x82: {  	_ =	shalt  }
0x83: {  	_ =	shalt  }
0x84: {  	_ =	shalt  }
0x85: {  	_ =	shalt  }
0x86: {  	_ =	shalt  }
0x87: {  	_ =	shalt  }
.Lfunc_end0:
.L_simem_size_0:
called_computation_lowered:
.L_overlay_start_0:
0x88: {  	s2 =	sld [smem:$0x3FD9]  }
0x89: {  	s3 =	sld [smem:$0x3FFE];
	_ =	sdelay $0x1  }
0x8a: {  	s1 =	srdreg.scid  }
0x8b: {  	s0 =	sand.u32 $0x1, s1  }
0x8c: {  	s17 =	sshll.u32 s0, $0xA;
	s2 =	sadd.s32 s3, s2  }
0x8d: {  	s2 =	sadd.s32 s2, s17  }
0x8e: {  	[smem:$0x3FC2] =	sst s2  }
0x8f: {  	_ = 	snop  }
0x90: {  	s2 =	sld [smem:$0x3FC5]  }
0x91: {  	s18 =	sld [smem:$0x3FC4]  }
0x92: {  	s4 =	sld [smem:$0x3FD0];
	(tm) =	ssettm $0x1  }
0x93: {  	s5 =	sld [smem:$0x3FFB];
	_ =	sdelay $0x3  }
0x94: {  	_ =	strace s5  }
0x95: {  	s5 =	sld [smem:$0x3FFC];
	_ =	sdelay $0x3  }
0x96: {  	_ =	strace s5  }
0x97: {  	s5 =	sld [smem:$0x3FFD];
	_ =	sdelay $0x3  }
0x98: {  	_ =	strace s5  }
0x99: {  	_ =	strace $0x8FFFFFFF  }
0x9a: {  	s19 =	sld [smem:$0x3FDB];
	_ =	sdelay $0x1  }
0x9b: {  	s6 =	simm.s32 $_scs_section_size  }
0x9c: {  	s7 =	simm.s32 $_size__tile_overlayer_lowered;
	s8 =	simm.s32 $_tile_overlayer_lowered  }
0x9d: {  	s22 =	simm.s32 $0x1BFF;
	s21 =	sshll.u32 s8, $0x1;
	s5 =	sadd.s32 s6, s19  }
0x9e: {  	s9 =	simm.s32 $0x0;
	s20 =	sshll.u32 s7, $0x1;
	s7 =	sadd.s32 s21, s5  }
0x9f: {  	[timem:s9], [sflag:s22] =	dma.local [hbm:s7], s20  }
0xa0: {  	_ =	swait.ge [sflag:s22], s20  }
0xa1: {  	s6 =	ssub.s32 $0x0, s20;
	[sflag:s22] =	ssyncset.done $0x0  }
0xa2: {  	[sflag:s22] =	ssyncadd.s32 s6;
	_ =	sdelay $0x1  }
0xa3: {  	s23 =	simm.s32 $0x1B8B  }
0xa4: {  	_ =	swait.ge [sflag:s23], $0x1  }
0xa5: {  	[sflag:s23] =	ssyncset.done $0x0  }
0xa6: {  	s25 =	simm.s32 $0x1B8E;
	s24 =	sld [smem:$0x3FFE];
	[sflag:s23] =	ssyncadd.s32 $0xFFFFFFFF  }
0xa7: {  	s26 =	simm.s32 $execute0_lowered;
	[smem:$0x3FD2] =	sst s25  }
0xa8: {  	s7 =	sshll.u32 s26, $0x1;
	_ =	strace $0x80000046;
	[dreg:$0x1] =	wrdreg $0xFFFFFFFF  }
0xa9: {  	s28 =	simm.s32 $_size_execute0_lowered;
	s5 =	sadd.s32 s5, s7;
	[dreg:$0x0] =	wrdreg $0x0  }
0xaa: {  	s7 =	sshll.u32 s28, $0x1;
	[dreg:$0x2] =	wrdreg s5  }
0xab: {  	[dreg:$0x3] =	wrdreg s7  }
0xac: {  	[dreg:$0x4] =	wrdreg $0xC0  }
0xad: {  	_ =	task [dreg:s9], $0x5FFFF  }
0xae: {  	[dreg:$0x1] =	wrdreg $0xFFFFFFFF  }
0xaf: {  	[dreg:$0x0] =	wrdreg $0x60  }
0xb0: {  	[dreg:$0x2] =	wrdreg s24  }
0xb1: {  	[dreg:$0x3] =	wrdreg s4  }
0xb2: {  	[dreg:$0x4] =	wrdreg s2  }
0xb3: {  	[dreg:$0x5] =	wrdreg s18  }
0xb4: {  	[dreg:$0x6] =	wrdreg $0x9  }
0xb5: {  	_ =	task.clear_ibuf [dreg:s9], $0x7FFFF;
	_ =	strace $0x90000046  }
0xb6: {  	s29 =	simm.s32 $0x9;
	_ =	strace $0x80000048  }
0xb7: {  	_ =	swait.ge [sflag:s29], $0x1  }
0xb8: {  	[sflag:s29] =	ssyncadd.s32 $0xFFFFFFFF  }
0xb9: {  	_ =	strace $0x90000048  }
0xba: {  	_ =	sfence  }
0xbb: {  	s30 =	sld [smem:$0x0];
	_ =	sdelay $0x2  }
0xbc: {  	s31 =	sshll.u32 s1, $0xD;
	s1 =	sshrl.u32 s1, $0x2  }
0xbd: {  	s3 =	sand.u32 $0x4000, s31;
	s1 =	sadd.s32 s1, s30  }
0xbe: {  	s0 =	sor.u32 s3, s0;
	s1 =	sshll.u32 s1, $0x11  }
0xbf: {  	s0 =	sor.u32 s1, s0  }
0xc0: {  	s0 =	sadd.s32 $0x8F2B, s0  }
0xc1: {  	[sflag:s0] =	ssyncadd.remote.s32 $0x1  }
0xc2: {  	_ =	sfence.sel $0xFFFF  }
0xc3: {  	[dreg:$0x0] =	wrdreg $0xFFFFFFFF;
	(pc) =	sbr.abs _section_cstart, $3  }
0xc4: {  	[dreg:$0x1] =	wrdreg $0xFFFFFFFF  }
0xc5: {  	_ =	task.clear_ibuf [dreg:s9], $0x2FFFF;
	_ =	strace $0x9FFFFFFF  }
0xc6: {  	(tm) =	ssettm $0x7FFFFFFF  }
0xc7: {  	_ =	shalt  }
tec
execute0_lowered:
.L_overlay_start_1:
0x0: {  	(tag) =	ssettag $0x1  }
0x1: {  	s6 =	rddreg [dreg:$0x0]  }
0x2: {  	s1 =	rddreg [dreg:$0x1]  }
0x3: {  	s7 =	rddreg [dreg:$0x2]  }
0x4: {  	s8 =	rddreg [dreg:$0x3]  }
0x5: {  	s0 =	rddreg [dreg:$0x4];
	s3 =	simm.s32 $0x0;
	s4 =	srdreg.scid  }
0x6: {  	s2 =	stileid.u32;
	s12 =	simm.s32 $0x1400;
	s13 =	simm.s32 $0x5400  }
0x7: {  	s14 =	simm.s32 $0x5800;
	s15 =	simm.s32 $0x1;
	s16 =	simm.s32 $0x5C00  }
0x8: {  	s17 =	simm.s32 $0x2;
	s18 =	simm.s32 $0x6000;
	s19 =	simm.s32 $0x0  }
0x9: {  	[smem:$0x7FF] =	sst s3;
	s5 =	sand.u32 $0x1, s4;
	s9 =	sshll.u32 s2, $0x8  }
0xa: {  	s4 =	sadd.s32 $0x1200, s6;
	s10 =	sshll.u32 s5, $0x7;
	s30 =	ssub.s32 $0x2, s5  }
0xb: {  	_ =	strace $0x80000047;
	s9 =	sor.u32 s10, s9;
	s31 =	sshrl.u32 s30, $0x1  }
0xc: {  	s5 =	sadd.s32 $0x1400, s6;
	s11 =	sadd.s32 s9, s6;
	s10 =	ssub.s32 s30, s31  }
0xd: {  	s6 =	sadd.s32 s7, s9;
	s7 =	sadd.s32 s8, s9;
	s8 =	sadd.s32 $0x1600, s11  }
0xe: {  	s9 =	sadd.s32 $0x2600, s11;
	s10 =	smax.u32 s10, $0x1;
	s11 =	simm.s32 $0x1000  }
.LBB2_1:
0xf: {  	[tilespmem:s3], [sflag:$0x1] =	stream.linear.gather [hbm4b:s4+s3], $0x1000, $0x38;
	[tilespmem:$0x6400] =	vst v63  }
0x10: {  	_ = 	snop  }
0x11: {  	[tilespmem:s11], [sflag:$0x1] =	stream.linear.gather [hbm4b:s5+s3], $0x400, $0x38;
	[tilespmem:$0x6400] =	vst v63  }
0x12: {  	_ = 	snop  }
0x13: {  	[tilespmem:s12], [sflag:$0x1] =	stream.linear.gather [hbm4b:s1+s3], $0x4000, $0x38;
	[tilespmem:$0x6400] =	vst v63  }
0x14: {  	_ = 	snop  }
0x15: {  	[tilespmem:s13], [sflag:$0x1] =	stream.linear.gather [hbm4b:s6+s3], $0x400, $0x38;
	[tilespmem:$0x6400] =	vst v63  }
0x16: {  	_ = 	snop  }
0x17: {  	[tilespmem:s14], [sflag:$0x1] =	stream.linear.gather [hbm4b:s7+s3], $0x400, $0x38;
	[tilespmem:$0x6400] =	vst v63  }
0x18: {  	_ =	swait.ge [sflag:s15], $0x1000  }
0x19: {  	[sflag:s15] =	ssyncset.done $0x0  }
0x1a: {  	[sflag:s15] =	ssyncadd.s32 $0xFFFFF000  }
0x1b: {  	_ =	swait.ge [sflag:s15], $0x400  }
0x1c: {  	[sflag:s15] =	ssyncset.done $0x0  }
0x1d: {  	[sflag:s15] =	ssyncadd.s32 $0xFFFFFC00  }
0x1e: {  	_ =	swait.ge [sflag:s15], $0x4000  }
0x1f: {  	[sflag:s15] =	ssyncset.done $0x0  }
0x20: {  	[sflag:s15] =	ssyncadd.s32 $0xFFFFC000  }
0x21: {  	_ =	swait.ge [sflag:s15], $0x400  }
0x22: {  	[sflag:s15] =	ssyncset.done $0x0  }
0x23: {  	[sflag:s15] =	ssyncadd.s32 $0xFFFFFC00  }
0x24: {  	_ =	swait.ge [sflag:s15], $0x400  }
0x25: {  	[sflag:s15] =	ssyncset.done $0x0  }
0x26: {  	s20 =	simm.s32 $0x5820;
	[sflag:s15] =	ssyncadd.s32 $0xFFFFFC00  }
0x27: {  	s21 =	simm.s32 $0x5420;
	v0 =	vld [tilespmem:s20+$0x10]  }
0x28: {  	v1 =	vld [tilespmem:s21+$0x10]  }
0x29: {  	v2 =	vld [tilespmem:s21+$0xFFFFFFF0]  }
0x2a: {  	v3 =	vld [tilespmem:s21+$0x0]  }
0x2b: {  	v7 =	vld [tilespmem:s20+$0xFFFFFFE0]  }
0x2c: {  	v8 =	vld [tilespmem:s20+$0xFFFFFFF0];
	_ =	sdelay $0x1  }
0x2d: {  	v5 =	vand.u32 $0x7F, v0  }
0x2e: {  	v6 =	vshll.u32 v1, $0x3;
	v0 =	vshll.u32 v0, $0x1;
	v1 =	vand.u32 $0x7F, v1  }
0x2f: {  	v4 =	vld [tilespmem:s21+$0xFFFFFFE0];
	v9 =	vshll.u32 v2, $0x3;
	v10 =	vshll.u32 v3, $0x3;
	v14 =	vshll.u32 v7, $0x1  }
0x30: {  	v2 =	vand.u32 $0x7F, v2;
	v15 =	vshll.u32 v8, $0x1;
	v3 =	vand.u32 $0x7F, v3  }
0x31: {  	v7 =	vand.u32 $0x7F, v7;
	v8 =	vand.u32 $0x7F, v8;
	v0 =	vand.u32 $0xFFFFFF00, v0  }
0x32: {  	v6 =	vand.u32 $0xFFFFFC00, v6;
	v9 =	vand.u32 $0xFFFFFC00, v9;
	v0 =	vor.u32 v5, v0  }
0x33: {  	v10 =	vand.u32 $0xFFFFFC00, v10;
	v14 =	vand.u32 $0xFFFFFF00, v14;
	v1 =	vor.u32 v1, v6  }
0x34: {  	v5 =	vshll.u32 v4, $0x3;
	v4 =	vand.u32 $0x7F, v4;
	v7 =	vor.u32 v7, v14  }
0x35: {  	v9 =	vor.u32 v2, v9;
	v2 =	vor.u32 v3, v10;
	v11 =	vor.u32 $0x180, v1  }
0x36: {  	v6 =	vld [tilespmem:s20+$0x0];
	v10 =	vand.u32 $0xFFFFFF00, v15;
	v5 =	vand.u32 $0xFFFFFC00, v5;
	v12 =	vor.u32 $0x200, v1  }
0x37: {  	v13 =	vor.u32 $0x80, v0;
	v16 =	vor.u32 $0x180, v9;
	v17 =	vor.u32 $0x180, v2;
	v0 =	vld.idx.msk [tilespmem:v0+s12+$0x0], $0xffff  }
0x38: {  	v8 =	vor.u32 v8, v10;
	v19 =	vor.u32 $0x80, v1;
	v20 =	vor.u32 $0x100, v1;
	v26 =	vld.idx.msk [tilespmem:v1+s3+$0x0], $0xffff  }
0x39: {  	v22 =	vor.u32 $0x80, v7;
	v46 =	vor.u32 $0x200, v9;
	v24 =	vor.u32 $0x200, v2;
	v7 =	vld.idx.msk [tilespmem:v7+s12+$0x0], $0xffff  }
0x3a: {  	v29 =	vor.u32 $0x280, v2;
	v31 =	vor.u32 $0x80, v9;
	v33 =	vor.u32 $0x100, v9;
	v3 =	vld.idx.msk [tilespmem:v11+s3+$0x0], $0xffff  }
0x3b: {  	v35 =	vor.u32 $0x80, v2;
	v37 =	vor.u32 $0x100, v2;
	v4 =	vor.u32 v4, v5;
	v11 =	vld.idx.msk [tilespmem:v12+s3+$0x0], $0xffff  }
0x3c: {  	v23 =	vor.u32 $0x80, v8;
	v15 =	vor.u32 $0x180, v4;
	v5 =	vshll.u32 v6, $0x1;
	v13 =	vld.idx.msk [tilespmem:v13+s12+$0x0], $0xffff  }
0x3d: {  	v27 =	vor.u32 $0x280, v4;
	v6 =	vand.u32 $0x7F, v6;
	v5 =	vand.u32 $0xFFFFFF00, v5;
	v16 =	vld.idx.msk [tilespmem:v16+s3+$0x0], $0xffff  }
0x3e: {  	v30 =	vor.u32 $0x100, v4;
	v12 =	vor.u32 $0x280, v1;
	v20 =	vld.idx.msk [tilespmem:v20+s3+$0x0], $0xffff;
	v5 =	vor.u32 v6, v5  }
0x3f: {  	v17 =	vld.idx.msk [tilespmem:v17+s3+$0x0], $0xffff;
	v6 =	vor.u32 $0x200, v4;
	v25 =	vor.u32 $0x80, v5;
	v10 =	vshll.u32 v0, $0x10  }
0x40: {  	v8 =	vld.idx.msk [tilespmem:v8+s12+$0x0], $0xffff;
	v18 =	vand.u32 $0xFFFF0000, v0;
	v36 =	vshll.u32 v26, $0x10;
	v26 =	vand.u32 $0xFFFF0000, v26  }
0x41: {  	v31 =	vld.idx.msk [tilespmem:v31+s3+$0x0], $0xffff;
	v49 =	vshll.u32 v7, $0x10;
	v7 =	vand.u32 $0xFFFF0000, v7;
	v14 =	vshll.u32 v3, $0x10  }
0x42: {  	v58 =	vld.idx.msk [tilespmem:v35+s3+$0x0], $0xffff;
	v3 =	vand.u32 $0xFFFF0000, v3;
	v21 =	vshll.u32 v11, $0x10;
	v13 =	vshll.u32 v13, $0x10  }
0x43: {  	v23 =	vld.idx.msk [tilespmem:v23+s12+$0x0], $0xffff;
	v34 =	vshll.u32 v16, $0x10;
	v16 =	vand.u32 $0xFFFF0000, v16;
	v36 =	vmul.f32 v10, v36  }
0x44: {  	v15 =	vld.idx.msk [tilespmem:v15+s3+$0x0], $0xffff;
	v39 =	vshll.u32 v20, $0x10;
	v26 =	vmul.f32 v18, v26;
	v20 =	vand.u32 $0xFFFF0000, v20  }
0x45: {  	v51 =	vld.idx.msk [tilespmem:v27+s3+$0x0], $0xffff;
	v48 =	vshll.u32 v17, $0x10;
	v11 =	vand.u32 $0xFFFF0000, v11;
	v17 =	vand.u32 $0xFFFF0000, v17  }
0x46: {  	v30 =	vld.idx.msk [tilespmem:v30+s3+$0x0], $0xffff;
	v50 =	vshll.u32 v8, $0x10;
	v8 =	vand.u32 $0xFFFF0000, v8;
	v42 =	vand.u32 $0xFFFF0000, v31  }
0x47: {  	v12 =	vld.idx.msk [tilespmem:v12+s3+$0x0], $0xffff;
	v44 =	vand.u32 $0xFFFF0000, v58;
	v14 =	vmul.f32 v10, v14;
	v3 =	vmul.f32 v18, v3  }
0x48: {  	v2 =	vld.idx.msk [tilespmem:v2+s3+$0x0], $0xffff;
	v31 =	vshll.u32 v31, $0x10;
	v18 =	vmul.f32 v18, v39;
	v16 =	vmul.f32 v8, v16  }
0x49: {  	v5 =	vld.idx.msk [tilespmem:v5+s12+$0x0], $0xffff;
	v23 =	vshll.u32 v23, $0x10;
	v3 =	vadd.f32 v3, v14;
	v14 =	vmul.f32 v13, v21  }
0x4a: {  	v6 =	vld.idx.msk [tilespmem:v6+s3+$0x0], $0xffff;
	v32 =	vshll.u32 v15, $0x10;
	v15 =	vand.u32 $0xFFFF0000, v15;
	v26 =	vadd.f32 v26, v36  }
0x4b: {  	v59 =	vand.u32 $0xFFFF0000, v51;
	v63 =	vshll.u32 v30, $0x10;
	v1 =	vadd.f32 v14, v3;
	v14 =	vld.idx.msk [tilespmem:v19+s3+$0x0], $0xffff  }
0x4c: {  	v30 =	vand.u32 $0xFFFF0000, v30;
	v15 =	vmul.f32 v7, v15;
	v28 =	vand.u32 $0xFFFF0000, v12  }
0x4d: {  	v21 =	vld.idx.msk [tilespmem:v46+s3+$0x0], $0xffff;
	v46 =	vshll.u32 v2, $0x10;
	v2 =	vand.u32 $0xFFFF0000, v2;
	v28 =	vadd.f32 v28, v1  }
0x4e: {  	v60 =	vld.idx.msk [tilespmem:v37+s3+$0x0], $0xffff;
	v37 =	vmul.f32 v7, v63;
	v3 =	vor.u32 $0x280, v9;
	v19 =	vor.u32 $0x80, v4  }
0x4f: {  	v4 =	vld.idx.msk [tilespmem:v4+s3+$0x0], $0xffff;
	v12 =	vshll.u32 v12, $0x10;
	v52 =	vshll.u32 v5, $0x10;
	(erf) = vrcp.f32 v28  }
0x50: {  	v5 =	vand.u32 $0xFFFF0000, v5;
	v54 =	vshll.u32 v6, $0x10;
	v38 =	vand.u32 $0xFFFF0000, v14  }
0x51: {  	v9 =	vld.idx.msk [tilespmem:v9+s3+$0x0], $0xffff;
	v6 =	vand.u32 $0xFFFF0000, v6;
	v17 =	vmul.f32 v5, v17;
	v10 =	vmul.f32 v10, v38  }
0x52: {  	v35 =	vmul.f32 v52, v44;
	v2 =	vmul.f32 v5, v2;
	v14 =	vshll.u32 v14, $0x10  }
0x53: {  	v14 =	vmul.f32 v13, v14;
	v13 =	vmul.f32 v13, v20;
	v10 =	vadd.f32 v18, v10  }
0x54: {  	v56 =	vshll.u32 v21, $0x10;
	v47 =	vshll.u32 v4, $0x10;
	v4 =	vand.u32 $0xFFFF0000, v4  }
0x55: {  	v3 =	vld.idx.msk [tilespmem:v3+s3+$0x0], $0xffff;
	v20 =	vmul.f32 v52, v48;
	v10 =	vadd.f32 v13, v10;
	v13 =	vand.u32 $0x7FFFFFFF, v28  }
0x56: {  	v53 =	vld.idx.msk [tilespmem:v29+s3+$0x0], $0xffff;
	v45 =	vshll.u32 v9, $0x10;
	v9 =	vand.u32 $0xFFFF0000, v9;
	v4 =	vmul.f32 v7, v4  }
0x57: {  	v1 =	vld [tilespmem:$0x1080];
	v14 =	vadd.f32 v14, v26;
	v17 =	vadd.f32 v17, v20;
	v20 =	vmul.f32 v50, v42  }
0x58: {  	v18 =	vld.idx.msk [tilespmem:v22+s12+$0x0], $0xffff;
	v22 =	vmul.f32 v49, v47;
	vm0 =	vgt.f32 v13, $9.999999930e-09;
	v10 =	vadd.f32 v12, v10;
	v13 =	vpop (erf)  }
0x59: {  	v47 =	vand.u32 $0xFFFF0000, v60;
	v11 =	vadd.f32 v11, v14;
	v14 =	vld.idx.msk [tilespmem:v24+s3+$0x0], $0xffff;
	v12 =	vnsel vm0, $0x3F800000, v13  }
0x5a: {  	v26 =	vmul.f32 v52, v46;
	v61 =	vand.u32 $0xFFFF0000, v3;
	v13 =	vld.idx.msk [tilespmem:v25+s12+$0x0], $0xffff;
	v10 =	vmul.f32 v12, v10  }
0x5b: {  	v0 =	vld [tilespmem:$0x1000];
	v4 =	vadd.f32 v4, v22;
	v11 =	vmul.f32 v12, v11;
	v12 =	vmul.f32 v49, v32  }
0x5c: {  	v2 =	vadd.f32 v2, v26;
	v3 =	vshll.u32 v3, $0x10;
	v55 =	vmul.f32 v10, v1;
	v10 =	vld.idx.msk [tilespmem:v19+s3+$0x0], $0xffff  }
0x5d: {  	v18 =	vshll.u32 v18, $0x10;
	v19 =	vmul.f32 v50, v34;
	v12 =	vadd.f32 v15, v12;
	v15 =	vld.idx.msk [tilespmem:v33+s3+$0x0], $0xffff  }
0x5e: {  	v48 =	vmul.f32 v18, v30;
	v57 =	vshll.u32 v14, $0x10;
	v32 =	vmul.f32 v23, v56  }
0x5f: {  	v16 =	vadd.f32 v16, v19;
	v13 =	vshll.u32 v13, $0x10;
	v19 =	vmul.f32 v18, v54  }
0x60: {  	v14 =	vand.u32 $0xFFFF0000, v14;
	v11 =	vmul.f32 v11, v0;
	v34 =	vmul.f32 v13, v57  }
0x61: {  	v12 =	vadd.f32 v19, v12;
	v16 =	vadd.f32 v32, v16;
	v19 =	vand.u32 $0xFFFF0000, v53  }
0x62: {  	v62 =	vand.u32 $0xFFFF0000, v10;
	v17 =	vadd.f32 v34, v17;
	v43 =	vshll.u32 v15, $0x10  }
0x63: {  	v10 =	vshll.u32 v10, $0x10;
	v7 =	vand.u32 $0xFFFF0000, v15;
	v15 =	vmul.f32 v50, v45  }
0x64: {  	v12 =	vadd.f32 v59, v12;
	v16 =	vadd.f32 v61, v16;
	v32 =	vmul.f32 v49, v62  }
0x65: {  	v34 =	vmul.f32 v8, v43;
	v8 =	vmul.f32 v8, v9;
	v9 =	vshll.u32 v58, $0x10  }
0x66: {  	v10 =	vmul.f32 v18, v10;
	v7 =	vmul.f32 v23, v7;
	v17 =	vadd.f32 v19, v17  }
0x67: {  	v19 =	vshll.u32 v60, $0x10;
	v9 =	vmul.f32 v13, v9;
	(erf) = vrcp.f32 v12  }
0x68: {  	v19 =	vmul.f32 v5, v19;
	v5 =	vadd.f32 v37, v32;
	v20 =	vadd.f32 v34, v20  }
0x69: {  	v8 =	vadd.f32 v8, v15;
	v15 =	vmul.f32 v23, v31;
	v4 =	vadd.f32 v10, v4  }
0x6a: {  	s31 =	simm.s32 $0x5860;
	v10 =	vmul.f32 v13, v47;
	v12 =	vand.u32 $0x7FFFFFFF, v12;
	(erf) = vrcp.f32 v16  }
0x6b: {  	v50 =	vld [tilespmem:s31+$0x0];
	v9 =	vadd.f32 v9, v2;
	v2 =	vand.u32 $0x7FFFFFFF, v16;
	(erf) = vrcp.f32 v17  }
0x6c: {  	v49 =	vld [tilespmem:s31+$0xFFFFFFF0];
	v13 =	vand.u32 $0x7FFFFFFF, v17;
	v16 =	vand.u32 $0xFFFF0000, v21;
	v5 =	vadd.f32 v48, v5  }
0x6d: {  	s20 =	simm.s32 $0x5460;
	v18 =	vadd.f32 v19, v35;
	v8 =	vadd.f32 v15, v8;
	v15 =	vshll.u32 v51, $0x10  }
0x6e: {  	vm11 =	vgt.f32 v12, $9.999999930e-09;
	v7 =	vadd.f32 v7, v20;
	v5 =	vadd.f32 v15, v5;
	v15 =	vld [tilespmem:s20+$0xFFFFFFF0]  }
0x6f: {  	v17 =	vshll.u32 v53, $0x10;
	vm1 =	vgt.f32 v2, $9.999999930e-09;
	vm2 =	vgt.f32 v13, $9.999999930e-09  }
0x70: {  	v4 =	vadd.f32 v6, v4;
	v57 =	vshll.u32 v50, $0x1;
	v21 =	vand.u32 $0x7F, v50  }
0x71: {  	v9 =	vadd.f32 v14, v9;
	v56 =	vshll.u32 v49, $0x1;
	v10 =	vadd.f32 v10, v18  }
0x72: {  	v2 =	vld [tilespmem:$0x1100];
	v20 =	vand.u32 $0x7F, v49;
	v7 =	vadd.f32 v3, v7;
	v8 =	vadd.f32 v16, v8;
	v12 =	vpop (erf)  }
0x73: {  	v3 =	vld [tilespmem:$0x1180];
	v10 =	vadd.f32 v17, v10;
	v51 =	vshll.u32 v15, $0x3;
	v13 =	vpop (erf);
	v12 =	vnsel vm11, $0x3F800000, v12  }
0x74: {  	v15 =	vand.u32 $0x7F, v15;
	v6 =	vnsel vm1, $0x3F800000, v13;
	v13 =	vpop (erf);
	v4 =	vmul.f32 v12, v4  }
0x75: {  	v14 =	vld [tilespmem:s31+$0x10];
	v5 =	vmul.f32 v12, v5;
	v12 =	vnsel vm2, $0x3F800000, v13;
	v8 =	vmul.f32 v6, v8  }
0x76: {  	v22 =	vand.u32 $0xFFFFFC00, v51;
	v13 =	vld [tilespmem:s20+$0x10];
	v6 =	vmul.f32 v6, v7;
	v16 =	vmul.f32 v12, v9  }
0x77: {  	v17 =	vld [tilespmem:s20+$0x0];
	v12 =	vmul.f32 v12, v10;
	v10 =	vadd.f32 v11, v2;
	v4 =	vmul.f32 v4, v0  }
0x78: {  	v7 =	vmul.f32 v5, v1;
	v11 =	vadd.f32 v55, v3;
	v8 =	vmul.f32 v8, v0  }
0x79: {  	v18 =	vld [tilespmem:s20+$0xFFFFFFE0];
	v6 =	vmul.f32 v6, v1;
	v9 =	vadd.f32 v4, v2;
	v5 =	vmul.f32 v16, v0  }
0x7a: {  	v4 =	vmul.f32 v12, v1;
	v12 =	vand.u32 $0x7F, v14;
	v14 =	vshll.u32 v14, $0x1  }
0x7b: {  	v16 =	vld [tilespmem:s31+$0xFFFFFFE0];
	v14 =	vand.u32 $0xFFFFFF00, v14;
	v19 =	vshll.u32 v13, $0x3;
	v13 =	vand.u32 $0x7F, v13  }
0x7c: {  	v12 =	vor.u32 v12, v14;
	v14 =	vshll.u32 v17, $0x3;
	v17 =	vand.u32 $0x7F, v17  }
0x7d: {  	v19 =	vand.u32 $0xFFFFFC00, v19;
	v14 =	vand.u32 $0xFFFFFC00, v14;
	v54 =	vor.u32 $0x80, v12  }
0x7e: {  	v19 =	vor.u32 v13, v19;
	v13 =	vshll.u32 v18, $0x3;
	v18 =	vand.u32 $0x7F, v18  }
0x7f: {  	v52 =	vor.u32 $0x180, v19;
	v13 =	vand.u32 $0xFFFFFC00, v13;
	v53 =	vor.u32 $0x200, v19  }
0x80: {  	v55 =	vshll.u32 v16, $0x1;
	v59 =	vor.u32 $0x280, v19;
	v16 =	vand.u32 $0x7F, v16  }
0x81: {  	v47 =	vor.u32 $0x80, v19;
	v50 =	vor.u32 $0x100, v19;
	v18 =	vor.u32 v18, v13  }
0x82: {  	v26 =	vand.u32 $0xFFFFFF00, v55;
	v13 =	vor.u32 v15, v22;
	v15 =	vand.u32 $0xFFFFFF00, v56;
	v58 =	vld.idx.msk [tilespmem:v12+s12+$0x0], $0xffff  }
0x83: {  	v12 =	vor.u32 v17, v14;
	v17 =	vand.u32 $0xFFFFFF00, v57;
	v61 =	vor.u32 $0x180, v18;
	v60 =	vld.idx.msk [tilespmem:v54+s12+$0x0], $0xffff  }
0x84: {  	v62 =	vor.u32 $0x180, v13;
	v16 =	vor.u32 v16, v26;
	v15 =	vor.u32 v20, v15;
	v19 =	vld.idx.msk [tilespmem:v19+s3+$0x0], $0xffff  }
0x85: {  	v20 =	vor.u32 $0x200, v18;
	v41 =	vor.u32 $0x100, v18;
	v42 =	vor.u32 $0x80, v13;
	v14 =	vld.idx.msk [tilespmem:v52+s3+$0x0], $0xffff  }
0x86: {  	v43 =	vor.u32 $0x100, v13;
	v63 =	vor.u32 $0x180, v12;
	v17 =	vor.u32 v21, v17;
	v23 =	vld.idx.msk [tilespmem:v53+s3+$0x0], $0xffff  }
0x87: {  	v51 =	vor.u32 $0x80, v16;
	v55 =	vor.u32 $0x80, v15;
	v56 =	vor.u32 $0x200, v12;
	v22 =	vld.idx.msk [tilespmem:v59+s3+$0x0], $0xffff  }
0x88: {  	v57 =	vor.u32 $0x80, v17;
	v53 =	vor.u32 $0x200, v13;
	v59 =	vor.u32 $0x280, v13;
	v21 =	vld.idx.msk [tilespmem:v47+s3+$0x0], $0xffff  }
0x89: {  	v31 =	vld.idx.msk [tilespmem:v50+s3+$0x0], $0xffff;
	v48 =	vshll.u32 v58, $0x10;
	v29 =	vand.u32 $0xFFFF0000, v58;
	v58 =	vor.u32 $0x280, v18  }
0x8a: {  	v25 =	vld.idx.msk [tilespmem:v61+s3+$0x0], $0xffff;
	v61 =	vor.u32 $0x280, v12;
	v24 =	vshll.u32 v60, $0x10;
	v60 =	vor.u32 $0x80, v18  }
0x8b: {  	v28 =	vld.idx.msk [tilespmem:v63+s3+$0x0], $0xffff;
	v63 =	vor.u32 $0x80, v12;
	v45 =	vshll.u32 v19, $0x10;
	v19 =	vand.u32 $0xFFFF0000, v19  }
0x8c: {  	v49 =	vshll.u32 v14, $0x10;
	v14 =	vand.u32 $0xFFFF0000, v14;
	v52 =	vshll.u32 v23, $0x10  }
0x8d: {  	v40 =	vand.u32 $0xFFFF0000, v22;
	v45 =	vmul.f32 v48, v45;
	v46 =	vand.u32 $0xFFFF0000, v21  }
0x8e: {  	v27 =	vld.idx.msk [tilespmem:v62+s3+$0x0], $0xffff;
	v47 =	vshll.u32 v31, $0x10;
	v19 =	vmul.f32 v29, v19;
	v21 =	vshll.u32 v21, $0x10  }
0x8f: {  	v16 =	vld.idx.msk [tilespmem:v16+s12+$0x0], $0xffff;
	v31 =	vand.u32 $0xFFFF0000, v31;
	v23 =	vand.u32 $0xFFFF0000, v23;
	v30 =	vmul.f32 v48, v49  }
0x90: {  	v15 =	vld.idx.msk [tilespmem:v15+s12+$0x0], $0xffff;
	v22 =	vshll.u32 v22, $0x10;
	v14 =	vmul.f32 v29, v14;
	v54 =	vmul.f32 v24, v52  }
0x91: {  	v18 =	vld.idx.msk [tilespmem:v18+s3+$0x0], $0xffff;
	v26 =	vmul.f32 v48, v46;
	v29 =	vmul.f32 v29, v47;
	v48 =	vor.u32 $0x100, v12  }
0x92: {  	v17 =	vld.idx.msk [tilespmem:v17+s12+$0x0], $0xffff;
	v21 =	vmul.f32 v24, v21;
	v24 =	vmul.f32 v24, v31;
	v62 =	vshll.u32 v25, $0x10  }
0x93: {  	v50 =	vld.idx.msk [tilespmem:v51+s12+$0x0], $0xffff;
	v25 =	vand.u32 $0xFFFF0000, v25;
	v44 =	vshll.u32 v27, $0x10;
	v27 =	vand.u32 $0xFFFF0000, v27  }
0x94: {  	v19 =	vadd.f32 v19, v45;
	v32 =	vshll.u32 v16, $0x10;
	v16 =	vand.u32 $0xFFFF0000, v16  }
0x95: {  	v20 =	vld.idx.msk [tilespmem:v20+s3+$0x0], $0xffff;
	v33 =	vshll.u32 v15, $0x10;
	v15 =	vand.u32 $0xFFFF0000, v15;
	v14 =	vadd.f32 v14, v30  }
0x96: {  	v13 =	vld.idx.msk [tilespmem:v13+s3+$0x0], $0xffff;
	v45 =	vshll.u32 v18, $0x10;
	v26 =	vadd.f32 v29, v26;
	v49 =	vshll.u32 v28, $0x10  }
0x97: {  	v51 =	vld.idx.msk [tilespmem:v55+s12+$0x0], $0xffff;
	v28 =	vand.u32 $0xFFFF0000, v28;
	v35 =	vshll.u32 v17, $0x10;
	v17 =	vand.u32 $0xFFFF0000, v17  }
0x98: {  	v43 =	vld.idx.msk [tilespmem:v43+s3+$0x0], $0xffff;
	v31 =	vshll.u32 v50, $0x10;
	v25 =	vmul.f32 v16, v25;
	v55 =	vmul.f32 v33, v44  }
0x99: {  	v52 =	vld.idx.msk [tilespmem:v57+s12+$0x0], $0xffff;
	v27 =	vmul.f32 v15, v27;
	v18 =	vand.u32 $0xFFFF0000, v18;
	v19 =	vadd.f32 v21, v19  }
0x9a: {  	v21 =	vld.idx.msk [tilespmem:v53+s3+$0x0], $0xffff;
	v53 =	vshll.u32 v20, $0x10;
	v29 =	vmul.f32 v35, v49;
	v28 =	vmul.f32 v17, v28  }
0x9b: {  	v34 =	vld.idx.msk [tilespmem:v58+s3+$0x0], $0xffff;
	v20 =	vand.u32 $0xFFFF0000, v20;
	v14 =	vadd.f32 v54, v14;
	v24 =	vadd.f32 v24, v26  }
0x9c: {  	v38 =	vld.idx.msk [tilespmem:v61+s3+$0x0], $0xffff;
	v54 =	vmul.f32 v32, v62;
	v26 =	vshll.u32 v51, $0x10;
	v27 =	vadd.f32 v27, v55  }
0x9d: {  	v30 =	vld.idx.msk [tilespmem:v60+s3+$0x0], $0xffff;
	v36 =	vmul.f32 v31, v53;
	v55 =	vshll.u32 v13, $0x10;
	v14 =	vadd.f32 v40, v14  }
0x9e: {  	v13 =	vand.u32 $0xFFFF0000, v13;
	v19 =	vadd.f32 v23, v19;
	v28 =	vadd.f32 v28, v29  }
0x9f: {  	v23 =	vld.idx.msk [tilespmem:v56+s3+$0x0], $0xffff;
	v13 =	vmul.f32 v15, v13;
	v22 =	vadd.f32 v22, v24;
	(erf) = vrcp.f32 v14  }
0xa0: {  	v56 =	vld.idx.msk [tilespmem:v41+s3+$0x0], $0xffff;
	v25 =	vadd.f32 v25, v54;
	v24 =	vshll.u32 v52, $0x10;
	v62 =	vand.u32 $0xFFFF0000, v34  }
0xa1: {  	v61 =	vld.idx.msk [tilespmem:v48+s3+$0x0], $0xffff;
	v48 =	vand.u32 $0xFFFF0000, v38;
	v52 =	vshll.u32 v43, $0x10;
	v43 =	vand.u32 $0xFFFF0000, v43  }
0xa2: {  	v49 =	vand.u32 $0xFFFF0000, v30;
	v30 =	vshll.u32 v30, $0x10;
	v14 =	vand.u32 $0x7FFFFFFF, v14  }
0xa3: {  	v12 =	vld.idx.msk [tilespmem:v12+s3+$0x0], $0xffff;
	v57 =	vshll.u32 v21, $0x10;
	v25 =	vadd.f32 v36, v25;
	v39 =	vmul.f32 v32, v49  }
0xa4: {  	v32 =	vmul.f32 v32, v45;
	v21 =	vand.u32 $0xFFFF0000, v21;
	vm12 =	vgt.f32 v14, $9.999999930e-09  }
0xa5: {  	v60 =	vmul.f32 v26, v57;
	v58 =	vshll.u32 v23, $0x10;
	v50 =	vshll.u32 v56, $0x10  }
0xa6: {  	v25 =	vadd.f32 v62, v25;
	v54 =	vshll.u32 v61, $0x10;
	v40 =	vand.u32 $0xFFFF0000, v56  }
0xa7: {  	v29 =	vand.u32 $0xFFFF0000, v61;
	v62 =	vand.u32 $0xFFFF0000, v23;
	v44 =	vmul.f32 v24, v58  }
0xa8: {  	v47 =	vmul.f32 v16, v50;
	v16 =	vmul.f32 v16, v18;
	v18 =	vshll.u32 v12, $0x10;
	v14 =	vpop (erf)  }
0xa9: {  	v36 =	vmul.f32 v17, v54;
	v18 =	vmul.f32 v35, v18;
	v14 =	vnsel vm12, $0x3F800000, v14  }
0xaa: {  	v12 =	vand.u32 $0xFFFF0000, v12;
	v19 =	vmul.f32 v14, v19;
	v14 =	vmul.f32 v14, v22;
	v22 =	vld.idx.msk [tilespmem:v59+s3+$0x0], $0xffff  }
0xab: {  	v27 =	vadd.f32 v60, v27;
	v12 =	vmul.f32 v17, v12;
	v17 =	vmul.f32 v31, v30  }
0xac: {  	v28 =	vadd.f32 v44, v28;
	v56 =	vadd.f32 v47, v39;
	v14 =	vmul.f32 v14, v1  }
0xad: {  	v31 =	vmul.f32 v31, v40;
	v16 =	vadd.f32 v16, v32;
	v12 =	vadd.f32 v12, v18;
	v59 =	vld.idx.msk [tilespmem:v63+s3+$0x0], $0xffff  }
0xae: {  	v44 =	vmul.f32 v15, v52;
	v28 =	vadd.f32 v48, v28;
	v41 =	vadd.f32 v14, v3;
	v14 =	vld.idx.msk [tilespmem:v42+s3+$0x0], $0xffff  }
0xaf: {  	v18 =	vadd.f32 v31, v56;
	v16 =	vadd.f32 v17, v16;
	v63 =	vand.u32 $0xFFFF0000, v22  }
0xb0: {  	v17 =	vand.u32 $0x7FFFFFFF, v25;
	v19 =	vmul.f32 v19, v0;
	v27 =	vadd.f32 v63, v27  }
0xb1: {  	vm13 =	vgt.f32 v17, $9.999999930e-09;
	(erf) = vrcp.f32 v25;
	v17 =	vadd.f32 v20, v16  }
0xb2: {  	v19 =	vadd.f32 v19, v2;
	v53 =	vand.u32 $0xFFFF0000, v59;
	(erf) = vrcp.f32 v27  }
0xb3: {  	v15 =	vshll.u32 v59, $0x10;
	v51 =	vand.u32 $0xFFFF0000, v14;
	(erf) = vrcp.f32 v28  }
0xb4: {  	s22 =	simm.s32 $0x5C20;
	v14 =	vshll.u32 v14, $0x10;
	v42 =	vmul.f32 v33, v51;
	v33 =	vmul.f32 v33, v55  }
0xb5: {  	[tilespmem:s22+$0x10] =	vst v10;
	v10 =	vshll.u32 v22, $0x10;
	v46 =	vmul.f32 v35, v53;
	v14 =	vmul.f32 v26, v14  }
0xb6: {  	v26 =	vmul.f32 v26, v43;
	v57 =	vadd.f32 v44, v42;
	v13 =	vadd.f32 v13, v33  }
0xb7: {  	v15 =	vmul.f32 v24, v15;
	v63 =	vshll.u32 v38, $0x10;
	v58 =	vadd.f32 v36, v46  }
0xb8: {  	v13 =	vadd.f32 v14, v13;
	v14 =	vmul.f32 v24, v29;
	v59 =	vadd.f32 v26, v57  }
0xb9: {  	s23 =	simm.s32 $0x6020;
	v60 =	vadd.f32 v15, v12;
	v12 =	vand.u32 $0x7FFFFFFF, v27;
	v15 =	vshll.u32 v34, $0x10  }
0xba: {  	[tilespmem:s23+$0x10] =	vst v11;
	v11 =	vpop (erf);
	vm14 =	vgt.f32 v12, $9.999999930e-09;
	v61 =	vadd.f32 v14, v58;
	v10 =	vadd.f32 v10, v59  }
0xbb: {  	s21 =	simm.s32 $0x5C60;
	[tilespmem:s22+$0xFFFFFFE0] =	vst v9;
	v14 =	vand.u32 $0x7FFFFFFF, v28;
	v16 =	vadd.f32 v21, v13;
	v13 =	vadd.f32 v62, v60;
	v9 =	vpop (erf)  }
0xbc: {  	s24 =	simm.s32 $0x6060;
	[tilespmem:s21+$0x10] =	vst v19;
	vm15 =	vgt.f32 v14, $9.999999930e-09;
	v14 =	vadd.f32 v15, v18;
	v15 =	vnsel vm13, $0x3F800000, v11;
	v11 =	vpop (erf)  }
0xbd: {  	s25 =	simm.s32 $0x4;
	s26 =	simm.s32 $0x58A0;
	[tilespmem:s24+$0x10] =	vst v41;
	v12 =	vnsel vm14, $0x3F800000, v9;
	v9 =	vadd.f32 v63, v61;
	v11 =	vnsel vm15, $0x3F800000, v11  }
.LBB2_2:
0xbe: {  	v18 =	vld [tilespmem:s26+$0x10];
	v17 =	vmul.f32 v15, v17;
	v14 =	vmul.f32 v15, v14;
	s20 =	sadd.s32 $0x40, s20;
	v7 =	vadd.f32 v7, v3  }
0xbf: {  	v10 =	vmul.f32 v12, v10;
	v8 =	vadd.f32 v8, v2;
	v15 =	vld [tilespmem:s20+$0x10];
	v16 =	vmul.f32 v12, v16  }
0xc0: {  	s25 =	sadd.s32 $0x4, s25;
	v9 =	vmul.f32 v11, v9;
	v13 =	vmul.f32 v11, v13;
	v11 =	vadd.f32 v6, v3;
	v12 =	vld [tilespmem:s20+$0xFFFFFFF0];
	[tilespmem:s23+$0xFFFFFFE0] =	vst v7  }
0xc1: {  	p0 =	slt.u32 s25, $0x3C;
	v17 =	vmul.f32 v17, v0;
	v7 =	vmul.f32 v14, v1;
	v14 =	vadd.f32 v5, v2;
	v19 =	vld [tilespmem:s20+$0x0];
	[tilespmem:s22+$0xFFFFFFF0] =	vst v8  }
0xc2: {  	v6 =	vmul.f32 v10, v1;
	v10 =	vadd.f32 v4, v3;
	v8 =	vmul.f32 v16, v0;
	v20 =	vld [tilespmem:s20+$0xFFFFFFE0];
	[tilespmem:s23+$0xFFFFFFF0] =	vst v11  }
0xc3: {  	v4 =	vmul.f32 v9, v1;
	v5 =	vmul.f32 v13, v0;
	v16 =	vadd.f32 v17, v2;
	v11 =	vld [tilespmem:s26+$0xFFFFFFE0];
	[tilespmem:s22+$0x0] =	vst v14;
	s22 =	smov.u32 s21  }
0xc4: {  	v13 =	vand.u32 $0x7F, v18;
	v17 =	vshll.u32 v18, $0x1;
	v9 =	vld [tilespmem:s26+$0xFFFFFFF0];
	v14 =	vshll.u32 v15, $0x3;
	[tilespmem:s23+$0x0] =	vst v10;
	s23 =	smov.u32 s24  }
0xc5: {  	v15 =	vand.u32 $0x7F, v15;
	v17 =	vand.u32 $0xFFFFFF00, v17;
	v10 =	vld [tilespmem:s26+$0x0];
	v14 =	vand.u32 $0xFFFFFC00, v14;
	[tilespmem:s21+$0xFFFFFFE0] =	vst v16  }
0xc6: {  	v16 =	vshll.u32 v12, $0x3;
	v13 =	vor.u32 v13, v17;
	v14 =	vor.u32 v15, v14  }
0xc7: {  	v17 =	vshll.u32 v19, $0x3;
	v15 =	vshll.u32 v20, $0x3;
	v18 =	vor.u32 $0x180, v14  }
0xc8: {  	v16 =	vand.u32 $0xFFFFFC00, v16;
	v21 =	vor.u32 $0x200, v14;
	v15 =	vand.u32 $0xFFFFFC00, v15  }
0xc9: {  	v22 =	vor.u32 $0x80, v13;
	v20 =	vand.u32 $0x7F, v20;
	v17 =	vand.u32 $0xFFFFFC00, v17  }
0xca: {  	v12 =	vand.u32 $0x7F, v12;
	v23 =	vshll.u32 v11, $0x1;
	v24 =	vshll.u32 v9, $0x1  }
0xcb: {  	v19 =	vand.u32 $0x7F, v19;
	v15 =	vor.u32 v20, v15;
	v20 =	vshll.u32 v10, $0x1;
	v13 =	vld.idx.msk [tilespmem:v13+s12+$0x0], $0xffff  }
0xcc: {  	v12 =	vor.u32 v12, v16;
	v16 =	vor.u32 v19, v17;
	v23 =	vand.u32 $0xFFFFFF00, v23;
	v17 =	vld.idx.msk [tilespmem:v18+s3+$0x0], $0xffff  }
0xcd: {  	v19 =	vand.u32 $0xFFFFFF00, v20;
	v18 =	vand.u32 $0xFFFFFF00, v24;
	v20 =	vld.idx.msk [tilespmem:v21+s3+$0x0], $0xffff;
	v21 =	vor.u32 $0x280, v14  }
0xce: {  	v11 =	vand.u32 $0x7F, v11;
	v9 =	vand.u32 $0x7F, v9;
	v24 =	vand.u32 $0x7F, v10;
	v22 =	vld.idx.msk [tilespmem:v22+s12+$0x0], $0xffff  }
0xcf: {  	v26 =	vor.u32 $0x180, v12;
	v27 =	vor.u32 $0x180, v16;
	v25 =	vor.u32 $0x180, v15  }
0xd0: {  	v23 =	vor.u32 v11, v23;
	v9 =	vor.u32 v9, v18;
	v18 =	vor.u32 v24, v19;
	v10 =	vld.idx.msk [tilespmem:v15+s3+$0x0], $0xffff  }
0xd1: {  	v19 =	vor.u32 $0x200, v15;
	v24 =	vor.u32 $0x80, v14;
	v28 =	vshll.u32 v13, $0x10;
	v11 =	vld.idx.msk [tilespmem:v12+s3+$0x0], $0xffff  }
0xd2: {  	v30 =	vand.u32 $0xFFFF0000, v13;
	v29 =	vshll.u32 v17, $0x10;
	v17 =	vand.u32 $0xFFFF0000, v17;
	v21 =	vld.idx.msk [tilespmem:v21+s3+$0x0], $0xffff  }
0xd3: {  	v31 =	vor.u32 $0x100, v14;
	v29 =	vmul.f32 v28, v29;
	v17 =	vmul.f32 v30, v17;
	v13 =	vld.idx.msk [tilespmem:v16+s3+$0x0], $0xffff  }
0xd4: {  	v32 =	vor.u32 $0x80, v23;
	v33 =	vshll.u32 v20, $0x10;
	v22 =	vshll.u32 v22, $0x10;
	v25 =	vld.idx.msk [tilespmem:v25+s3+$0x0], $0xffff  }
0xd5: {  	v34 =	vor.u32 $0x200, v12;
	v17 =	vadd.f32 v17, v29;
	v29 =	vmul.f32 v22, v33;
	v26 =	vld.idx.msk [tilespmem:v26+s3+$0x0], $0xffff  }
0xd6: {  	v35 =	vor.u32 $0x200, v16;
	v36 =	vor.u32 $0x80, v18;
	v33 =	vor.u32 $0x80, v9;
	v14 =	vld.idx.msk [tilespmem:v14+s3+$0x0], $0xffff  }
0xd7: {  	v38 =	vor.u32 $0x280, v12;
	v37 =	vor.u32 $0x280, v15;
	v17 =	vadd.f32 v29, v17;
	v24 =	vld.idx.msk [tilespmem:v24+s3+$0x0], $0xffff  }
0xd8: {  	v39 =	vor.u32 $0x280, v16;
	v29 =	vor.u32 $0x80, v15;
	v40 =	vand.u32 $0xFFFF0000, v21;
	v31 =	vld.idx.msk [tilespmem:v31+s3+$0x0], $0xffff  }
0xd9: {  	v42 =	vor.u32 $0x80, v12;
	v41 =	vor.u32 $0x100, v15;
	v17 =	vadd.f32 v40, v17;
	v15 =	vld.idx.msk [tilespmem:v27+s3+$0x0], $0xffff  }
0xda: {  	v40 =	vor.u32 $0x100, v12;
	v27 =	vshll.u32 v25, $0x10;
	v25 =	vand.u32 $0xFFFF0000, v25;
	v23 =	vld.idx.msk [tilespmem:v23+s12+$0x0], $0xffff  }
0xdb: {  	v44 =	vshll.u32 v26, $0x10;
	v26 =	vand.u32 $0xFFFF0000, v26;
	v43 =	vld.idx.msk [tilespmem:v9+s12+$0x0], $0xffff;
	(erf) = vrcp.f32 v17  }
0xdc: {  	v45 =	vor.u32 $0x80, v16;
	v46 =	vor.u32 $0x100, v16;
	v12 =	vshll.u32 v14, $0x10;
	v47 =	vld.idx.msk [tilespmem:v18+s12+$0x0], $0xffff  }
0xdd: {  	v14 =	vand.u32 $0xFFFF0000, v14;
	v18 =	vshll.u32 v10, $0x10;
	v16 =	vmul.f32 v28, v12;
	v9 =	vld.idx.msk [tilespmem:v19+s3+$0x0], $0xffff  }
0xde: {  	v14 =	vmul.f32 v30, v14;
	v48 =	vshll.u32 v31, $0x10;
	v19 =	vld.idx.msk [tilespmem:v32+s12+$0x0], $0xffff;
	v32 =	vand.u32 $0xFFFF0000, v24  }
0xdf: {  	v24 =	vshll.u32 v24, $0x10;
	v30 =	vmul.f32 v30, v48;
	v12 =	vld.idx.msk [tilespmem:v34+s3+$0x0], $0xffff;
	v28 =	vmul.f32 v28, v32  }
0xe0: {  	v31 =	vand.u32 $0xFFFF0000, v31;
	v16 =	vadd.f32 v14, v16;
	v24 =	vmul.f32 v22, v24;
	v32 =	vld.idx.msk [tilespmem:v33+s12+$0x0], $0xffff  }
0xe1: {  	v22 =	vmul.f32 v22, v31;
	v33 =	vshll.u32 v15, $0x10;
	v14 =	vld.idx.msk [tilespmem:v35+s3+$0x0], $0xffff;
	v28 =	vadd.f32 v30, v28  }
0xe2: {  	v34 =	vand.u32 $0xFFFF0000, v15;
	v30 =	vshll.u32 v23, $0x10;
	v35 =	vadd.f32 v24, v16;
	v31 =	vld.idx.msk [tilespmem:v36+s12+$0x0], $0xffff  }
0xe3: {  	v20 =	vand.u32 $0xFFFF0000, v20;
	v17 =	vand.u32 $0x7FFFFFFF, v17;
	v15 =	vld.idx.msk [tilespmem:v37+s3+$0x0], $0xffff;
	v22 =	vadd.f32 v22, v28  }
0xe4: {  	v21 =	vshll.u32 v21, $0x10;
	vm0 =	vgt.f32 v17, $9.999999930e-09;
	v20 =	vadd.f32 v20, v35;
	v16 =	vld.idx.msk [tilespmem:v38+s3+$0x0], $0xffff;
	v24 =	vpop (erf)  }
0xe5: {  	v23 =	vand.u32 $0xFFFF0000, v23;
	v17 =	vld.idx.msk [tilespmem:v39+s3+$0x0], $0xffff;
	v21 =	vadd.f32 v21, v22;
	v22 =	vnsel vm0, $0x3F800000, v24  }
0xe6: {  	v28 =	vshll.u32 v43, $0x10;
	v24 =	vld.idx.msk [tilespmem:v29+s3+$0x0], $0xffff;
	v29 =	vand.u32 $0xFFFF0000, v43;
	v20 =	vmul.f32 v22, v20  }
0xe7: {  	v36 =	vshll.u32 v47, $0x10;
	v37 =	vand.u32 $0xFFFF0000, v47;
	v35 =	vld.idx.msk [tilespmem:v41+s3+$0x0], $0xffff;
	v21 =	vmul.f32 v22, v21  }
0xe8: {  	v27 =	vmul.f32 v30, v27;
	v22 =	vshll.u32 v9, $0x10;
	v38 =	vld.idx.msk [tilespmem:v42+s3+$0x0], $0xffff;
	v20 =	vmul.f32 v20, v0  }
0xe9: {  	v25 =	vmul.f32 v23, v25;
	v19 =	vshll.u32 v19, $0x10;
	v39 =	vld.idx.msk [tilespmem:v40+s3+$0x0], $0xffff;
	v21 =	vmul.f32 v21, v1  }
0xea: {  	v26 =	vmul.f32 v29, v26;
	v40 =	vmul.f32 v28, v44;
	v41 =	vld.idx.msk [tilespmem:v45+s3+$0x0], $0xffff;
	v20 =	vadd.f32 v20, v2  }
0xeb: {  	s21 =	sadd.s32 $0x40, s21;
	v33 =	vmul.f32 v36, v33;
	v34 =	vmul.f32 v37, v34;
	v42 =	vld.idx.msk [tilespmem:v46+s3+$0x0], $0xffff;
	v21 =	vadd.f32 v21, v3  }
0xec: {  	s24 =	sadd.s32 $0x40, s24;
	v32 =	vshll.u32 v32, $0x10;
	v43 =	vshll.u32 v12, $0x10;
	v44 =	vshll.u32 v14, $0x10;
	[tilespmem:s21+$0x10] =	vst v20  }
0xed: {  	v20 =	vadd.f32 v25, v27;
	v25 =	vadd.f32 v26, v40;
	v26 =	vshll.u32 v31, $0x10;
	[tilespmem:s24+$0x10] =	vst v21  }
0xee: {  	v27 =	vadd.f32 v34, v33;
	v21 =	vmul.f32 v19, v22;
	v22 =	vmul.f32 v32, v43  }
0xef: {  	v31 =	vand.u32 $0xFFFF0000, v15;
	v33 =	vand.u32 $0xFFFF0000, v16;
	v34 =	vmul.f32 v26, v44  }
0xf0: {  	v20 =	vadd.f32 v21, v20;
	v21 =	vadd.f32 v22, v25;
	v22 =	vand.u32 $0xFFFF0000, v17  }
0xf1: {  	v40 =	vshll.u32 v35, $0x10;
	v25 =	vand.u32 $0xFFFF0000, v24;
	v27 =	vadd.f32 v34, v27  }
0xf2: {  	v20 =	vadd.f32 v31, v20;
	v31 =	vand.u32 $0xFFFF0000, v38;
	v21 =	vadd.f32 v33, v21  }
0xf3: {  	v34 =	vand.u32 $0xFFFF0000, v41;
	v33 =	vshll.u32 v39, $0x10;
	v22 =	vadd.f32 v22, v27  }
0xf4: {  	v10 =	vand.u32 $0xFFFF0000, v10;
	v27 =	vshll.u32 v42, $0x10;
	(erf) = vrcp.f32 v20  }
0xf5: {  	v43 =	vshll.u32 v11, $0x10;
	v11 =	vand.u32 $0xFFFF0000, v11;
	(erf) = vrcp.f32 v21  }
0xf6: {  	v44 =	vshll.u32 v13, $0x10;
	v13 =	vand.u32 $0xFFFF0000, v13;
	(erf) = vrcp.f32 v22  }
0xf7: {  	v40 =	vmul.f32 v23, v40;
	v24 =	vshll.u32 v24, $0x10;
	v25 =	vmul.f32 v30, v25  }
0xf8: {  	v35 =	vand.u32 $0xFFFF0000, v35;
	v31 =	vmul.f32 v28, v31;
	v33 =	vmul.f32 v29, v33  }
0xf9: {  	v34 =	vmul.f32 v36, v34;
	v38 =	vshll.u32 v38, $0x10;
	v27 =	vmul.f32 v37, v27  }
0xfa: {  	v18 =	vmul.f32 v30, v18;
	v10 =	vmul.f32 v23, v10;
	v23 =	vand.u32 $0xFFFF0000, v39  }
0xfb: {  	v11 =	vmul.f32 v29, v11;
	v28 =	vmul.f32 v28, v43;
	v29 =	vshll.u32 v41, $0x10  }
0xfc: {  	v13 =	vmul.f32 v37, v13;
	v30 =	vand.u32 $0xFFFF0000, v42;
	v36 =	vmul.f32 v36, v44  }
0xfd: {  	v24 =	vmul.f32 v19, v24;
	v25 =	vadd.f32 v40, v25;
	v31 =	vadd.f32 v33, v31;
	v33 =	vpop (erf)  }
0xfe: {  	v10 =	vadd.f32 v10, v18;
	v18 =	vmul.f32 v19, v35;
	v19 =	vadd.f32 v27, v34;
	v27 =	vpop (erf)  }
0xff: {  	v13 =	vadd.f32 v13, v36;
	v11 =	vadd.f32 v11, v28;
	v28 =	vmul.f32 v32, v38;
	v34 =	vpop (erf)  }
0x100: {  	v23 =	vmul.f32 v32, v23;
	v18 =	vadd.f32 v18, v25;
	v25 =	vmul.f32 v26, v29  }
0x101: {  	v24 =	vadd.f32 v24, v10;
	v10 =	vmul.f32 v26, v30;
	v11 =	vadd.f32 v28, v11  }
0x102: {  	v20 =	vand.u32 $0x7FFFFFFF, v20;
	v23 =	vadd.f32 v23, v31;
	v13 =	vadd.f32 v25, v13  }
0x103: {  	v21 =	vand.u32 $0x7FFFFFFF, v21;
	v19 =	vadd.f32 v10, v19;
	v10 =	vand.u32 $0x7FFFFFFF, v22  }
0x104: {  	v9 =	vand.u32 $0xFFFF0000, v9;
	v15 =	vshll.u32 v15, $0x10;
	v22 =	vand.u32 $0xFFFF0000, v12  }
.Ltmp0:
0x105: {  	v12 =	vshll.u32 v16, $0x10;
	v25 =	vand.u32 $0xFFFF0000, v14;
	v16 =	vshll.u32 v17, $0x10;
	(pc) =	sbr.rel @p0 .LBB2_2-.Ltmp0, $4  }
0x106: {  	vm0 =	vgt.f32 v20, $9.999999930e-09;
	vm1 =	vgt.f32 v21, $9.999999930e-09;
	vm2 =	vgt.f32 v10, $9.999999930e-09  }
0x107: {  	v14 =	vadd.f32 v15, v18;
	v10 =	vadd.f32 v12, v23;
	v15 =	vnsel vm0, $0x3F800000, v33  }
0x108: {  	v17 =	vadd.f32 v9, v24;
	v9 =	vadd.f32 v16, v19;
	v12 =	vnsel vm1, $0x3F800000, v27  }
0x109: {  	s26 =	sadd.s32 $0x40, s26;
	v16 =	vadd.f32 v22, v11;
	v13 =	vadd.f32 v25, v13;
	v11 =	vnsel vm2, $0x3F800000, v34  }
0x10a: {  	v7 =	vadd.f32 v7, v3  }
0x10b: {  	v17 =	vmul.f32 v15, v17;
	v8 =	vadd.f32 v8, v2  }
0x10c: {  	v14 =	vmul.f32 v15, v14;
	v5 =	vadd.f32 v5, v2;
	[tilespmem:s23+$0xFFFFFFE0] =	vst v7  }
0x10d: {  	v6 =	vadd.f32 v6, v3;
	v52 =	vmul.f32 v12, v16;
	v53 =	vmul.f32 v17, v0;
	[tilespmem:s22+$0xFFFFFFF0] =	vst v8  }
0x10e: {  	v4 =	vadd.f32 v4, v3;
	v56 =	vmul.f32 v11, v13;
	v55 =	vmul.f32 v14, v1;
	[tilespmem:s22+$0x0] =	vst v5  }
0x10f: {  	v54 =	vmul.f32 v12, v10;
	[tilespmem:s23+$0xFFFFFFF0] =	vst v6;
	v7 =	vmul.f32 v52, v0;
	v57 =	vadd.f32 v53, v2  }
0x110: {  	v58 =	vmul.f32 v11, v9;
	[tilespmem:s23+$0x0] =	vst v4;
	v60 =	vmul.f32 v56, v0;
	v59 =	vadd.f32 v55, v3  }
0x111: {  	v8 =	vmul.f32 v54, v1;
	v61 =	vadd.f32 v7, v2;
	[tilespmem:s21+$0xFFFFFFE0] =	vst v57  }
0x112: {  	v62 =	vmul.f32 v58, v1;
	v0 =	vadd.f32 v60, v2;
	[tilespmem:s24+$0xFFFFFFE0] =	vst v59  }
0x113: {  	v63 =	vadd.f32 v8, v3;
	[tilespmem:s21+$0xFFFFFFF0] =	vst v61  }
0x114: {  	v1 =	vadd.f32 v62, v3;
	[tilespmem:s21+$0x0] =	vst v0  }
0x115: {  	[tilespmem:s24+$0xFFFFFFF0] =	vst v63  }
0x116: {  	[tilespmem:s24+$0x0] =	vst v1  }
0x117: {  	[hbm4b:s8+s3] =	stream.linear.scatter [tilespmem:s16], [sflag:$0x2], $0x400, $0x38;
	[tilespmem:$0x6400] =	vst v63  }
0x118: {  	s19 =	sadd.s32 $0x1, s19;
	_ =	swait.ge [sflag:s17], $0x400  }
0x119: {  	p0 =	sne.s32 s19, s10;
	[sflag:s17] =	ssyncset.done $0x0  }
.Ltmp1:
0x11a: {  	[sflag:s17] =	ssyncadd.s32 $0xFFFFFC00;
	(pc) =	sbr.rel @p0 .LBB2_1-.Ltmp1, $4  }
0x11b: {  	[hbm4b:s9+s3] =	stream.linear.scatter [tilespmem:s18], [sflag:$0x2], $0x400, $0x38;
	[tilespmem:$0x6400] =	vst v63  }
0x11c: {  	_ =	swait.ge [sflag:s17], $0x400  }
0x11d: {  	[sflag:s17] =	ssyncset.done $0x0  }
0x11e: {  	[sflag:s17] =	ssyncadd.s32 $0xFFFFFC00  }
0x11f: {  	_ =	sfence.sel $0x180000  }
0x120: {  	[bflag:$0x0] =	sbarrier.arrive $0xFFFF  }
0x121: {  	p0 =	sne.s32 s2, $0x0;
	_ =	strace $0x90000047  }
0x122: {  	s0 =	sadd.s32 @!p0 $0x100000, s0;
	[bflag:$0x2] =	sbarrier.arrive $0xFFFF  }
0x123: {  	[sflag:s0] =	ssyncadd.tile.s32 @!p0 $0x1;
	_ =	shalt  }
.Lfunc_end2:
_tile_overlayer_lowered:
.L_overlay_start_2:
0x124: {  	(tag) =	ssettag $0x2  }
0x125: {  	s0 =	rddreg [dreg:$0x0];
	s2 =	stileid.u32  }
0x126: {  	s1 =	rddreg [dreg:$0x1];
	p0 =	sne.s32 s2, $0x0  }
0x127: {  	s3 =	rddreg [dreg:$0x2];
	[bflag:$0x3] =	sbarrier.arrive $0xFFFF;
	s2 =	simm.s32 @!p0 $0x1C02  }
0x128: {  	[timem:s3], [sflag:s2] =	dma.local @!p0 [hbm:s0], s1  }
0x129: {  	s0 =	simm.s32 @!p0 $0x2  }
0x12a: {  	_ =	swait.ge @!p0 [sflag:s0], s1  }
0x12b: {  	s1 =	ssub.s32 @!p0 $0x0, s1;
	[sflag:s0] =	ssyncset.done @!p0 $0x0  }
0x12c: {  	[sflag:s0] =	ssyncadd.s32 @!p0 s1  }
0x12d: {  	[bflag:$0x3] =	sbarrier.arrive $0xFFFF  }
0x12e: {  	_ =	shalt  }

</sc_bundles>
